<compile_context>
chip_gen: v7x
topology: tpu7x:2x2x1
jax: 0.10.2.dev20260603
libtpu: 0.0.44.dev20260713+nightly
codegen_flags: <defaults>
</compile_context>

<pallas_src>
import functools

import jax
import jax.numpy as jnp
from jax import lax
from jax.experimental import pallas as pl
from jax.experimental.pallas import tpu as pltpu
from jax.experimental.pallas import tpu_sc as plsc

N = 20000
NUM_CLASSES = 1203
IOU_THRESHOLD = 0.5
MIN_CONFIDENCE = 0.2

NC = 2
NS = 16
NW = NC * NS
CAP = 2048
NCHUNK = CAP // 128
CAPP = CAP + 16
PTOT = N + CAP
DUMP = N
STARTS_PAD = 1232
CB_PAD = 48


def _sread(ref, i):
    return ref[pl.ds(i, 16)][0]


def _nms_body(x1h, y1h, x2h, y2h, sch, oih, sth, cbh, outh,
              vx1, vy1, vx2, vy2, vsc, voi, var, vsup, vidx, vval,
              vstarts, vcb, sem):
    c = lax.axis_index("c")
    s = lax.axis_index("s")
    w = s * NC + c

    pltpu.sync_copy(sth, vstarts)
    pltpu.sync_copy(cbh, vcb)

    c_lo = _sread(vcb, w)
    c_hi = _sread(vcb, w + 1)
    s_w = _sread(vstarts, c_lo)
    e_w = _sread(vstarts, c_hi)
    s_al = (s_w // 16) * 16
    e_loc = jnp.minimum(e_w - s_al, CAP)

    stage = [pltpu.async_copy(hbm.at[pl.ds(s_al, CAP)], vm.at[pl.ds(0, CAP)], sem)
             for hbm, vm in ((x1h, vx1), (y1h, vy1), (x2h, vx2), (y2h, vy2),
                             (sch, vsc), (oih, voi))]
    for cp in stage:
        cp.wait()

    lane = lax.iota(jnp.int32, 16)

    def init_chunk(k, _):
        sl = pl.ds(k * 16, 16)
        x1 = vx1[sl]
        y1 = vy1[sl]
        x2 = vx2[sl]
        y2 = vy2[sl]
        var[sl] = (x2 - x1) * (y2 - y1)
        vsup[sl] = jnp.zeros((16,), jnp.float32)
        gpos = s_al + k * 16 + lane
        owned = (gpos >= s_w) & (gpos < e_w)
        midx = jnp.where(owned, voi[sl], DUMP + w * CAP + k * 16 + lane)
        vidx[k // 8, pl.ds((k % 8) * 16, 16)] = midx
        return 0

    lax.fori_loop(0, CAP // 16, init_chunk, 0)

    def class_body(cc, _):
        ce = jnp.minimum(_sread(vstarts, cc + 1) - s_al, CAP)
        ckn = (ce + 15) // 16

        def i_body(i, _):
            supi = _sread(vsup, i)
            sci = _sread(vsc, i)

            @pl.when((supi < 0.5) & (sci > MIN_CONFIDENCE))
            def _():
                bx1 = jnp.full((16,), _sread(vx1, i))
                by1 = jnp.full((16,), _sread(vy1, i))
                bx2 = jnp.full((16,), _sread(vx2, i))
                by2 = jnp.full((16,), _sread(vy2, i))
                ai = jnp.full((16,), _sread(var, i))

                def j_body(ck, _):
                    sl = pl.ds(ck * 16, 16)
                    jv = ck * 16 + lane
                    ix1 = jnp.maximum(bx1, vx1[sl])
                    iy1 = jnp.maximum(by1, vy1[sl])
                    ix2 = jnp.minimum(bx2, vx2[sl])
                    iy2 = jnp.minimum(by2, vy2[sl])
                    inter = jnp.maximum(ix2 - ix1, 0.0) * jnp.maximum(iy2 - iy1, 0.0)
                    iou = inter / (ai + var[sl] - inter + 1e-6)
                    hit = (iou > IOU_THRESHOLD) & (jv > i) & (jv < ce)
                    vsup[sl] = jnp.where(hit, 1.0, vsup[sl])
                    return 0

                lax.fori_loop((i + 1) // 16, ckn, j_body, 0)

            return 0

        cs = jnp.minimum(jnp.maximum(_sread(vstarts, cc) - s_al, 0), CAP)
        lax.fori_loop(cs, ce, i_body, 0)
        return 0

    lax.fori_loop(c_lo, c_hi, class_body, 0)

    def out_chunk(k, _):
        sl = pl.ds(k * 16, 16)
        keep = (vsup[sl] < 0.5) & (vsc[sl] > MIN_CONFIDENCE)
        vval[k // 8, pl.ds((k % 8) * 16, 16)] = jnp.where(keep, vsc[sl], 0.0)
        return 0

    lax.fori_loop(0, CAP // 16, out_chunk, 0)

    for r in range(NCHUNK):
        @pl.when(r * 128 < e_loc)
        def _():
            pltpu.async_copy(vval.at[r], outh.at[vidx.at[r]], sem)
    for r in range(NCHUNK):
        @pl.when(r * 128 < e_loc)
        def _():
            pltpu.make_async_copy(vval.at[r], outh.at[vidx.at[r]], sem).wait()


_sc_nms = functools.partial(
    pl.kernel,
    out_type=jax.ShapeDtypeStruct((N + NW * CAP,), jnp.float32),
    mesh=plsc.VectorSubcoreMesh(core_axis_name="c", subcore_axis_name="s"),
    scratch_types=[
        pltpu.VMEM((CAPP,), jnp.float32),
        pltpu.VMEM((CAPP,), jnp.float32),
        pltpu.VMEM((CAPP,), jnp.float32),
        pltpu.VMEM((CAPP,), jnp.float32),
        pltpu.VMEM((CAPP,), jnp.float32),
        pltpu.VMEM((CAPP,), jnp.int32),
        pltpu.VMEM((CAPP,), jnp.float32),
        pltpu.VMEM((CAPP,), jnp.float32),
        pltpu.VMEM((NCHUNK, 128), jnp.int32),
        pltpu.VMEM((NCHUNK, 128), jnp.float32),
        pltpu.VMEM((STARTS_PAD,), jnp.int32),
        pltpu.VMEM((CB_PAD,), jnp.int32),
        pltpu.SemaphoreType.DMA,
    ],
)(_nms_body)


@jax.jit
def kernel(boxes, scores, labels):
    labels = labels.astype(jnp.int32)
    offs = labels.astype(jnp.float32)[:, None] * 4096.0
    b = boxes + offs
    idx = jnp.arange(N, dtype=jnp.int32)
    sl_, sneg, soi, sx1, sy1, sx2, sy2 = lax.sort(
        (labels, -scores, idx, b[:, 0], b[:, 1], b[:, 2], b[:, 3]), num_keys=3)
    ssc = -sneg

    starts = jnp.searchsorted(
        sl_, jnp.arange(NUM_CLASSES + 1, dtype=jnp.int32)).astype(jnp.int32)
    targets = jnp.arange(NW + 1, dtype=jnp.int32) * (N // NW)
    cb = jnp.searchsorted(starts, targets).astype(jnp.int32)

    pad = lambda a: jnp.pad(a, (0, PTOT - N))
    starts_p = jnp.pad(starts, (0, STARTS_PAD - (NUM_CLASSES + 1)))
    cb_p = jnp.pad(cb, (0, CB_PAD - (NW + 1)))

    out = _sc_nms(pad(sx1), pad(sy1), pad(sx2), pad(sy2), pad(ssc), pad(soi),
                  starts_p, cb_p)
    return out[:N]

# --- scband reference (transcript-rebuilt; emitter-appended) ---
"""Pipeline reference for scband-owl-wrapper-82978768159630 (READ-ONLY COPY).

The authoritative reference and input builder live on the scoring server;
editing this copy changes nothing except your own understanding.
"""

import jax, jax.numpy as jnp
import numpy as np
from jax import lax

N = 20000
NUM_CLASSES = 1203
IOU_THRESHOLD = 0.5
MIN_CONFIDENCE = 0.2


def setup_inputs(seed: int = 0) -> dict:
    key = jax.random.key(seed)
    k1, k2, k3, k4 = jax.random.split(key, 4)
    # Valid x1y1x2y2 boxes in a ~1000px canvas (post-sigmoid pred_boxes scaled to image size)
    xy = jax.random.uniform(k1, (N, 2), dtype=jnp.float32) * 900.0
    wh = jax.random.uniform(k2, (N, 2), dtype=jnp.float32) * 120.0 + 4.0
    boxes = jnp.concatenate([xy, xy + wh], axis=1)
    scores = jax.random.uniform(k3, (N,), dtype=jnp.float32)
    labels = jax.random.randint(k4, (N,), 0, NUM_CLASSES).astype(jnp.int64)
    return {"boxes": boxes, "scores": scores, "labels": labels}


def _nms_keep_mask(boxes, scores, labels):
    # Per-class greedy NMS via the class-offset trick: shift each class's boxes
    # into a disjoint region so cross-class IoU is always 0 (faithful to
    # _per_class_nms which only suppresses within a class).
    n = boxes.shape[0]
    offset = labels.astype(jnp.float32)[:, None] * 4096.0
    b = boxes + offset
    order = jnp.argsort(-scores)
    bs = lax.stop_gradient(b[order])
    ss = lax.stop_gradient(scores[order])
    areas = (bs[:, 2] - bs[:, 0]) * (bs[:, 3] - bs[:, 1])
    idx = jnp.arange(n)

    def body(i, suppressed):
        bi = bs[i]
        ix1 = jnp.maximum(bi[0], bs[:, 0])
        iy1 = jnp.maximum(bi[1], bs[:, 1])
        ix2 = jnp.minimum(bi[2], bs[:, 2])
        iy2 = jnp.minimum(bi[3], bs[:, 3])
        inter = jnp.maximum(ix2 - ix1, 0.0) * jnp.maximum(iy2 - iy1, 0.0)
        iou = inter / (areas[i] + areas - inter + 1e-6)
        new_sup = (iou > IOU_THRESHOLD) & (idx > i)
        new_sup = jnp.where(suppressed[i], jnp.zeros_like(new_sup), new_sup)
        return suppressed | new_sup

    suppressed = lax.fori_loop(0, n, body, jnp.zeros(n, dtype=bool))
    keep_sorted = (~suppressed) & (ss > MIN_CONFIDENCE)
    keep = jnp.zeros(n, dtype=bool).at[order].set(keep_sorted)
    return keep


def reference(boxes, scores, labels):
    keep = lax.stop_gradient(_nms_keep_mask(boxes, scores, labels))
    kept_scores = scores * keep.astype(scores.dtype)
    return kept_scores

if __name__ == "__main__":
    import jax
    _d = setup_inputs()
    print(jax.jit(kernel)(*tuple(_d.values())))

</pallas_src>

<mosaic_0001>
#map = affine_map<(d0, d1) -> (0)>
module attributes {stable_mosaic.version = 14 : i64} {
  func.func @_nms_body(%arg0: i32, %arg1: i32, %arg2: memref<22048xf32, #tpu.memory_space<hbm>>, %arg3: memref<22048xf32, #tpu.memory_space<hbm>>, %arg4: memref<22048xf32, #tpu.memory_space<hbm>>, %arg5: memref<22048xf32, #tpu.memory_space<hbm>>, %arg6: memref<22048xf32, #tpu.memory_space<hbm>>, %arg7: memref<22048xi32, #tpu.memory_space<hbm>>, %arg8: memref<1232xi32, #tpu.memory_space<hbm>>, %arg9: memref<48xi32, #tpu.memory_space<hbm>>, %arg10: memref<85536xf32, #tpu.memory_space<hbm>>, %arg11: memref<2064xf32, #tpu.memory_space<vmem>>, %arg12: memref<2064xf32, #tpu.memory_space<vmem>>, %arg13: memref<2064xf32, #tpu.memory_space<vmem>>, %arg14: memref<2064xf32, #tpu.memory_space<vmem>>, %arg15: memref<2064xf32, #tpu.memory_space<vmem>>, %arg16: memref<2064xi32, #tpu.memory_space<vmem>>, %arg17: memref<2064xf32, #tpu.memory_space<vmem>>, %arg18: memref<2064xf32, #tpu.memory_space<vmem>>, %arg19: memref<16x128xi32, #tpu.memory_space<vmem>>, %arg20: memref<16x128xf32, #tpu.memory_space<vmem>>, %arg21: memref<1232xi32, #tpu.memory_space<vmem>>, %arg22: memref<48xi32, #tpu.memory_space<vmem>>, %arg23: memref<!tpu.dma_semaphore, #tpu.memory_space<semaphore_mem>>) attributes {dimension_semantics = [#tpu.dimension_semantics<core_parallel>, #tpu.dimension_semantics<subcore_parallel>], iteration_bounds = array<i64: 2, 16>, scalar_prefetch = 0 : i64, scratch_operands = 13 : i64, tpu.core_type = #tpu.core_type<sc_vector_subcore>, window_params = [{transform_indices = #map}, {transform_indices = #map}, {transform_indices = #map}, {transform_indices = #map}, {transform_indices = #map}, {transform_indices = #map}, {transform_indices = #map}, {transform_indices = #map}, {transform_indices = #map}]} {
    %mul3A = arith.constant 2 : i32
    %mul3A_0 = arith.muli %arg1, %mul3A : i32
    %add3A = arith.addi %mul3A_0, %arg0 : i32
    "tpu.region"() ({
      %run_scoped3A = tpu.sem_alloc : memref<!tpu.dma_semaphore, #tpu.memory_space<semaphore_mem>>
      tpu.enqueue_dma source(%arg8 : memref<1232xi32, #tpu.memory_space<hbm>>) target(%arg21 : memref<1232xi32, #tpu.memory_space<vmem>>) target_semaphore(%run_scoped3A : memref<!tpu.dma_semaphore, #tpu.memory_space<semaphore_mem>>)
      tpu.wait_dma2 semaphore(%run_scoped3A : memref<!tpu.dma_semaphore, #tpu.memory_space<semaphore_mem>>) src(%arg8 : memref<1232xi32, #tpu.memory_space<hbm>>) dst(%arg21 : memref<1232xi32, #tpu.memory_space<vmem>>)
      tpu.yield
    }) : () -> ()
    "tpu.region"() ({
      %run_scoped3A = tpu.sem_alloc : memref<!tpu.dma_semaphore, #tpu.memory_space<semaphore_mem>>
      tpu.enqueue_dma source(%arg9 : memref<48xi32, #tpu.memory_space<hbm>>) target(%arg22 : memref<48xi32, #tpu.memory_space<vmem>>) target_semaphore(%run_scoped3A : memref<!tpu.dma_semaphore, #tpu.memory_space<semaphore_mem>>)
      tpu.wait_dma2 semaphore(%run_scoped3A : memref<!tpu.dma_semaphore, #tpu.memory_space<semaphore_mem>>) src(%arg9 : memref<48xi32, #tpu.memory_space<hbm>>) dst(%arg22 : memref<48xi32, #tpu.memory_space<vmem>>)
      tpu.yield
    }) : () -> ()
    %get3A = arith.index_cast %add3A : i32 to index
    %get3A_1 = tpu.vector_load %arg22[%get3A] {strides = array<i32>} : memref<48xi32, #tpu.memory_space<vmem>>, vector<16xi32>,
    %get3A_2 = vector.shape_cast %get3A_1 : vector<16xi32> to vector<16xi32>
    %slice3A = vector.extract_strided_slice %get3A_2 {offsets = [0], sizes = [1], strides = [1]} : vector<16xi32> to vector<1xi32>
    %squeeze3A = vector.extract %slice3A[0] : i32 from vector<1xi32>
    %add3A_3 = arith.constant 1 : i32
    %add3A_4 = arith.addi %add3A, %add3A_3 : i32
    %get3A_5 = arith.index_cast %add3A_4 : i32 to index
    %get3A_6 = tpu.vector_load %arg22[%get3A_5] {strides = array<i32>} : memref<48xi32, #tpu.memory_space<vmem>>, vector<16xi32>,
    %get3A_7 = vector.shape_cast %get3A_6 : vector<16xi32> to vector<16xi32>
    %slice3A_8 = vector.extract_strided_slice %get3A_7 {offsets = [0], sizes = [1], strides = [1]} : vector<16xi32> to vector<1xi32>
    %squeeze3A_9 = vector.extract %slice3A_8[0] : i32 from vector<1xi32>
    %get3A_10 = arith.index_cast %squeeze3A : i32 to index
    %get3A_11 = tpu.vector_load %arg21[%get3A_10] {strides = array<i32>} : memref<1232xi32, #tpu.memory_space<vmem>>, vector<16xi32>,
    %get3A_12 = vector.shape_cast %get3A_11 : vector<16xi32> to vector<16xi32>
    %slice3A_13 = vector.extract_strided_slice %get3A_12 {offsets = [0], sizes = [1], strides = [1]} : vector<16xi32> to vector<1xi32>
    %squeeze3A_14 = vector.extract %slice3A_13[0] : i32 from vector<1xi32>
    %get3A_15 = arith.index_cast %squeeze3A_9 : i32 to index
    %get3A_16 = tpu.vector_load %arg21[%get3A_15] {strides = array<i32>} : memref<1232xi32, #tpu.memory_space<vmem>>, vector<16xi32>,
    %get3A_17 = vector.shape_cast %get3A_16 : vector<16xi32> to vector<16xi32>
    %slice3A_18 = vector.extract_strided_slice %get3A_17 {offsets = [0], sizes = [1], strides = [1]} : vector<16xi32> to vector<1xi32>
    %squeeze3A_19 = vector.extract %slice3A_18[0] : i32 from vector<1xi32>
    %jit3A = arith.constant 16 : i32
    %div3A = arith.divsi %squeeze3A_14, %jit3A : i32
    %sign3A = arith.constant 0 : i32
    %sign3A_20 = arith.cmpi sgt, %squeeze3A_14, %sign3A : i32
    %sign3A_21 = arith.extui %sign3A_20 : i1 to i32
    %sign3A_22 = arith.constant 0 : i32
    %sign3A_23 = arith.cmpi slt, %squeeze3A_14, %sign3A_22 : i32
    %sign3A_24 = arith.extui %sign3A_23 : i1 to i32
    %sign3A_25 = arith.subi %sign3A_21, %sign3A_24 : i32
    %sign3A_26 = arith.constant 0 : i32
    %sign3A_27 = arith.cmpi sgt, %jit3A, %sign3A_26 : i32
    %sign3A_28 = arith.extui %sign3A_27 : i1 to i32
    %sign3A_29 = arith.constant 0 : i32
    %sign3A_30 = arith.cmpi slt, %jit3A, %sign3A_29 : i32
    %sign3A_31 = arith.extui %sign3A_30 : i1 to i32
    %sign3A_32 = arith.subi %sign3A_28, %sign3A_31 : i32
    %ne3A = arith.cmpi ne, %sign3A_25, %sign3A_32 : i32
    %rem3A = arith.remsi %squeeze3A_14, %jit3A : i32
    %ne3A_33 = arith.constant 0 : i32
    %ne3A_34 = arith.cmpi ne, %rem3A, %ne3A_33 : i32
    %and3A = arith.andi %ne3A, %ne3A_34 : i1
    %sub3A = arith.constant 1 : i32
    %sub3A_35 = arith.subi %div3A, %sub3A : i32
    %select_n3A = arith.select %and3A, %sub3A_35, %div3A : i32
    %mul3A_36 = arith.constant 16 : i32
    %mul3A_37 = arith.muli %select_n3A, %mul3A_36 : i32
    %sub3A_38 = arith.subi %squeeze3A_19, %mul3A_37 : i32
    %min3A = arith.constant 2048 : i32
    %min3A_39 = arith.minsi %sub3A_38, %min3A : i32
    %dma_start3A = arith.constant 0 : i32
    %dma_start3A_40 = tpu.memref_slice %arg11[%dma_start3A] : memref<2064xf32, #tpu.memory_space<vmem>> -> memref<2048xf32, #tpu.memory_space<vmem>>
    %dma_start3A_41 = tpu.memref_slice %arg2[%mul3A_37] : memref<22048xf32, #tpu.memory_space<hbm>> -> memref<2048xf32, #tpu.memory_space<hbm>>
    %dma_start3A_42 = arith.constant 0 : i32
    %dma_start3A_43 = tpu.memref_slice %arg11[%dma_start3A_42] : memref<2064xf32, #tpu.memory_space<vmem>> -> memref<2048xf32, #tpu.memory_space<vmem>>
    %dma_start3A_44 = tpu.memref_slice %arg2[%mul3A_37] : memref<22048xf32, #tpu.memory_space<hbm>> -> memref<2048xf32, #tpu.memory_space<hbm>>
    tpu.enqueue_dma source(%dma_start3A_44 : memref<2048xf32, #tpu.memory_space<hbm>>) target(%dma_start3A_43 : memref<2048xf32, #tpu.memory_space<vmem>>) target_semaphore(%arg23 : memref<!tpu.dma_semaphore, #tpu.memory_space<semaphore_mem>>)
    %dma_start3A_45 = arith.constant 0 : i32
    %dma_start3A_46 = tpu.memref_slice %arg12[%dma_start3A_45] : memref<2064xf32, #tpu.memory_space<vmem>> -> memref<2048xf32, #tpu.memory_space<vmem>>
    %dma_start3A_47 = tpu.memref_slice %arg3[%mul3A_37] : memref<22048xf32, #tpu.memory_space<hbm>> -> memref<2048xf32, #tpu.memory_space<hbm>>
    %dma_start3A_48 = arith.constant 0 : i32
    %dma_start3A_49 = tpu.memref_slice %arg12[%dma_start3A_48] : memref<2064xf32, #tpu.memory_space<vmem>> -> memref<2048xf32, #tpu.memory_space<vmem>>
    %dma_start3A_50 = tpu.memref_slice %arg3[%mul3A_37] : memref<22048xf32, #tpu.memory_space<hbm>> -> memref<2048xf32, #tpu.memory_space<hbm>>
    tpu.enqueue_dma source(%dma_start3A_50 : memref<2048xf32, #tpu.memory_space<hbm>>) target(%dma_start3A_49 : memref<2048xf32, #tpu.memory_space<vmem>>) target_semaphore(%arg23 : memref<!tpu.dma_semaphore, #tpu.memory_space<semaphore_mem>>)
    %dma_start3A_51 = arith.constant 0 : i32
    %dma_start3A_52 = tpu.memref_slice %arg13[%dma_start3A_51] : memref<2064xf32, #tpu.memory_space<vmem>> -> memref<2048xf32, #tpu.memory_space<vmem>>
    %dma_start3A_53 = tpu.memref_slice %arg4[%mul3A_37] : memref<22048xf32, #tpu.memory_space<hbm>> -> memref<2048xf32, #tpu.memory_space<hbm>>
    %dma_start3A_54 = arith.constant 0 : i32
    %dma_start3A_55 = tpu.memref_slice %arg13[%dma_start3A_54] : memref<2064xf32, #tpu.memory_space<vmem>> -> memref<2048xf32, #tpu.memory_space<vmem>>
    %dma_start3A_56 = tpu.memref_slice %arg4[%mul3A_37] : memref<22048xf32, #tpu.memory_space<hbm>> -> memref<2048xf32, #tpu.memory_space<hbm>>
    tpu.enqueue_dma source(%dma_start3A_56 : memref<2048xf32, #tpu.memory_space<hbm>>) target(%dma_start3A_55 : memref<2048xf32, #tpu.memory_space<vmem>>) target_semaphore(%arg23 : memref<!tpu.dma_semaphore, #tpu.memory_space<semaphore_mem>>)
    %dma_start3A_57 = arith.constant 0 : i32
    %dma_start3A_58 = tpu.memref_slice %arg14[%dma_start3A_57] : memref<2064xf32, #tpu.memory_space<vmem>> -> memref<2048xf32, #tpu.memory_space<vmem>>
    %dma_start3A_59 = tpu.memref_slice %arg5[%mul3A_37] : memref<22048xf32, #tpu.memory_space<hbm>> -> memref<2048xf32, #tpu.memory_space<hbm>>
    %dma_start3A_60 = arith.constant 0 : i32
    %dma_start3A_61 = tpu.memref_slice %arg14[%dma_start3A_60] : memref<2064xf32, #tpu.memory_space<vmem>> -> memref<2048xf32, #tpu.memory_space<vmem>>
    %dma_start3A_62 = tpu.memref_slice %arg5[%mul3A_37] : memref<22048xf32, #tpu.memory_space<hbm>> -> memref<2048xf32, #tpu.memory_space<hbm>>
    tpu.enqueue_dma source(%dma_start3A_62 : memref<2048xf32, #tpu.memory_space<hbm>>) target(%dma_start3A_61 : memref<2048xf32, #tpu.memory_space<vmem>>) target_semaphore(%arg23 : memref<!tpu.dma_semaphore, #tpu.memory_space<semaphore_mem>>)
    %dma_start3A_63 = arith.constant 0 : i32
    %dma_start3A_64 = tpu.memref_slice %arg15[%dma_start3A_63] : memref<2064xf32, #tpu.memory_space<vmem>> -> memref<2048xf32, #tpu.memory_space<vmem>>
    %dma_start3A_65 = tpu.memref_slice %arg6[%mul3A_37] : memref<22048xf32, #tpu.memory_space<hbm>> -> memref<2048xf32, #tpu.memory_space<hbm>>
    %dma_start3A_66 = arith.constant 0 : i32
    %dma_start3A_67 = tpu.memref_slice %arg15[%dma_start3A_66] : memref<2064xf32, #tpu.memory_space<vmem>> -> memref<2048xf32, #tpu.memory_space<vmem>>
    %dma_start3A_68 = tpu.memref_slice %arg6[%mul3A_37] : memref<22048xf32, #tpu.memory_space<hbm>> -> memref<2048xf32, #tpu.memory_space<hbm>>
    tpu.enqueue_dma source(%dma_start3A_68 : memref<2048xf32, #tpu.memory_space<hbm>>) target(%dma_start3A_67 : memref<2048xf32, #tpu.memory_space<vmem>>) target_semaphore(%arg23 : memref<!tpu.dma_semaphore, #tpu.memory_space<semaphore_mem>>)
    %dma_start3A_69 = arith.constant 0 : i32
    %dma_start3A_70 = tpu.memref_slice %arg16[%dma_start3A_69] : memref<2064xi32, #tpu.memory_space<vmem>> -> memref<2048xi32, #tpu.memory_space<vmem>>
    %dma_start3A_71 = tpu.memref_slice %arg7[%mul3A_37] : memref<22048xi32, #tpu.memory_space<hbm>> -> memref<2048xi32, #tpu.memory_space<hbm>>
    %dma_start3A_72 = arith.constant 0 : i32
    %dma_start3A_73 = tpu.memref_slice %arg16[%dma_start3A_72] : memref<2064xi32, #tpu.memory_space<vmem>> -> memref<2048xi32, #tpu.memory_space<vmem>>
    %dma_start3A_74 = tpu.memref_slice %arg7[%mul3A_37] : memref<22048xi32, #tpu.memory_space<hbm>> -> memref<2048xi32, #tpu.memory_space<hbm>>
    tpu.enqueue_dma source(%dma_start3A_74 : memref<2048xi32, #tpu.memory_space<hbm>>) target(%dma_start3A_73 : memref<2048xi32, #tpu.memory_space<vmem>>) target_semaphore(%arg23 : memref<!tpu.dma_semaphore, #tpu.memory_space<semaphore_mem>>)
    %dma_wait3A = arith.constant 0 : i32
    %dma_wait3A_75 = tpu.memref_slice %arg11[%dma_wait3A] : memref<2064xf32, #tpu.memory_space<vmem>> -> memref<2048xf32, #tpu.memory_space<vmem>>
    %dma_wait3A_76 = tpu.memref_slice %arg2[%mul3A_37] : memref<22048xf32, #tpu.memory_space<hbm>> -> memref<2048xf32, #tpu.memory_space<hbm>>
    %dma_wait3A_77 = arith.constant 0 : i32
    %dma_wait3A_78 = tpu.memref_slice %arg11[%dma_wait3A_77] : memref<2064xf32, #tpu.memory_space<vmem>> -> memref<2048xf32, #tpu.memory_space<vmem>>
    %dma_wait3A_79 = tpu.memref_slice %arg2[%mul3A_37] : memref<22048xf32, #tpu.memory_space<hbm>> -> memref<2048xf32, #tpu.memory_space<hbm>>
    tpu.wait_dma2 semaphore(%arg23 : memref<!tpu.dma_semaphore, #tpu.memory_space<semaphore_mem>>) src(%dma_wait3A_79 : memref<2048xf32, #tpu.memory_space<hbm>>) dst(%dma_wait3A_78 : memref<2048xf32, #tpu.memory_space<vmem>>)
    %dma_wait3A_80 = arith.constant 0 : i32
    %dma_wait3A_81 = tpu.memref_slice %arg12[%dma_wait3A_80] : memref<2064xf32, #tpu.memory_space<vmem>> -> memref<2048xf32, #tpu.memory_space<vmem>>
    %dma_wait3A_82 = tpu.memref_slice %arg3[%mul3A_37] : memref<22048xf32, #tpu.memory_space<hbm>> -> memref<2048xf32, #tpu.memory_space<hbm>>
    %dma_wait3A_83 = arith.constant 0 : i32
    %dma_wait3A_84 = tpu.memref_slice %arg12[%dma_wait3A_83] : memref<2064xf32, #tpu.memory_space<vmem>> -> memref<2048xf32, #tpu.memory_space<vmem>>
    %dma_wait3A_85 = tpu.memref_slice %arg3[%mul3A_37] : memref<22048xf32, #tpu.memory_space<hbm>> -> memref<2048xf32, #tpu.memory_space<hbm>>
    tpu.wait_dma2 semaphore(%arg23 : memref<!tpu.dma_semaphore, #tpu.memory_space<semaphore_mem>>) src(%dma_wait3A_85 : memref<2048xf32, #tpu.memory_space<hbm>>) dst(%dma_wait3A_84 : memref<2048xf32, #tpu.memory_space<vmem>>)
    %dma_wait3A_86 = arith.constant 0 : i32
    %dma_wait3A_87 = tpu.memref_slice %arg13[%dma_wait3A_86] : memref<2064xf32, #tpu.memory_space<vmem>> -> memref<2048xf32, #tpu.memory_space<vmem>>
    %dma_wait3A_88 = tpu.memref_slice %arg4[%mul3A_37] : memref<22048xf32, #tpu.memory_space<hbm>> -> memref<2048xf32, #tpu.memory_space<hbm>>
    %dma_wait3A_89 = arith.constant 0 : i32
    %dma_wait3A_90 = tpu.memref_slice %arg13[%dma_wait3A_89] : memref<2064xf32, #tpu.memory_space<vmem>> -> memref<2048xf32, #tpu.memory_space<vmem>>
    %dma_wait3A_91 = tpu.memref_slice %arg4[%mul3A_37] : memref<22048xf32, #tpu.memory_space<hbm>> -> memref<2048xf32, #tpu.memory_space<hbm>>
    tpu.wait_dma2 semaphore(%arg23 : memref<!tpu.dma_semaphore, #tpu.memory_space<semaphore_mem>>) src(%dma_wait3A_91 : memref<2048xf32, #tpu.memory_space<hbm>>) dst(%dma_wait3A_90 : memref<2048xf32, #tpu.memory_space<vmem>>)
    %dma_wait3A_92 = arith.constant 0 : i32
    %dma_wait3A_93 = tpu.memref_slice %arg14[%dma_wait3A_92] : memref<2064xf32, #tpu.memory_space<vmem>> -> memref<2048xf32, #tpu.memory_space<vmem>>
    %dma_wait3A_94 = tpu.memref_slice %arg5[%mul3A_37] : memref<22048xf32, #tpu.memory_space<hbm>> -> memref<2048xf32, #tpu.memory_space<hbm>>
    %dma_wait3A_95 = arith.constant 0 : i32
    %dma_wait3A_96 = tpu.memref_slice %arg14[%dma_wait3A_95] : memref<2064xf32, #tpu.memory_space<vmem>> -> memref<2048xf32, #tpu.memory_space<vmem>>
    %dma_wait3A_97 = tpu.memref_slice %arg5[%mul3A_37] : memref<22048xf32, #tpu.memory_space<hbm>> -> memref<2048xf32, #tpu.memory_space<hbm>>
    tpu.wait_dma2 semaphore(%arg23 : memref<!tpu.dma_semaphore, #tpu.memory_space<semaphore_mem>>) src(%dma_wait3A_97 : memref<2048xf32, #tpu.memory_space<hbm>>) dst(%dma_wait3A_96 : memref<2048xf32, #tpu.memory_space<vmem>>)
    %dma_wait3A_98 = arith.constant 0 : i32
    %dma_wait3A_99 = tpu.memref_slice %arg15[%dma_wait3A_98] : memref<2064xf32, #tpu.memory_space<vmem>> -> memref<2048xf32, #tpu.memory_space<vmem>>
    %dma_wait3A_100 = tpu.memref_slice %arg6[%mul3A_37] : memref<22048xf32, #tpu.memory_space<hbm>> -> memref<2048xf32, #tpu.memory_space<hbm>>
    %dma_wait3A_101 = arith.constant 0 : i32
    %dma_wait3A_102 = tpu.memref_slice %arg15[%dma_wait3A_101] : memref<2064xf32, #tpu.memory_space<vmem>> -> memref<2048xf32, #tpu.memory_space<vmem>>
    %dma_wait3A_103 = tpu.memref_slice %arg6[%mul3A_37] : memref<22048xf32, #tpu.memory_space<hbm>> -> memref<2048xf32, #tpu.memory_space<hbm>>
    tpu.wait_dma2 semaphore(%arg23 : memref<!tpu.dma_semaphore, #tpu.memory_space<semaphore_mem>>) src(%dma_wait3A_103 : memref<2048xf32, #tpu.memory_space<hbm>>) dst(%dma_wait3A_102 : memref<2048xf32, #tpu.memory_space<vmem>>)
    %dma_wait3A_104 = arith.constant 0 : i32
    %dma_wait3A_105 = tpu.memref_slice %arg16[%dma_wait3A_104] : memref<2064xi32, #tpu.memory_space<vmem>> -> memref<2048xi32, #tpu.memory_space<vmem>>
    %dma_wait3A_106 = tpu.memref_slice %arg7[%mul3A_37] : memref<22048xi32, #tpu.memory_space<hbm>> -> memref<2048xi32, #tpu.memory_space<hbm>>
    %dma_wait3A_107 = arith.constant 0 : i32
    %dma_wait3A_108 = tpu.memref_slice %arg16[%dma_wait3A_107] : memref<2064xi32, #tpu.memory_space<vmem>> -> memref<2048xi32, #tpu.memory_space<vmem>>
    %dma_wait3A_109 = tpu.memref_slice %arg7[%mul3A_37] : memref<22048xi32, #tpu.memory_space<hbm>> -> memref<2048xi32, #tpu.memory_space<hbm>>
    tpu.wait_dma2 semaphore(%arg23 : memref<!tpu.dma_semaphore, #tpu.memory_space<semaphore_mem>>) src(%dma_wait3A_109 : memref<2048xi32, #tpu.memory_space<hbm>>) dst(%dma_wait3A_108 : memref<2048xi32, #tpu.memory_space<vmem>>)
    %iota3A = tpu.iota {dimensions = array<i32: 0>} : vector<16xi32>
    %scan3A = arith.constant 0 : i32
    %scan3A_110 = arith.constant 0 : i32
    %scan3A_111 = arith.constant 128 : i32
    %scan3A_112 = arith.addi %scan3A_110, %scan3A_111 : i32
    %scan3A_113 = arith.constant 1 : i32
    %scan3A_114 = scf.for %scan3A_290 = %scan3A_110 to %scan3A_112 step %scan3A_113 iter_args(%scan3A_291 = %scan3A) -> (i32)  : i32 {
      %mul3A_292 = arith.constant 16 : i32
      %mul3A_293 = arith.muli %scan3A_290, %mul3A_292 : i32
      %get3A_294 = arith.index_cast %mul3A_293 : i32 to index
      %get3A_295 = tpu.vector_load %arg11[%get3A_294] {strides = array<i32>} : memref<2064xf32, #tpu.memory_space<vmem>>, vector<16xf32>,
      %get3A_296 = vector.shape_cast %get3A_295 : vector<16xf32> to vector<16xf32>
      %get3A_297 = arith.index_cast %mul3A_293 : i32 to index
      %get3A_298 = tpu.vector_load %arg12[%get3A_297] {strides = array<i32>} : memref<2064xf32, #tpu.memory_space<vmem>>, vector<16xf32>,
      %get3A_299 = vector.shape_cast %get3A_298 : vector<16xf32> to vector<16xf32>
      %get3A_300 = arith.index_cast %mul3A_293 : i32 to index
      %get3A_301 = tpu.vector_load %arg13[%get3A_300] {strides = array<i32>} : memref<2064xf32, #tpu.memory_space<vmem>>, vector<16xf32>,
      %get3A_302 = vector.shape_cast %get3A_301 : vector<16xf32> to vector<16xf32>
      %get3A_303 = arith.index_cast %mul3A_293 : i32 to index
      %get3A_304 = tpu.vector_load %arg14[%get3A_303] {strides = array<i32>} : memref<2064xf32, #tpu.memory_space<vmem>>, vector<16xf32>,
      %get3A_305 = vector.shape_cast %get3A_304 : vector<16xf32> to vector<16xf32>
      %sub3A_306 = arith.subf %get3A_302, %get3A_296 : vector<16xf32>
      %sub3A_307 = arith.subf %get3A_305, %get3A_299 : vector<16xf32>
      %mul3A_308 = arith.mulf %sub3A_306, %sub3A_307 : vector<16xf32>
      %swap3A = arith.index_cast %mul3A_293 : i32 to index
      %swap3A_309 = tpu.vector_load %arg17[%swap3A] {strides = array<i32>} : memref<2064xf32, #tpu.memory_space<vmem>>, vector<16xf32>,
      %swap3A_310 = vector.shape_cast %swap3A_309 : vector<16xf32> to vector<16xf32>
      %swap3A_311 = vector.shape_cast %mul3A_308 : vector<16xf32> to vector<16xf32>
      tpu.vector_store %arg17[%swap3A], %swap3A_311 {strides = array<i32>} : memref<2064xf32, #tpu.memory_space<vmem>>, vector<16xf32>,
      %broadcast_in_dim3A = arith.constant 0.000000e+00 : f32
      %broadcast_in_dim3A_312 = vector.broadcast %broadcast_in_dim3A : f32 to vector<16xf32>
      %swap3A_313 = arith.index_cast %mul3A_293 : i32 to index
      %swap3A_314 = tpu.vector_load %arg18[%swap3A_313] {strides = array<i32>} : memref<2064xf32, #tpu.memory_space<vmem>>, vector<16xf32>,
      %swap3A_315 = vector.shape_cast %swap3A_314 : vector<16xf32> to vector<16xf32>
      %swap3A_316 = vector.shape_cast %broadcast_in_dim3A_312 : vector<16xf32> to vector<16xf32>
      tpu.vector_store %arg18[%swap3A_313], %swap3A_316 {strides = array<i32>} : memref<2064xf32, #tpu.memory_space<vmem>>, vector<16xf32>,
      %mul3A_317 = arith.constant 16 : i32
      %mul3A_318 = arith.muli %scan3A_290, %mul3A_317 : i32
      %add3A_319 = arith.addi %mul3A_37, %mul3A_318 : i32
      %add3A_320 = vector.broadcast %add3A_319 : i32 to vector<16xi32>
      %add3A_321 = arith.addi %add3A_320, %iota3A : vector<16xi32>
      %ge3A = vector.broadcast %squeeze3A_14 : i32 to vector<16xi32>
      %ge3A_322 = arith.cmpi sge, %add3A_321, %ge3A : vector<16xi32>
      %lt3A = vector.broadcast %squeeze3A_19 : i32 to vector<16xi32>
      %lt3A_323 = arith.cmpi slt, %add3A_321, %lt3A : vector<16xi32>
      %and3A_324 = arith.andi %ge3A_322, %lt3A_323 : vector<16xi1>
      %get3A_325 = arith.index_cast %mul3A_293 : i32 to index
      %get3A_326 = tpu.vector_load %arg16[%get3A_325] {strides = array<i32>} : memref<2064xi32, #tpu.memory_space<vmem>>, vector<16xi32>,
      %get3A_327 = vector.shape_cast %get3A_326 : vector<16xi32> to vector<16xi32>
      %mul3A_328 = arith.constant 2048 : i32
      %mul3A_329 = arith.muli %add3A, %mul3A_328 : i32
      %add3A_330 = arith.constant 20000 : i32
      %add3A_331 = arith.addi %add3A_330, %mul3A_329 : i32
      %mul3A_332 = arith.constant 16 : i32
      %mul3A_333 = arith.muli %scan3A_290, %mul3A_332 : i32
      %add3A_334 = arith.addi %add3A_331, %mul3A_333 : i32
      %add3A_335 = vector.broadcast %add3A_334 : i32 to vector<16xi32>
      %add3A_336 = arith.addi %add3A_335, %iota3A : vector<16xi32>
      %select_n3A_337 = arith.select %and3A_324, %get3A_327, %add3A_336 : vector<16xi1>, vector<16xi32>
      %jit3A_338 = arith.constant 8 : i32
      %div3A_339 = arith.divsi %scan3A_290, %jit3A_338 : i32
      %sign3A_340 = arith.constant 0 : i32
      %sign3A_341 = arith.cmpi sgt, %scan3A_290, %sign3A_340 : i32
      %sign3A_342 = arith.extui %sign3A_341 : i1 to i32
      %sign3A_343 = arith.constant 0 : i32
      %sign3A_344 = arith.cmpi slt, %scan3A_290, %sign3A_343 : i32
      %sign3A_345 = arith.extui %sign3A_344 : i1 to i32
      %sign3A_346 = arith.subi %sign3A_342, %sign3A_345 : i32
      %sign3A_347 = arith.constant 0 : i32
      %sign3A_348 = arith.cmpi sgt, %jit3A_338, %sign3A_347 : i32
      %sign3A_349 = arith.extui %sign3A_348 : i1 to i32
      %sign3A_350 = arith.constant 0 : i32
      %sign3A_351 = arith.cmpi slt, %jit3A_338, %sign3A_350 : i32
      %sign3A_352 = arith.extui %sign3A_351 : i1 to i32
      %sign3A_353 = arith.subi %sign3A_349, %sign3A_352 : i32
      %ne3A_354 = arith.cmpi ne, %sign3A_346, %sign3A_353 : i32
      %rem3A_355 = arith.remsi %scan3A_290, %jit3A_338 : i32
      %ne3A_356 = arith.constant 0 : i32
      %ne3A_357 = arith.cmpi ne, %rem3A_355, %ne3A_356 : i32
      %and3A_358 = arith.andi %ne3A_354, %ne3A_357 : i1
      %sub3A_359 = arith.constant 1 : i32
      %sub3A_360 = arith.subi %div3A_339, %sub3A_359 : i32
      %select_n3A_361 = arith.select %and3A_358, %sub3A_360, %div3A_339 : i32
      %jit3A_362 = arith.constant 8 : i32
      %eq3A = arith.constant 0 : i32
      %eq3A_363 = arith.cmpi eq, %jit3A_362, %eq3A : i32
      %jit3A_364 = arith.constant 1 : i32
      %select_n3A_365 = arith.select %eq3A_363, %jit3A_364, %jit3A_362 : i32
      %rem3A_366 = arith.remsi %scan3A_290, %select_n3A_365 : i32
      %ne3A_367 = arith.constant 0 : i32
      %ne3A_368 = arith.cmpi ne, %rem3A_366, %ne3A_367 : i32
      %lt3A_369 = arith.constant 0 : i32
      %lt3A_370 = arith.cmpi slt, %rem3A_366, %lt3A_369 : i32
      %lt3A_371 = arith.constant 0 : i32
      %lt3A_372 = arith.cmpi slt, %select_n3A_365, %lt3A_371 : i32
      %ne3A_373 = arith.xori %lt3A_370, %lt3A_372 : i1
      %and3A_374 = arith.andi %ne3A_373, %ne3A_368 : i1
      %add3A_375 = arith.addi %rem3A_366, %select_n3A_365 : i32
      %select_n3A_376 = arith.select %and3A_374, %add3A_375, %rem3A_366 : i32
      %mul3A_377 = arith.constant 16 : i32
      %mul3A_378 = arith.muli %select_n3A_376, %mul3A_377 : i32
      %swap3A_379 = arith.index_cast %select_n3A_361 : i32 to index
      %swap3A_380 = arith.index_cast %mul3A_378 : i32 to index
      %swap3A_381 = tpu.vector_load %arg19[%swap3A_379, %swap3A_380] {strides = array<i32>} : memref<16x128xi32, #tpu.memory_space<vmem>>, vector<1x16xi32>,
      %swap3A_382 = vector.shape_cast %swap3A_381 : vector<1x16xi32> to vector<16xi32>
      %swap3A_383 = vector.shape_cast %select_n3A_337 : vector<16xi32> to vector<1x16xi32>
      tpu.vector_store %arg19[%swap3A_379, %swap3A_380], %swap3A_383 {strides = array<i32>} : memref<16x128xi32, #tpu.memory_space<vmem>>, vector<1x16xi32>,
      %scan3A_384 = arith.constant 0 : i32
      scf.yield %scan3A_384 : i32
    }
    %scan3A_115 = arith.constant 128 : i32
    %while3A = arith.constant 0 : i32
    %while3A_116 = arith.subi %squeeze3A_9, %squeeze3A : i32
    %while3A_117 = arith.addi %squeeze3A, %while3A_116 : i32
    %while3A_118 = arith.constant 1 : i32
    %while3A_119 = arith.divsi %while3A_116, %while3A_118 : i32
    %while3A_120 = arith.muli %while3A_119, %while3A_118 : i32
    %while3A_121 = arith.addi %squeeze3A, %while3A_120 : i32
    %while3A_122 = arith.constant 1 : i32
    %while3A_123 = scf.for %while3A_290 = %squeeze3A to %while3A_121 step %while3A_122 iter_args(%while3A_291 = %while3A) -> (i32)  : i32 {
      %add3A_292 = arith.constant 1 : i32
      %add3A_293 = arith.addi %while3A_290, %add3A_292 : i32
      %get3A_294 = arith.index_cast %add3A_293 : i32 to index
      %get3A_295 = tpu.vector_load %arg21[%get3A_294] {strides = array<i32>} : memref<1232xi32, #tpu.memory_space<vmem>>, vector<16xi32>,
      %get3A_296 = vector.shape_cast %get3A_295 : vector<16xi32> to vector<16xi32>
      %slice3A_297 = vector.extract_strided_slice %get3A_296 {offsets = [0], sizes = [1], strides = [1]} : vector<16xi32> to vector<1xi32>
      %squeeze3A_298 = vector.extract %slice3A_297[0] : i32 from vector<1xi32>
      %sub3A_299 = arith.subi %squeeze3A_298, %mul3A_37 : i32
      %min3A_300 = arith.constant 2048 : i32
      %min3A_301 = arith.minsi %sub3A_299, %min3A_300 : i32
      %add3A_302 = arith.constant 15 : i32
      %add3A_303 = arith.addi %min3A_301, %add3A_302 : i32
      %jit3A_304 = arith.constant 16 : i32
      %div3A_305 = arith.divsi %add3A_303, %jit3A_304 : i32
      %sign3A_306 = arith.constant 0 : i32
      %sign3A_307 = arith.cmpi sgt, %add3A_303, %sign3A_306 : i32
      %sign3A_308 = arith.extui %sign3A_307 : i1 to i32
      %sign3A_309 = arith.constant 0 : i32
      %sign3A_310 = arith.cmpi slt, %add3A_303, %sign3A_309 : i32
      %sign3A_311 = arith.extui %sign3A_310 : i1 to i32
      %sign3A_312 = arith.subi %sign3A_308, %sign3A_311 : i32
      %sign3A_313 = arith.constant 0 : i32
      %sign3A_314 = arith.cmpi sgt, %jit3A_304, %sign3A_313 : i32
      %sign3A_315 = arith.extui %sign3A_314 : i1 to i32
      %sign3A_316 = arith.constant 0 : i32
      %sign3A_317 = arith.cmpi slt, %jit3A_304, %sign3A_316 : i32
      %sign3A_318 = arith.extui %sign3A_317 : i1 to i32
      %sign3A_319 = arith.subi %sign3A_315, %sign3A_318 : i32
      %ne3A_320 = arith.cmpi ne, %sign3A_312, %sign3A_319 : i32
      %rem3A_321 = arith.remsi %add3A_303, %jit3A_304 : i32
      %ne3A_322 = arith.constant 0 : i32
      %ne3A_323 = arith.cmpi ne, %rem3A_321, %ne3A_322 : i32
      %and3A_324 = arith.andi %ne3A_320, %ne3A_323 : i1
      %sub3A_325 = arith.constant 1 : i32
      %sub3A_326 = arith.subi %div3A_305, %sub3A_325 : i32
      %select_n3A_327 = arith.select %and3A_324, %sub3A_326, %div3A_305 : i32
      %get3A_328 = arith.index_cast %while3A_290 : i32 to index
      %get3A_329 = tpu.vector_load %arg21[%get3A_328] {strides = array<i32>} : memref<1232xi32, #tpu.memory_space<vmem>>, vector<16xi32>,
      %get3A_330 = vector.shape_cast %get3A_329 : vector<16xi32> to vector<16xi32>
      %slice3A_331 = vector.extract_strided_slice %get3A_330 {offsets = [0], sizes = [1], strides = [1]} : vector<16xi32> to vector<1xi32>
      %squeeze3A_332 = vector.extract %slice3A_331[0] : i32 from vector<1xi32>
      %sub3A_333 = arith.subi %squeeze3A_332, %mul3A_37 : i32
      %max3A = arith.constant 0 : i32
      %max3A_334 = arith.maxsi %sub3A_333, %max3A : i32
      %min3A_335 = arith.constant 2048 : i32
      %min3A_336 = arith.minsi %max3A_334, %min3A_335 : i32
      %while3A_337 = arith.constant 0 : i32
      %while3A_338 = arith.subi %min3A_301, %min3A_336 : i32
      %while3A_339 = arith.addi %min3A_336, %while3A_338 : i32
      %while3A_340 = arith.constant 1 : i32
      %while3A_341 = arith.divsi %while3A_338, %while3A_340 : i32
      %while3A_342 = arith.muli %while3A_341, %while3A_340 : i32
      %while3A_343 = arith.addi %min3A_336, %while3A_342 : i32
      %while3A_344 = arith.constant 1 : i32
      %while3A_345 = scf.for %while3A_349 = %min3A_336 to %while3A_343 step %while3A_344 iter_args(%while3A_350 = %while3A_337) -> (i32)  : i32 {
        %get3A_351 = arith.index_cast %while3A_349 : i32 to index
        %get3A_352 = tpu.vector_load %arg18[%get3A_351] {strides = array<i32>} : memref<2064xf32, #tpu.memory_space<vmem>>, vector<16xf32>,
        %get3A_353 = vector.shape_cast %get3A_352 : vector<16xf32> to vector<16xf32>
        %slice3A_354 = vector.extract_strided_slice %get3A_353 {offsets = [0], sizes = [1], strides = [1]} : vector<16xf32> to vector<1xf32>
        %squeeze3A_355 = vector.extract %slice3A_354[0] : f32 from vector<1xf32>
        %get3A_356 = arith.index_cast %while3A_349 : i32 to index
        %get3A_357 = tpu.vector_load %arg15[%get3A_356] {strides = array<i32>} : memref<2064xf32, #tpu.memory_space<vmem>>, vector<16xf32>,
        %get3A_358 = vector.shape_cast %get3A_357 : vector<16xf32> to vector<16xf32>
        %slice3A_359 = vector.extract_strided_slice %get3A_358 {offsets = [0], sizes = [1], strides = [1]} : vector<16xf32> to vector<1xf32>
        %squeeze3A_360 = vector.extract %slice3A_359[0] : f32 from vector<1xf32>
        %lt3A = arith.constant 5.000000e-01 : f32
        %lt3A_361 = arith.cmpf olt, %squeeze3A_355, %lt3A : f32
        %gt3A_362 = arith.constant 2.000000e-01 : f32
        %gt3A_363 = arith.cmpf ogt, %squeeze3A_360, %gt3A_362 : f32
        %and3A_364 = arith.andi %lt3A_361, %gt3A_363 : i1
        %convert_element_type3A_365 = arith.extui %and3A_364 : i1 to i32
        %cond3A_366 = arith.constant 0 : i32
        %cond3A_367 = arith.cmpi ne, %convert_element_type3A_365, %cond3A_366 : i32
        scf.if %cond3A_367 {
          %get3A_369 = arith.index_cast %while3A_349 : i32 to index
          %get3A_370 = tpu.vector_load %arg11[%get3A_369] {strides = array<i32>} : memref<2064xf32, #tpu.memory_space<vmem>>, vector<16xf32>,
          %get3A_371 = vector.shape_cast %get3A_370 : vector<16xf32> to vector<16xf32>
          %slice3A_372 = vector.extract_strided_slice %get3A_371 {offsets = [0], sizes = [1], strides = [1]} : vector<16xf32> to vector<1xf32>
          %squeeze3A_373 = vector.extract %slice3A_372[0] : f32 from vector<1xf32>
          %broadcast_in_dim3A = vector.broadcast %squeeze3A_373 : f32 to vector<16xf32>
          %get3A_374 = arith.index_cast %while3A_349 : i32 to index
          %get3A_375 = tpu.vector_load %arg12[%get3A_374] {strides = array<i32>} : memref<2064xf32, #tpu.memory_space<vmem>>, vector<16xf32>,
          %get3A_376 = vector.shape_cast %get3A_375 : vector<16xf32> to vector<16xf32>
          %slice3A_377 = vector.extract_strided_slice %get3A_376 {offsets = [0], sizes = [1], strides = [1]} : vector<16xf32> to vector<1xf32>
          %squeeze3A_378 = vector.extract %slice3A_377[0] : f32 from vector<1xf32>
          %broadcast_in_dim3A_379 = vector.broadcast %squeeze3A_378 : f32 to vector<16xf32>
          %get3A_380 = arith.index_cast %while3A_349 : i32 to index
          %get3A_381 = tpu.vector_load %arg13[%get3A_380] {strides = array<i32>} : memref<2064xf32, #tpu.memory_space<vmem>>, vector<16xf32>,
          %get3A_382 = vector.shape_cast %get3A_381 : vector<16xf32> to vector<16xf32>
          %slice3A_383 = vector.extract_strided_slice %get3A_382 {offsets = [0], sizes = [1], strides = [1]} : vector<16xf32> to vector<1xf32>
          %squeeze3A_384 = vector.extract %slice3A_383[0] : f32 from vector<1xf32>
          %broadcast_in_dim3A_385 = vector.broadcast %squeeze3A_384 : f32 to vector<16xf32>
          %get3A_386 = arith.index_cast %while3A_349 : i32 to index
          %get3A_387 = tpu.vector_load %arg14[%get3A_386] {strides = array<i32>} : memref<2064xf32, #tpu.memory_space<vmem>>, vector<16xf32>,
          %get3A_388 = vector.shape_cast %get3A_387 : vector<16xf32> to vector<16xf32>
          %slice3A_389 = vector.extract_strided_slice %get3A_388 {offsets = [0], sizes = [1], strides = [1]} : vector<16xf32> to vector<1xf32>
          %squeeze3A_390 = vector.extract %slice3A_389[0] : f32 from vector<1xf32>
          %broadcast_in_dim3A_391 = vector.broadcast %squeeze3A_390 : f32 to vector<16xf32>
          %get3A_392 = arith.index_cast %while3A_349 : i32 to index
          %get3A_393 = tpu.vector_load %arg17[%get3A_392] {strides = array<i32>} : memref<2064xf32, #tpu.memory_space<vmem>>, vector<16xf32>,
          %get3A_394 = vector.shape_cast %get3A_393 : vector<16xf32> to vector<16xf32>
          %slice3A_395 = vector.extract_strided_slice %get3A_394 {offsets = [0], sizes = [1], strides = [1]} : vector<16xf32> to vector<1xf32>
          %squeeze3A_396 = vector.extract %slice3A_395[0] : f32 from vector<1xf32>
          %broadcast_in_dim3A_397 = vector.broadcast %squeeze3A_396 : f32 to vector<16xf32>
          %add3A_398 = arith.constant 1 : i32
          %add3A_399 = arith.addi %while3A_349, %add3A_398 : i32
          %jit3A_400 = arith.constant 16 : i32
          %div3A_401 = arith.divsi %add3A_399, %jit3A_400 : i32
          %sign3A_402 = arith.constant 0 : i32
          %sign3A_403 = arith.cmpi sgt, %add3A_399, %sign3A_402 : i32
          %sign3A_404 = arith.extui %sign3A_403 : i1 to i32
          %sign3A_405 = arith.constant 0 : i32
          %sign3A_406 = arith.cmpi slt, %add3A_399, %sign3A_405 : i32
          %sign3A_407 = arith.extui %sign3A_406 : i1 to i32
          %sign3A_408 = arith.subi %sign3A_404, %sign3A_407 : i32
          %sign3A_409 = arith.constant 0 : i32
          %sign3A_410 = arith.cmpi sgt, %jit3A_400, %sign3A_409 : i32
          %sign3A_411 = arith.extui %sign3A_410 : i1 to i32
          %sign3A_412 = arith.constant 0 : i32
          %sign3A_413 = arith.cmpi slt, %jit3A_400, %sign3A_412 : i32
          %sign3A_414 = arith.extui %sign3A_413 : i1 to i32
          %sign3A_415 = arith.subi %sign3A_411, %sign3A_414 : i32
          %ne3A_416 = arith.cmpi ne, %sign3A_408, %sign3A_415 : i32
          %rem3A_417 = arith.remsi %add3A_399, %jit3A_400 : i32
          %ne3A_418 = arith.constant 0 : i32
          %ne3A_419 = arith.cmpi ne, %rem3A_417, %ne3A_418 : i32
          %and3A_420 = arith.andi %ne3A_416, %ne3A_419 : i1
          %sub3A_421 = arith.constant 1 : i32
          %sub3A_422 = arith.subi %div3A_401, %sub3A_421 : i32
          %select_n3A_423 = arith.select %and3A_420, %sub3A_422, %div3A_401 : i32
          %while3A_424 = arith.constant 0 : i32
          %while3A_425 = arith.subi %select_n3A_327, %select_n3A_423 : i32
          %while3A_426 = arith.addi %select_n3A_423, %while3A_425 : i32
          %while3A_427 = arith.constant 1 : i32
          %while3A_428 = arith.divsi %while3A_425, %while3A_427 : i32
          %while3A_429 = arith.muli %while3A_428, %while3A_427 : i32
          %while3A_430 = arith.addi %select_n3A_423, %while3A_429 : i32
          %while3A_431 = arith.constant 1 : i32
          %while3A_432 = scf.for %while3A_435 = %select_n3A_423 to %while3A_430 step %while3A_431 iter_args(%while3A_436 = %while3A_424) -> (i32)  : i32 {
            %mul3A_437 = arith.constant 16 : i32
            %mul3A_438 = arith.muli %while3A_435, %mul3A_437 : i32
            %mul3A_439 = arith.constant 16 : i32
            %mul3A_440 = arith.muli %while3A_435, %mul3A_439 : i32
            %add3A_441 = vector.broadcast %mul3A_440 : i32 to vector<16xi32>
            %add3A_442 = arith.addi %add3A_441, %iota3A : vector<16xi32>
            %get3A_443 = arith.index_cast %mul3A_438 : i32 to index
            %get3A_444 = tpu.vector_load %arg11[%get3A_443] {strides = array<i32>} : memref<2064xf32, #tpu.memory_space<vmem>>, vector<16xf32>,
            %get3A_445 = vector.shape_cast %get3A_444 : vector<16xf32> to vector<16xf32>
            %max3A_446 = arith.maximumf %broadcast_in_dim3A, %get3A_445 : vector<16xf32>
            %get3A_447 = arith.index_cast %mul3A_438 : i32 to index
            %get3A_448 = tpu.vector_load %arg12[%get3A_447] {strides = array<i32>} : memref<2064xf32, #tpu.memory_space<vmem>>, vector<16xf32>,
            %get3A_449 = vector.shape_cast %get3A_448 : vector<16xf32> to vector<16xf32>
            %max3A_450 = arith.maximumf %broadcast_in_dim3A_379, %get3A_449 : vector<16xf32>
            %get3A_451 = arith.index_cast %mul3A_438 : i32 to index
            %get3A_452 = tpu.vector_load %arg13[%get3A_451] {strides = array<i32>} : memref<2064xf32, #tpu.memory_space<vmem>>, vector<16xf32>,
            %get3A_453 = vector.shape_cast %get3A_452 : vector<16xf32> to vector<16xf32>
            %min3A_454 = arith.minimumf %broadcast_in_dim3A_385, %get3A_453 : vector<16xf32>
            %get3A_455 = arith.index_cast %mul3A_438 : i32 to index
            %get3A_456 = tpu.vector_load %arg14[%get3A_455] {strides = array<i32>} : memref<2064xf32, #tpu.memory_space<vmem>>, vector<16xf32>,
            %get3A_457 = vector.shape_cast %get3A_456 : vector<16xf32> to vector<16xf32>
            %min3A_458 = arith.minimumf %broadcast_in_dim3A_391, %get3A_457 : vector<16xf32>
            %sub3A_459 = arith.subf %min3A_454, %max3A_446 : vector<16xf32>
            %max3A_460 = arith.constant 0.000000e+00 : f32
            %max3A_461 = vector.broadcast %max3A_460 : f32 to vector<16xf32>
            %max3A_462 = arith.maximumf %sub3A_459, %max3A_461 : vector<16xf32>
            %sub3A_463 = arith.subf %min3A_458, %max3A_450 : vector<16xf32>
            %max3A_464 = arith.constant 0.000000e+00 : f32
            %max3A_465 = vector.broadcast %max3A_464 : f32 to vector<16xf32>
            %max3A_466 = arith.maximumf %sub3A_463, %max3A_465 : vector<16xf32>
            %mul3A_467 = arith.mulf %max3A_462, %max3A_466 : vector<16xf32>
            %get3A_468 = arith.index_cast %mul3A_438 : i32 to index
            %get3A_469 = tpu.vector_load %arg17[%get3A_468] {strides = array<i32>} : memref<2064xf32, #tpu.memory_space<vmem>>, vector<16xf32>,
            %get3A_470 = vector.shape_cast %get3A_469 : vector<16xf32> to vector<16xf32>
            %add3A_471 = arith.addf %broadcast_in_dim3A_397, %get3A_470 : vector<16xf32>
            %sub3A_472 = arith.subf %add3A_471, %mul3A_467 : vector<16xf32>
            %add3A_473 = arith.constant 9.99999997E-7 : f32
            %add3A_474 = vector.broadcast %add3A_473 : f32 to vector<16xf32>
            %add3A_475 = arith.addf %sub3A_472, %add3A_474 : vector<16xf32>
            %div3A_476 = arith.divf %mul3A_467, %add3A_475 : vector<16xf32>
            %gt3A_477 = arith.constant 5.000000e-01 : f32
            %gt3A_478 = vector.broadcast %gt3A_477 : f32 to vector<16xf32>
            %gt3A_479 = arith.cmpf ogt, %div3A_476, %gt3A_478 : vector<16xf32>
            %gt3A_480 = vector.broadcast %while3A_349 : i32 to vector<16xi32>
            %gt3A_481 = arith.cmpi sgt, %add3A_442, %gt3A_480 : vector<16xi32>
            %and3A_482 = arith.andi %gt3A_479, %gt3A_481 : vector<16xi1>
            %lt3A_483 = vector.broadcast %min3A_301 : i32 to vector<16xi32>
            %lt3A_484 = arith.cmpi slt, %add3A_442, %lt3A_483 : vector<16xi32>
            %and3A_485 = arith.andi %and3A_482, %lt3A_484 : vector<16xi1>
            %get3A_486 = arith.index_cast %mul3A_438 : i32 to index
            %get3A_487 = tpu.vector_load %arg18[%get3A_486] {strides = array<i32>} : memref<2064xf32, #tpu.memory_space<vmem>>, vector<16xf32>,
            %get3A_488 = vector.shape_cast %get3A_487 : vector<16xf32> to vector<16xf32>
            %jit3A_489 = arith.constant 1.000000e+00 : f32
            %broadcast_in_dim3A_490 = vector.broadcast %jit3A_489 : f32 to vector<16xf32>
            %select_n3A_491 = arith.select %and3A_485, %broadcast_in_dim3A_490, %get3A_488 : vector<16xi1>, vector<16xf32>
            %swap3A = arith.index_cast %mul3A_438 : i32 to index
            %swap3A_492 = tpu.vector_load %arg18[%swap3A] {strides = array<i32>} : memref<2064xf32, #tpu.memory_space<vmem>>, vector<16xf32>,
            %swap3A_493 = vector.shape_cast %swap3A_492 : vector<16xf32> to vector<16xf32>
            %swap3A_494 = vector.shape_cast %select_n3A_491 : vector<16xf32> to vector<16xf32>
            tpu.vector_store %arg18[%swap3A], %swap3A_494 {strides = array<i32>} : memref<2064xf32, #tpu.memory_space<vmem>>, vector<16xf32>,
            %while3A_495 = arith.constant 0 : i32
            scf.yield %while3A_495 : i32
          }
          %while3A_433 = arith.constant 1 : i32
          %while3A_434 = scf.for %while3A_435 = %while3A_430 to %while3A_426 step %while3A_433 iter_args(%while3A_436 = %while3A_432) -> (i32)  : i32 {
            %mul3A_437 = arith.constant 16 : i32
            %mul3A_438 = arith.muli %while3A_435, %mul3A_437 : i32
            %mul3A_439 = arith.constant 16 : i32
            %mul3A_440 = arith.muli %while3A_435, %mul3A_439 : i32
            %add3A_441 = vector.broadcast %mul3A_440 : i32 to vector<16xi32>
            %add3A_442 = arith.addi %add3A_441, %iota3A : vector<16xi32>
            %get3A_443 = arith.index_cast %mul3A_438 : i32 to index
            %get3A_444 = tpu.vector_load %arg11[%get3A_443] {strides = array<i32>} : memref<2064xf32, #tpu.memory_space<vmem>>, vector<16xf32>,
            %get3A_445 = vector.shape_cast %get3A_444 : vector<16xf32> to vector<16xf32>
            %max3A_446 = arith.maximumf %broadcast_in_dim3A, %get3A_445 : vector<16xf32>
            %get3A_447 = arith.index_cast %mul3A_438 : i32 to index
            %get3A_448 = tpu.vector_load %arg12[%get3A_447] {strides = array<i32>} : memref<2064xf32, #tpu.memory_space<vmem>>, vector<16xf32>,
            %get3A_449 = vector.shape_cast %get3A_448 : vector<16xf32> to vector<16xf32>
            %max3A_450 = arith.maximumf %broadcast_in_dim3A_379, %get3A_449 : vector<16xf32>
            %get3A_451 = arith.index_cast %mul3A_438 : i32 to index
            %get3A_452 = tpu.vector_load %arg13[%get3A_451] {strides = array<i32>} : memref<2064xf32, #tpu.memory_space<vmem>>, vector<16xf32>,
            %get3A_453 = vector.shape_cast %get3A_452 : vector<16xf32> to vector<16xf32>
            %min3A_454 = arith.minimumf %broadcast_in_dim3A_385, %get3A_453 : vector<16xf32>
            %get3A_455 = arith.index_cast %mul3A_438 : i32 to index
            %get3A_456 = tpu.vector_load %arg14[%get3A_455] {strides = array<i32>} : memref<2064xf32, #tpu.memory_space<vmem>>, vector<16xf32>,
            %get3A_457 = vector.shape_cast %get3A_456 : vector<16xf32> to vector<16xf32>
            %min3A_458 = arith.minimumf %broadcast_in_dim3A_391, %get3A_457 : vector<16xf32>
            %sub3A_459 = arith.subf %min3A_454, %max3A_446 : vector<16xf32>
            %max3A_460 = arith.constant 0.000000e+00 : f32
            %max3A_461 = vector.broadcast %max3A_460 : f32 to vector<16xf32>
            %max3A_462 = arith.maximumf %sub3A_459, %max3A_461 : vector<16xf32>
            %sub3A_463 = arith.subf %min3A_458, %max3A_450 : vector<16xf32>
            %max3A_464 = arith.constant 0.000000e+00 : f32
            %max3A_465 = vector.broadcast %max3A_464 : f32 to vector<16xf32>
            %max3A_466 = arith.maximumf %sub3A_463, %max3A_465 : vector<16xf32>
            %mul3A_467 = arith.mulf %max3A_462, %max3A_466 : vector<16xf32>
            %get3A_468 = arith.index_cast %mul3A_438 : i32 to index
            %get3A_469 = tpu.vector_load %arg17[%get3A_468] {strides = array<i32>} : memref<2064xf32, #tpu.memory_space<vmem>>, vector<16xf32>,
            %get3A_470 = vector.shape_cast %get3A_469 : vector<16xf32> to vector<16xf32>
            %add3A_471 = arith.addf %broadcast_in_dim3A_397, %get3A_470 : vector<16xf32>
            %sub3A_472 = arith.subf %add3A_471, %mul3A_467 : vector<16xf32>
            %add3A_473 = arith.constant 9.99999997E-7 : f32
            %add3A_474 = vector.broadcast %add3A_473 : f32 to vector<16xf32>
            %add3A_475 = arith.addf %sub3A_472, %add3A_474 : vector<16xf32>
            %div3A_476 = arith.divf %mul3A_467, %add3A_475 : vector<16xf32>
            %gt3A_477 = arith.constant 5.000000e-01 : f32
            %gt3A_478 = vector.broadcast %gt3A_477 : f32 to vector<16xf32>
            %gt3A_479 = arith.cmpf ogt, %div3A_476, %gt3A_478 : vector<16xf32>
            %gt3A_480 = vector.broadcast %while3A_349 : i32 to vector<16xi32>
            %gt3A_481 = arith.cmpi sgt, %add3A_442, %gt3A_480 : vector<16xi32>
            %and3A_482 = arith.andi %gt3A_479, %gt3A_481 : vector<16xi1>
            %lt3A_483 = vector.broadcast %min3A_301 : i32 to vector<16xi32>
            %lt3A_484 = arith.cmpi slt, %add3A_442, %lt3A_483 : vector<16xi32>
            %and3A_485 = arith.andi %and3A_482, %lt3A_484 : vector<16xi1>
            %get3A_486 = arith.index_cast %mul3A_438 : i32 to index
            %get3A_487 = tpu.vector_load %arg18[%get3A_486] {strides = array<i32>} : memref<2064xf32, #tpu.memory_space<vmem>>, vector<16xf32>,
            %get3A_488 = vector.shape_cast %get3A_487 : vector<16xf32> to vector<16xf32>
            %jit3A_489 = arith.constant 1.000000e+00 : f32
            %broadcast_in_dim3A_490 = vector.broadcast %jit3A_489 : f32 to vector<16xf32>
            %select_n3A_491 = arith.select %and3A_485, %broadcast_in_dim3A_490, %get3A_488 : vector<16xi1>, vector<16xf32>
            %swap3A = arith.index_cast %mul3A_438 : i32 to index
            %swap3A_492 = tpu.vector_load %arg18[%swap3A] {strides = array<i32>} : memref<2064xf32, #tpu.memory_space<vmem>>, vector<16xf32>,
            %swap3A_493 = vector.shape_cast %swap3A_492 : vector<16xf32> to vector<16xf32>
            %swap3A_494 = vector.shape_cast %select_n3A_491 : vector<16xf32> to vector<16xf32>
            tpu.vector_store %arg18[%swap3A], %swap3A_494 {strides = array<i32>} : memref<2064xf32, #tpu.memory_space<vmem>>, vector<16xf32>,
            %while3A_495 = arith.constant 0 : i32
            scf.yield %while3A_495 : i32
          }
        } else {
        }
        %while3A_368 = arith.constant 0 : i32
        scf.yield %while3A_368 : i32
      }
      %while3A_346 = arith.constant 1 : i32
      %while3A_347 = scf.for %while3A_349 = %while3A_343 to %while3A_339 step %while3A_346 iter_args(%while3A_350 = %while3A_345) -> (i32)  : i32 {
        %get3A_351 = arith.index_cast %while3A_349 : i32 to index
        %get3A_352 = tpu.vector_load %arg18[%get3A_351] {strides = array<i32>} : memref<2064xf32, #tpu.memory_space<vmem>>, vector<16xf32>,
        %get3A_353 = vector.shape_cast %get3A_352 : vector<16xf32> to vector<16xf32>
        %slice3A_354 = vector.extract_strided_slice %get3A_353 {offsets = [0], sizes = [1], strides = [1]} : vector<16xf32> to vector<1xf32>
        %squeeze3A_355 = vector.extract %slice3A_354[0] : f32 from vector<1xf32>
        %get3A_356 = arith.index_cast %while3A_349 : i32 to index
        %get3A_357 = tpu.vector_load %arg15[%get3A_356] {strides = array<i32>} : memref<2064xf32, #tpu.memory_space<vmem>>, vector<16xf32>,
        %get3A_358 = vector.shape_cast %get3A_357 : vector<16xf32> to vector<16xf32>
        %slice3A_359 = vector.extract_strided_slice %get3A_358 {offsets = [0], sizes = [1], strides = [1]} : vector<16xf32> to vector<1xf32>
        %squeeze3A_360 = vector.extract %slice3A_359[0] : f32 from vector<1xf32>
        %lt3A = arith.constant 5.000000e-01 : f32
        %lt3A_361 = arith.cmpf olt, %squeeze3A_355, %lt3A : f32
        %gt3A_362 = arith.constant 2.000000e-01 : f32
        %gt3A_363 = arith.cmpf ogt, %squeeze3A_360, %gt3A_362 : f32
        %and3A_364 = arith.andi %lt3A_361, %gt3A_363 : i1
        %convert_element_type3A_365 = arith.extui %and3A_364 : i1 to i32
        %cond3A_366 = arith.constant 0 : i32
        %cond3A_367 = arith.cmpi ne, %convert_element_type3A_365, %cond3A_366 : i32
        scf.if %cond3A_367 {
          %get3A_369 = arith.index_cast %while3A_349 : i32 to index
          %get3A_370 = tpu.vector_load %arg11[%get3A_369] {strides = array<i32>} : memref<2064xf32, #tpu.memory_space<vmem>>, vector<16xf32>,
          %get3A_371 = vector.shape_cast %get3A_370 : vector<16xf32> to vector<16xf32>
          %slice3A_372 = vector.extract_strided_slice %get3A_371 {offsets = [0], sizes = [1], strides = [1]} : vector<16xf32> to vector<1xf32>
          %squeeze3A_373 = vector.extract %slice3A_372[0] : f32 from vector<1xf32>
          %broadcast_in_dim3A = vector.broadcast %squeeze3A_373 : f32 to vector<16xf32>
          %get3A_374 = arith.index_cast %while3A_349 : i32 to index
          %get3A_375 = tpu.vector_load %arg12[%get3A_374] {strides = array<i32>} : memref<2064xf32, #tpu.memory_space<vmem>>, vector<16xf32>,
          %get3A_376 = vector.shape_cast %get3A_375 : vector<16xf32> to vector<16xf32>
          %slice3A_377 = vector.extract_strided_slice %get3A_376 {offsets = [0], sizes = [1], strides = [1]} : vector<16xf32> to vector<1xf32>
          %squeeze3A_378 = vector.extract %slice3A_377[0] : f32 from vector<1xf32>
          %broadcast_in_dim3A_379 = vector.broadcast %squeeze3A_378 : f32 to vector<16xf32>
          %get3A_380 = arith.index_cast %while3A_349 : i32 to index
          %get3A_381 = tpu.vector_load %arg13[%get3A_380] {strides = array<i32>} : memref<2064xf32, #tpu.memory_space<vmem>>, vector<16xf32>,
          %get3A_382 = vector.shape_cast %get3A_381 : vector<16xf32> to vector<16xf32>
          %slice3A_383 = vector.extract_strided_slice %get3A_382 {offsets = [0], sizes = [1], strides = [1]} : vector<16xf32> to vector<1xf32>
          %squeeze3A_384 = vector.extract %slice3A_383[0] : f32 from vector<1xf32>
          %broadcast_in_dim3A_385 = vector.broadcast %squeeze3A_384 : f32 to vector<16xf32>
          %get3A_386 = arith.index_cast %while3A_349 : i32 to index
          %get3A_387 = tpu.vector_load %arg14[%get3A_386] {strides = array<i32>} : memref<2064xf32, #tpu.memory_space<vmem>>, vector<16xf32>,
          %get3A_388 = vector.shape_cast %get3A_387 : vector<16xf32> to vector<16xf32>
          %slice3A_389 = vector.extract_strided_slice %get3A_388 {offsets = [0], sizes = [1], strides = [1]} : vector<16xf32> to vector<1xf32>
          %squeeze3A_390 = vector.extract %slice3A_389[0] : f32 from vector<1xf32>
          %broadcast_in_dim3A_391 = vector.broadcast %squeeze3A_390 : f32 to vector<16xf32>
          %get3A_392 = arith.index_cast %while3A_349 : i32 to index
          %get3A_393 = tpu.vector_load %arg17[%get3A_392] {strides = array<i32>} : memref<2064xf32, #tpu.memory_space<vmem>>, vector<16xf32>,
          %get3A_394 = vector.shape_cast %get3A_393 : vector<16xf32> to vector<16xf32>
          %slice3A_395 = vector.extract_strided_slice %get3A_394 {offsets = [0], sizes = [1], strides = [1]} : vector<16xf32> to vector<1xf32>
          %squeeze3A_396 = vector.extract %slice3A_395[0] : f32 from vector<1xf32>
          %broadcast_in_dim3A_397 = vector.broadcast %squeeze3A_396 : f32 to vector<16xf32>
          %add3A_398 = arith.constant 1 : i32
          %add3A_399 = arith.addi %while3A_349, %add3A_398 : i32
          %jit3A_400 = arith.constant 16 : i32
          %div3A_401 = arith.divsi %add3A_399, %jit3A_400 : i32
          %sign3A_402 = arith.constant 0 : i32
          %sign3A_403 = arith.cmpi sgt, %add3A_399, %sign3A_402 : i32
          %sign3A_404 = arith.extui %sign3A_403 : i1 to i32
          %sign3A_405 = arith.constant 0 : i32
          %sign3A_406 = arith.cmpi slt, %add3A_399, %sign3A_405 : i32
          %sign3A_407 = arith.extui %sign3A_406 : i1 to i32
          %sign3A_408 = arith.subi %sign3A_404, %sign3A_407 : i32
          %sign3A_409 = arith.constant 0 : i32
          %sign3A_410 = arith.cmpi sgt, %jit3A_400, %sign3A_409 : i32
          %sign3A_411 = arith.extui %sign3A_410 : i1 to i32
          %sign3A_412 = arith.constant 0 : i32
          %sign3A_413 = arith.cmpi slt, %jit3A_400, %sign3A_412 : i32
          %sign3A_414 = arith.extui %sign3A_413 : i1 to i32
          %sign3A_415 = arith.subi %sign3A_411, %sign3A_414 : i32
          %ne3A_416 = arith.cmpi ne, %sign3A_408, %sign3A_415 : i32
          %rem3A_417 = arith.remsi %add3A_399, %jit3A_400 : i32
          %ne3A_418 = arith.constant 0 : i32
          %ne3A_419 = arith.cmpi ne, %rem3A_417, %ne3A_418 : i32
          %and3A_420 = arith.andi %ne3A_416, %ne3A_419 : i1
          %sub3A_421 = arith.constant 1 : i32
          %sub3A_422 = arith.subi %div3A_401, %sub3A_421 : i32
          %select_n3A_423 = arith.select %and3A_420, %sub3A_422, %div3A_401 : i32
          %while3A_424 = arith.constant 0 : i32
          %while3A_425 = arith.subi %select_n3A_327, %select_n3A_423 : i32
          %while3A_426 = arith.addi %select_n3A_423, %while3A_425 : i32
          %while3A_427 = arith.constant 1 : i32
          %while3A_428 = arith.divsi %while3A_425, %while3A_427 : i32
          %while3A_429 = arith.muli %while3A_428, %while3A_427 : i32
          %while3A_430 = arith.addi %select_n3A_423, %while3A_429 : i32
          %while3A_431 = arith.constant 1 : i32
          %while3A_432 = scf.for %while3A_435 = %select_n3A_423 to %while3A_430 step %while3A_431 iter_args(%while3A_436 = %while3A_424) -> (i32)  : i32 {
            %mul3A_437 = arith.constant 16 : i32
            %mul3A_438 = arith.muli %while3A_435, %mul3A_437 : i32
            %mul3A_439 = arith.constant 16 : i32
            %mul3A_440 = arith.muli %while3A_435, %mul3A_439 : i32
            %add3A_441 = vector.broadcast %mul3A_440 : i32 to vector<16xi32>
            %add3A_442 = arith.addi %add3A_441, %iota3A : vector<16xi32>
            %get3A_443 = arith.index_cast %mul3A_438 : i32 to index
            %get3A_444 = tpu.vector_load %arg11[%get3A_443] {strides = array<i32>} : memref<2064xf32, #tpu.memory_space<vmem>>, vector<16xf32>,
            %get3A_445 = vector.shape_cast %get3A_444 : vector<16xf32> to vector<16xf32>
            %max3A_446 = arith.maximumf %broadcast_in_dim3A, %get3A_445 : vector<16xf32>
            %get3A_447 = arith.index_cast %mul3A_438 : i32 to index
            %get3A_448 = tpu.vector_load %arg12[%get3A_447] {strides = array<i32>} : memref<2064xf32, #tpu.memory_space<vmem>>, vector<16xf32>,
            %get3A_449 = vector.shape_cast %get3A_448 : vector<16xf32> to vector<16xf32>
            %max3A_450 = arith.maximumf %broadcast_in_dim3A_379, %get3A_449 : vector<16xf32>
            %get3A_451 = arith.index_cast %mul3A_438 : i32 to index
            %get3A_452 = tpu.vector_load %arg13[%get3A_451] {strides = array<i32>} : memref<2064xf32, #tpu.memory_space<vmem>>, vector<16xf32>,
            %get3A_453 = vector.shape_cast %get3A_452 : vector<16xf32> to vector<16xf32>
            %min3A_454 = arith.minimumf %broadcast_in_dim3A_385, %get3A_453 : vector<16xf32>
            %get3A_455 = arith.index_cast %mul3A_438 : i32 to index
            %get3A_456 = tpu.vector_load %arg14[%get3A_455] {strides = array<i32>} : memref<2064xf32, #tpu.memory_space<vmem>>, vector<16xf32>,
            %get3A_457 = vector.shape_cast %get3A_456 : vector<16xf32> to vector<16xf32>
            %min3A_458 = arith.minimumf %broadcast_in_dim3A_391, %get3A_457 : vector<16xf32>
            %sub3A_459 = arith.subf %min3A_454, %max3A_446 : vector<16xf32>
            %max3A_460 = arith.constant 0.000000e+00 : f32
            %max3A_461 = vector.broadcast %max3A_460 : f32 to vector<16xf32>
            %max3A_462 = arith.maximumf %sub3A_459, %max3A_461 : vector<16xf32>
            %sub3A_463 = arith.subf %min3A_458, %max3A_450 : vector<16xf32>
            %max3A_464 = arith.constant 0.000000e+00 : f32
            %max3A_465 = vector.broadcast %max3A_464 : f32 to vector<16xf32>
            %max3A_466 = arith.maximumf %sub3A_463, %max3A_465 : vector<16xf32>
            %mul3A_467 = arith.mulf %max3A_462, %max3A_466 : vector<16xf32>
            %get3A_468 = arith.index_cast %mul3A_438 : i32 to index
            %get3A_469 = tpu.vector_load %arg17[%get3A_468] {strides = array<i32>} : memref<2064xf32, #tpu.memory_space<vmem>>, vector<16xf32>,
            %get3A_470 = vector.shape_cast %get3A_469 : vector<16xf32> to vector<16xf32>
            %add3A_471 = arith.addf %broadcast_in_dim3A_397, %get3A_470 : vector<16xf32>
            %sub3A_472 = arith.subf %add3A_471, %mul3A_467 : vector<16xf32>
            %add3A_473 = arith.constant 9.99999997E-7 : f32
            %add3A_474 = vector.broadcast %add3A_473 : f32 to vector<16xf32>
            %add3A_475 = arith.addf %sub3A_472, %add3A_474 : vector<16xf32>
            %div3A_476 = arith.divf %mul3A_467, %add3A_475 : vector<16xf32>
            %gt3A_477 = arith.constant 5.000000e-01 : f32
            %gt3A_478 = vector.broadcast %gt3A_477 : f32 to vector<16xf32>
            %gt3A_479 = arith.cmpf ogt, %div3A_476, %gt3A_478 : vector<16xf32>
            %gt3A_480 = vector.broadcast %while3A_349 : i32 to vector<16xi32>
            %gt3A_481 = arith.cmpi sgt, %add3A_442, %gt3A_480 : vector<16xi32>
            %and3A_482 = arith.andi %gt3A_479, %gt3A_481 : vector<16xi1>
            %lt3A_483 = vector.broadcast %min3A_301 : i32 to vector<16xi32>
            %lt3A_484 = arith.cmpi slt, %add3A_442, %lt3A_483 : vector<16xi32>
            %and3A_485 = arith.andi %and3A_482, %lt3A_484 : vector<16xi1>
            %get3A_486 = arith.index_cast %mul3A_438 : i32 to index
            %get3A_487 = tpu.vector_load %arg18[%get3A_486] {strides = array<i32>} : memref<2064xf32, #tpu.memory_space<vmem>>, vector<16xf32>,
            %get3A_488 = vector.shape_cast %get3A_487 : vector<16xf32> to vector<16xf32>
            %jit3A_489 = arith.constant 1.000000e+00 : f32
            %broadcast_in_dim3A_490 = vector.broadcast %jit3A_489 : f32 to vector<16xf32>
            %select_n3A_491 = arith.select %and3A_485, %broadcast_in_dim3A_490, %get3A_488 : vector<16xi1>, vector<16xf32>
            %swap3A = arith.index_cast %mul3A_438 : i32 to index
            %swap3A_492 = tpu.vector_load %arg18[%swap3A] {strides = array<i32>} : memref<2064xf32, #tpu.memory_space<vmem>>, vector<16xf32>,
            %swap3A_493 = vector.shape_cast %swap3A_492 : vector<16xf32> to vector<16xf32>
            %swap3A_494 = vector.shape_cast %select_n3A_491 : vector<16xf32> to vector<16xf32>
            tpu.vector_store %arg18[%swap3A], %swap3A_494 {strides = array<i32>} : memref<2064xf32, #tpu.memory_space<vmem>>, vector<16xf32>,
            %while3A_495 = arith.constant 0 : i32
            scf.yield %while3A_495 : i32
          }
          %while3A_433 = arith.constant 1 : i32
          %while3A_434 = scf.for %while3A_435 = %while3A_430 to %while3A_426 step %while3A_433 iter_args(%while3A_436 = %while3A_432) -> (i32)  : i32 {
            %mul3A_437 = arith.constant 16 : i32
            %mul3A_438 = arith.muli %while3A_435, %mul3A_437 : i32
            %mul3A_439 = arith.constant 16 : i32
            %mul3A_440 = arith.muli %while3A_435, %mul3A_439 : i32
            %add3A_441 = vector.broadcast %mul3A_440 : i32 to vector<16xi32>
            %add3A_442 = arith.addi %add3A_441, %iota3A : vector<16xi32>
            %get3A_443 = arith.index_cast %mul3A_438 : i32 to index
            %get3A_444 = tpu.vector_load %arg11[%get3A_443] {strides = array<i32>} : memref<2064xf32, #tpu.memory_space<vmem>>, vector<16xf32>,
            %get3A_445 = vector.shape_cast %get3A_444 : vector<16xf32> to vector<16xf32>
            %max3A_446 = arith.maximumf %broadcast_in_dim3A, %get3A_445 : vector<16xf32>
            %get3A_447 = arith.index_cast %mul3A_438 : i32 to index
            %get3A_448 = tpu.vector_load %arg12[%get3A_447] {strides = array<i32>} : memref<2064xf32, #tpu.memory_space<vmem>>, vector<16xf32>,
            %get3A_449 = vector.shape_cast %get3A_448 : vector<16xf32> to vector<16xf32>
            %max3A_450 = arith.maximumf %broadcast_in_dim3A_379, %get3A_449 : vector<16xf32>
            %get3A_451 = arith.index_cast %mul3A_438 : i32 to index
            %get3A_452 = tpu.vector_load %arg13[%get3A_451] {strides = array<i32>} : memref<2064xf32, #tpu.memory_space<vmem>>, vector<16xf32>,
            %get3A_453 = vector.shape_cast %get3A_452 : vector<16xf32> to vector<16xf32>
            %min3A_454 = arith.minimumf %broadcast_in_dim3A_385, %get3A_453 : vector<16xf32>
            %get3A_455 = arith.index_cast %mul3A_438 : i32 to index
            %get3A_456 = tpu.vector_load %arg14[%get3A_455] {strides = array<i32>} : memref<2064xf32, #tpu.memory_space<vmem>>, vector<16xf32>,
            %get3A_457 = vector.shape_cast %get3A_456 : vector<16xf32> to vector<16xf32>
            %min3A_458 = arith.minimumf %broadcast_in_dim3A_391, %get3A_457 : vector<16xf32>
            %sub3A_459 = arith.subf %min3A_454, %max3A_446 : vector<16xf32>
            %max3A_460 = arith.constant 0.000000e+00 : f32
            %max3A_461 = vector.broadcast %max3A_460 : f32 to vector<16xf32>
            %max3A_462 = arith.maximumf %sub3A_459, %max3A_461 : vector<16xf32>
            %sub3A_463 = arith.subf %min3A_458, %max3A_450 : vector<16xf32>
            %max3A_464 = arith.constant 0.000000e+00 : f32
            %max3A_465 = vector.broadcast %max3A_464 : f32 to vector<16xf32>
            %max3A_466 = arith.maximumf %sub3A_463, %max3A_465 : vector<16xf32>
            %mul3A_467 = arith.mulf %max3A_462, %max3A_466 : vector<16xf32>
            %get3A_468 = arith.index_cast %mul3A_438 : i32 to index
            %get3A_469 = tpu.vector_load %arg17[%get3A_468] {strides = array<i32>} : memref<2064xf32, #tpu.memory_space<vmem>>, vector<16xf32>,
            %get3A_470 = vector.shape_cast %get3A_469 : vector<16xf32> to vector<16xf32>
            %add3A_471 = arith.addf %broadcast_in_dim3A_397, %get3A_470 : vector<16xf32>
            %sub3A_472 = arith.subf %add3A_471, %mul3A_467 : vector<16xf32>
            %add3A_473 = arith.constant 9.99999997E-7 : f32
            %add3A_474 = vector.broadcast %add3A_473 : f32 to vector<16xf32>
            %add3A_475 = arith.addf %sub3A_472, %add3A_474 : vector<16xf32>
            %div3A_476 = arith.divf %mul3A_467, %add3A_475 : vector<16xf32>
            %gt3A_477 = arith.constant 5.000000e-01 : f32
            %gt3A_478 = vector.broadcast %gt3A_477 : f32 to vector<16xf32>
            %gt3A_479 = arith.cmpf ogt, %div3A_476, %gt3A_478 : vector<16xf32>
            %gt3A_480 = vector.broadcast %while3A_349 : i32 to vector<16xi32>
            %gt3A_481 = arith.cmpi sgt, %add3A_442, %gt3A_480 : vector<16xi32>
            %and3A_482 = arith.andi %gt3A_479, %gt3A_481 : vector<16xi1>
            %lt3A_483 = vector.broadcast %min3A_301 : i32 to vector<16xi32>
            %lt3A_484 = arith.cmpi slt, %add3A_442, %lt3A_483 : vector<16xi32>
            %and3A_485 = arith.andi %and3A_482, %lt3A_484 : vector<16xi1>
            %get3A_486 = arith.index_cast %mul3A_438 : i32 to index
            %get3A_487 = tpu.vector_load %arg18[%get3A_486] {strides = array<i32>} : memref<2064xf32, #tpu.memory_space<vmem>>, vector<16xf32>,
            %get3A_488 = vector.shape_cast %get3A_487 : vector<16xf32> to vector<16xf32>
            %jit3A_489 = arith.constant 1.000000e+00 : f32
            %broadcast_in_dim3A_490 = vector.broadcast %jit3A_489 : f32 to vector<16xf32>
            %select_n3A_491 = arith.select %and3A_485, %broadcast_in_dim3A_490, %get3A_488 : vector<16xi1>, vector<16xf32>
            %swap3A = arith.index_cast %mul3A_438 : i32 to index
            %swap3A_492 = tpu.vector_load %arg18[%swap3A] {strides = array<i32>} : memref<2064xf32, #tpu.memory_space<vmem>>, vector<16xf32>,
            %swap3A_493 = vector.shape_cast %swap3A_492 : vector<16xf32> to vector<16xf32>
            %swap3A_494 = vector.shape_cast %select_n3A_491 : vector<16xf32> to vector<16xf32>
            tpu.vector_store %arg18[%swap3A], %swap3A_494 {strides = array<i32>} : memref<2064xf32, #tpu.memory_space<vmem>>, vector<16xf32>,
            %while3A_495 = arith.constant 0 : i32
            scf.yield %while3A_495 : i32
          }
        } else {
        }
        %while3A_368 = arith.constant 0 : i32
        scf.yield %while3A_368 : i32
      }
      %while3A_348 = arith.constant 0 : i32
      scf.yield %while3A_348 : i32
    }
    %while3A_124 = arith.constant 1 : i32
    %while3A_125 = scf.for %while3A_290 = %while3A_121 to %while3A_117 step %while3A_124 iter_args(%while3A_291 = %while3A_123) -> (i32)  : i32 {
      %add3A_292 = arith.constant 1 : i32
      %add3A_293 = arith.addi %while3A_290, %add3A_292 : i32
      %get3A_294 = arith.index_cast %add3A_293 : i32 to index
      %get3A_295 = tpu.vector_load %arg21[%get3A_294] {strides = array<i32>} : memref<1232xi32, #tpu.memory_space<vmem>>, vector<16xi32>,
      %get3A_296 = vector.shape_cast %get3A_295 : vector<16xi32> to vector<16xi32>
      %slice3A_297 = vector.extract_strided_slice %get3A_296 {offsets = [0], sizes = [1], strides = [1]} : vector<16xi32> to vector<1xi32>
      %squeeze3A_298 = vector.extract %slice3A_297[0] : i32 from vector<1xi32>
      %sub3A_299 = arith.subi %squeeze3A_298, %mul3A_37 : i32
      %min3A_300 = arith.constant 2048 : i32
      %min3A_301 = arith.minsi %sub3A_299, %min3A_300 : i32
      %add3A_302 = arith.constant 15 : i32
      %add3A_303 = arith.addi %min3A_301, %add3A_302 : i32
      %jit3A_304 = arith.constant 16 : i32
      %div3A_305 = arith.divsi %add3A_303, %jit3A_304 : i32
      %sign3A_306 = arith.constant 0 : i32
      %sign3A_307 = arith.cmpi sgt, %add3A_303, %sign3A_306 : i32
      %sign3A_308 = arith.extui %sign3A_307 : i1 to i32
      %sign3A_309 = arith.constant 0 : i32
      %sign3A_310 = arith.cmpi slt, %add3A_303, %sign3A_309 : i32
      %sign3A_311 = arith.extui %sign3A_310 : i1 to i32
      %sign3A_312 = arith.subi %sign3A_308, %sign3A_311 : i32
      %sign3A_313 = arith.constant 0 : i32
      %sign3A_314 = arith.cmpi sgt, %jit3A_304, %sign3A_313 : i32
      %sign3A_315 = arith.extui %sign3A_314 : i1 to i32
      %sign3A_316 = arith.constant 0 : i32
      %sign3A_317 = arith.cmpi slt, %jit3A_304, %sign3A_316 : i32
      %sign3A_318 = arith.extui %sign3A_317 : i1 to i32
      %sign3A_319 = arith.subi %sign3A_315, %sign3A_318 : i32
      %ne3A_320 = arith.cmpi ne, %sign3A_312, %sign3A_319 : i32
      %rem3A_321 = arith.remsi %add3A_303, %jit3A_304 : i32
      %ne3A_322 = arith.constant 0 : i32
      %ne3A_323 = arith.cmpi ne, %rem3A_321, %ne3A_322 : i32
      %and3A_324 = arith.andi %ne3A_320, %ne3A_323 : i1
      %sub3A_325 = arith.constant 1 : i32
      %sub3A_326 = arith.subi %div3A_305, %sub3A_325 : i32
      %select_n3A_327 = arith.select %and3A_324, %sub3A_326, %div3A_305 : i32
      %get3A_328 = arith.index_cast %while3A_290 : i32 to index
      %get3A_329 = tpu.vector_load %arg21[%get3A_328] {strides = array<i32>} : memref<1232xi32, #tpu.memory_space<vmem>>, vector<16xi32>,
      %get3A_330 = vector.shape_cast %get3A_329 : vector<16xi32> to vector<16xi32>
      %slice3A_331 = vector.extract_strided_slice %get3A_330 {offsets = [0], sizes = [1], strides = [1]} : vector<16xi32> to vector<1xi32>
      %squeeze3A_332 = vector.extract %slice3A_331[0] : i32 from vector<1xi32>
      %sub3A_333 = arith.subi %squeeze3A_332, %mul3A_37 : i32
      %max3A = arith.constant 0 : i32
      %max3A_334 = arith.maxsi %sub3A_333, %max3A : i32
      %min3A_335 = arith.constant 2048 : i32
      %min3A_336 = arith.minsi %max3A_334, %min3A_335 : i32
      %while3A_337 = arith.constant 0 : i32
      %while3A_338 = arith.subi %min3A_301, %min3A_336 : i32
      %while3A_339 = arith.addi %min3A_336, %while3A_338 : i32
      %while3A_340 = arith.constant 1 : i32
      %while3A_341 = arith.divsi %while3A_338, %while3A_340 : i32
      %while3A_342 = arith.muli %while3A_341, %while3A_340 : i32
      %while3A_343 = arith.addi %min3A_336, %while3A_342 : i32
      %while3A_344 = arith.constant 1 : i32
      %while3A_345 = scf.for %while3A_349 = %min3A_336 to %while3A_343 step %while3A_344 iter_args(%while3A_350 = %while3A_337) -> (i32)  : i32 {
        %get3A_351 = arith.index_cast %while3A_349 : i32 to index
        %get3A_352 = tpu.vector_load %arg18[%get3A_351] {strides = array<i32>} : memref<2064xf32, #tpu.memory_space<vmem>>, vector<16xf32>,
        %get3A_353 = vector.shape_cast %get3A_352 : vector<16xf32> to vector<16xf32>
        %slice3A_354 = vector.extract_strided_slice %get3A_353 {offsets = [0], sizes = [1], strides = [1]} : vector<16xf32> to vector<1xf32>
        %squeeze3A_355 = vector.extract %slice3A_354[0] : f32 from vector<1xf32>
        %get3A_356 = arith.index_cast %while3A_349 : i32 to index
        %get3A_357 = tpu.vector_load %arg15[%get3A_356] {strides = array<i32>} : memref<2064xf32, #tpu.memory_space<vmem>>, vector<16xf32>,
        %get3A_358 = vector.shape_cast %get3A_357 : vector<16xf32> to vector<16xf32>
        %slice3A_359 = vector.extract_strided_slice %get3A_358 {offsets = [0], sizes = [1], strides = [1]} : vector<16xf32> to vector<1xf32>
        %squeeze3A_360 = vector.extract %slice3A_359[0] : f32 from vector<1xf32>
        %lt3A = arith.constant 5.000000e-01 : f32
        %lt3A_361 = arith.cmpf olt, %squeeze3A_355, %lt3A : f32
        %gt3A_362 = arith.constant 2.000000e-01 : f32
        %gt3A_363 = arith.cmpf ogt, %squeeze3A_360, %gt3A_362 : f32
        %and3A_364 = arith.andi %lt3A_361, %gt3A_363 : i1
        %convert_element_type3A_365 = arith.extui %and3A_364 : i1 to i32
        %cond3A_366 = arith.constant 0 : i32
        %cond3A_367 = arith.cmpi ne, %convert_element_type3A_365, %cond3A_366 : i32
        scf.if %cond3A_367 {
          %get3A_369 = arith.index_cast %while3A_349 : i32 to index
          %get3A_370 = tpu.vector_load %arg11[%get3A_369] {strides = array<i32>} : memref<2064xf32, #tpu.memory_space<vmem>>, vector<16xf32>,
          %get3A_371 = vector.shape_cast %get3A_370 : vector<16xf32> to vector<16xf32>
          %slice3A_372 = vector.extract_strided_slice %get3A_371 {offsets = [0], sizes = [1], strides = [1]} : vector<16xf32> to vector<1xf32>
          %squeeze3A_373 = vector.extract %slice3A_372[0] : f32 from vector<1xf32>
          %broadcast_in_dim3A = vector.broadcast %squeeze3A_373 : f32 to vector<16xf32>
          %get3A_374 = arith.index_cast %while3A_349 : i32 to index
          %get3A_375 = tpu.vector_load %arg12[%get3A_374] {strides = array<i32>} : memref<2064xf32, #tpu.memory_space<vmem>>, vector<16xf32>,
          %get3A_376 = vector.shape_cast %get3A_375 : vector<16xf32> to vector<16xf32>
          %slice3A_377 = vector.extract_strided_slice %get3A_376 {offsets = [0], sizes = [1], strides = [1]} : vector<16xf32> to vector<1xf32>
          %squeeze3A_378 = vector.extract %slice3A_377[0] : f32 from vector<1xf32>
          %broadcast_in_dim3A_379 = vector.broadcast %squeeze3A_378 : f32 to vector<16xf32>
          %get3A_380 = arith.index_cast %while3A_349 : i32 to index
          %get3A_381 = tpu.vector_load %arg13[%get3A_380] {strides = array<i32>} : memref<2064xf32, #tpu.memory_space<vmem>>, vector<16xf32>,
          %get3A_382 = vector.shape_cast %get3A_381 : vector<16xf32> to vector<16xf32>
          %slice3A_383 = vector.extract_strided_slice %get3A_382 {offsets = [0], sizes = [1], strides = [1]} : vector<16xf32> to vector<1xf32>
          %squeeze3A_384 = vector.extract %slice3A_383[0] : f32 from vector<1xf32>
          %broadcast_in_dim3A_385 = vector.broadcast %squeeze3A_384 : f32 to vector<16xf32>
          %get3A_386 = arith.index_cast %while3A_349 : i32 to index
          %get3A_387 = tpu.vector_load %arg14[%get3A_386] {strides = array<i32>} : memref<2064xf32, #tpu.memory_space<vmem>>, vector<16xf32>,
          %get3A_388 = vector.shape_cast %get3A_387 : vector<16xf32> to vector<16xf32>
          %slice3A_389 = vector.extract_strided_slice %get3A_388 {offsets = [0], sizes = [1], strides = [1]} : vector<16xf32> to vector<1xf32>
          %squeeze3A_390 = vector.extract %slice3A_389[0] : f32 from vector<1xf32>
          %broadcast_in_dim3A_391 = vector.broadcast %squeeze3A_390 : f32 to vector<16xf32>
          %get3A_392 = arith.index_cast %while3A_349 : i32 to index
          %get3A_393 = tpu.vector_load %arg17[%get3A_392] {strides = array<i32>} : memref<2064xf32, #tpu.memory_space<vmem>>, vector<16xf32>,
          %get3A_394 = vector.shape_cast %get3A_393 : vector<16xf32> to vector<16xf32>
          %slice3A_395 = vector.extract_strided_slice %get3A_394 {offsets = [0], sizes = [1], strides = [1]} : vector<16xf32> to vector<1xf32>
          %squeeze3A_396 = vector.extract %slice3A_395[0] : f32 from vector<1xf32>
          %broadcast_in_dim3A_397 = vector.broadcast %squeeze3A_396 : f32 to vector<16xf32>
          %add3A_398 = arith.constant 1 : i32
          %add3A_399 = arith.addi %while3A_349, %add3A_398 : i32
          %jit3A_400 = arith.constant 16 : i32
          %div3A_401 = arith.divsi %add3A_399, %jit3A_400 : i32
          %sign3A_402 = arith.constant 0 : i32
          %sign3A_403 = arith.cmpi sgt, %add3A_399, %sign3A_402 : i32
          %sign3A_404 = arith.extui %sign3A_403 : i1 to i32
          %sign3A_405 = arith.constant 0 : i32
          %sign3A_406 = arith.cmpi slt, %add3A_399, %sign3A_405 : i32
          %sign3A_407 = arith.extui %sign3A_406 : i1 to i32
          %sign3A_408 = arith.subi %sign3A_404, %sign3A_407 : i32
          %sign3A_409 = arith.constant 0 : i32
          %sign3A_410 = arith.cmpi sgt, %jit3A_400, %sign3A_409 : i32
          %sign3A_411 = arith.extui %sign3A_410 : i1 to i32
          %sign3A_412 = arith.constant 0 : i32
          %sign3A_413 = arith.cmpi slt, %jit3A_400, %sign3A_412 : i32
          %sign3A_414 = arith.extui %sign3A_413 : i1 to i32
          %sign3A_415 = arith.subi %sign3A_411, %sign3A_414 : i32
          %ne3A_416 = arith.cmpi ne, %sign3A_408, %sign3A_415 : i32
          %rem3A_417 = arith.remsi %add3A_399, %jit3A_400 : i32
          %ne3A_418 = arith.constant 0 : i32
          %ne3A_419 = arith.cmpi ne, %rem3A_417, %ne3A_418 : i32
          %and3A_420 = arith.andi %ne3A_416, %ne3A_419 : i1
          %sub3A_421 = arith.constant 1 : i32
          %sub3A_422 = arith.subi %div3A_401, %sub3A_421 : i32
          %select_n3A_423 = arith.select %and3A_420, %sub3A_422, %div3A_401 : i32
          %while3A_424 = arith.constant 0 : i32
          %while3A_425 = arith.subi %select_n3A_327, %select_n3A_423 : i32
          %while3A_426 = arith.addi %select_n3A_423, %while3A_425 : i32
          %while3A_427 = arith.constant 1 : i32
          %while3A_428 = arith.divsi %while3A_425, %while3A_427 : i32
          %while3A_429 = arith.muli %while3A_428, %while3A_427 : i32
          %while3A_430 = arith.addi %select_n3A_423, %while3A_429 : i32
          %while3A_431 = arith.constant 1 : i32
          %while3A_432 = scf.for %while3A_435 = %select_n3A_423 to %while3A_430 step %while3A_431 iter_args(%while3A_436 = %while3A_424) -> (i32)  : i32 {
            %mul3A_437 = arith.constant 16 : i32
            %mul3A_438 = arith.muli %while3A_435, %mul3A_437 : i32
            %mul3A_439 = arith.constant 16 : i32
            %mul3A_440 = arith.muli %while3A_435, %mul3A_439 : i32
            %add3A_441 = vector.broadcast %mul3A_440 : i32 to vector<16xi32>
            %add3A_442 = arith.addi %add3A_441, %iota3A : vector<16xi32>
            %get3A_443 = arith.index_cast %mul3A_438 : i32 to index
            %get3A_444 = tpu.vector_load %arg11[%get3A_443] {strides = array<i32>} : memref<2064xf32, #tpu.memory_space<vmem>>, vector<16xf32>,
            %get3A_445 = vector.shape_cast %get3A_444 : vector<16xf32> to vector<16xf32>
            %max3A_446 = arith.maximumf %broadcast_in_dim3A, %get3A_445 : vector<16xf32>
            %get3A_447 = arith.index_cast %mul3A_438 : i32 to index
            %get3A_448 = tpu.vector_load %arg12[%get3A_447] {strides = array<i32>} : memref<2064xf32, #tpu.memory_space<vmem>>, vector<16xf32>,
            %get3A_449 = vector.shape_cast %get3A_448 : vector<16xf32> to vector<16xf32>
            %max3A_450 = arith.maximumf %broadcast_in_dim3A_379, %get3A_449 : vector<16xf32>
            %get3A_451 = arith.index_cast %mul3A_438 : i32 to index
            %get3A_452 = tpu.vector_load %arg13[%get3A_451] {strides = array<i32>} : memref<2064xf32, #tpu.memory_space<vmem>>, vector<16xf32>,
            %get3A_453 = vector.shape_cast %get3A_452 : vector<16xf32> to vector<16xf32>
            %min3A_454 = arith.minimumf %broadcast_in_dim3A_385, %get3A_453 : vector<16xf32>
            %get3A_455 = arith.index_cast %mul3A_438 : i32 to index
            %get3A_456 = tpu.vector_load %arg14[%get3A_455] {strides = array<i32>} : memref<2064xf32, #tpu.memory_space<vmem>>, vector<16xf32>,
            %get3A_457 = vector.shape_cast %get3A_456 : vector<16xf32> to vector<16xf32>
            %min3A_458 = arith.minimumf %broadcast_in_dim3A_391, %get3A_457 : vector<16xf32>
            %sub3A_459 = arith.subf %min3A_454, %max3A_446 : vector<16xf32>
            %max3A_460 = arith.constant 0.000000e+00 : f32
            %max3A_461 = vector.broadcast %max3A_460 : f32 to vector<16xf32>
            %max3A_462 = arith.maximumf %sub3A_459, %max3A_461 : vector<16xf32>
            %sub3A_463 = arith.subf %min3A_458, %max3A_450 : vector<16xf32>
            %max3A_464 = arith.constant 0.000000e+00 : f32
            %max3A_465 = vector.broadcast %max3A_464 : f32 to vector<16xf32>
            %max3A_466 = arith.maximumf %sub3A_463, %max3A_465 : vector<16xf32>
            %mul3A_467 = arith.mulf %max3A_462, %max3A_466 : vector<16xf32>
            %get3A_468 = arith.index_cast %mul3A_438 : i32 to index
            %get3A_469 = tpu.vector_load %arg17[%get3A_468] {strides = array<i32>} : memref<2064xf32, #tpu.memory_space<vmem>>, vector<16xf32>,
            %get3A_470 = vector.shape_cast %get3A_469 : vector<16xf32> to vector<16xf32>
            %add3A_471 = arith.addf %broadcast_in_dim3A_397, %get3A_470 : vector<16xf32>
            %sub3A_472 = arith.subf %add3A_471, %mul3A_467 : vector<16xf32>
            %add3A_473 = arith.constant 9.99999997E-7 : f32
            %add3A_474 = vector.broadcast %add3A_473 : f32 to vector<16xf32>
            %add3A_475 = arith.addf %sub3A_472, %add3A_474 : vector<16xf32>
            %div3A_476 = arith.divf %mul3A_467, %add3A_475 : vector<16xf32>
            %gt3A_477 = arith.constant 5.000000e-01 : f32
            %gt3A_478 = vector.broadcast %gt3A_477 : f32 to vector<16xf32>
            %gt3A_479 = arith.cmpf ogt, %div3A_476, %gt3A_478 : vector<16xf32>
            %gt3A_480 = vector.broadcast %while3A_349 : i32 to vector<16xi32>
            %gt3A_481 = arith.cmpi sgt, %add3A_442, %gt3A_480 : vector<16xi32>
            %and3A_482 = arith.andi %gt3A_479, %gt3A_481 : vector<16xi1>
            %lt3A_483 = vector.broadcast %min3A_301 : i32 to vector<16xi32>
            %lt3A_484 = arith.cmpi slt, %add3A_442, %lt3A_483 : vector<16xi32>
            %and3A_485 = arith.andi %and3A_482, %lt3A_484 : vector<16xi1>
            %get3A_486 = arith.index_cast %mul3A_438 : i32 to index
            %get3A_487 = tpu.vector_load %arg18[%get3A_486] {strides = array<i32>} : memref<2064xf32, #tpu.memory_space<vmem>>, vector<16xf32>,
            %get3A_488 = vector.shape_cast %get3A_487 : vector<16xf32> to vector<16xf32>
            %jit3A_489 = arith.constant 1.000000e+00 : f32
            %broadcast_in_dim3A_490 = vector.broadcast %jit3A_489 : f32 to vector<16xf32>
            %select_n3A_491 = arith.select %and3A_485, %broadcast_in_dim3A_490, %get3A_488 : vector<16xi1>, vector<16xf32>
            %swap3A = arith.index_cast %mul3A_438 : i32 to index
            %swap3A_492 = tpu.vector_load %arg18[%swap3A] {strides = array<i32>} : memref<2064xf32, #tpu.memory_space<vmem>>, vector<16xf32>,
            %swap3A_493 = vector.shape_cast %swap3A_492 : vector<16xf32> to vector<16xf32>
            %swap3A_494 = vector.shape_cast %select_n3A_491 : vector<16xf32> to vector<16xf32>
            tpu.vector_store %arg18[%swap3A], %swap3A_494 {strides = array<i32>} : memref<2064xf32, #tpu.memory_space<vmem>>, vector<16xf32>,
            %while3A_495 = arith.constant 0 : i32
            scf.yield %while3A_495 : i32
          }
          %while3A_433 = arith.constant 1 : i32
          %while3A_434 = scf.for %while3A_435 = %while3A_430 to %while3A_426 step %while3A_433 iter_args(%while3A_436 = %while3A_432) -> (i32)  : i32 {
            %mul3A_437 = arith.constant 16 : i32
            %mul3A_438 = arith.muli %while3A_435, %mul3A_437 : i32
            %mul3A_439 = arith.constant 16 : i32
            %mul3A_440 = arith.muli %while3A_435, %mul3A_439 : i32
            %add3A_441 = vector.broadcast %mul3A_440 : i32 to vector<16xi32>
            %add3A_442 = arith.addi %add3A_441, %iota3A : vector<16xi32>
            %get3A_443 = arith.index_cast %mul3A_438 : i32 to index
            %get3A_444 = tpu.vector_load %arg11[%get3A_443] {strides = array<i32>} : memref<2064xf32, #tpu.memory_space<vmem>>, vector<16xf32>,
            %get3A_445 = vector.shape_cast %get3A_444 : vector<16xf32> to vector<16xf32>
            %max3A_446 = arith.maximumf %broadcast_in_dim3A, %get3A_445 : vector<16xf32>
            %get3A_447 = arith.index_cast %mul3A_438 : i32 to index
            %get3A_448 = tpu.vector_load %arg12[%get3A_447] {strides = array<i32>} : memref<2064xf32, #tpu.memory_space<vmem>>, vector<16xf32>,
            %get3A_449 = vector.shape_cast %get3A_448 : vector<16xf32> to vector<16xf32>
            %max3A_450 = arith.maximumf %broadcast_in_dim3A_379, %get3A_449 : vector<16xf32>
            %get3A_451 = arith.index_cast %mul3A_438 : i32 to index
            %get3A_452 = tpu.vector_load %arg13[%get3A_451] {strides = array<i32>} : memref<2064xf32, #tpu.memory_space<vmem>>, vector<16xf32>,
            %get3A_453 = vector.shape_cast %get3A_452 : vector<16xf32> to vector<16xf32>
            %min3A_454 = arith.minimumf %broadcast_in_dim3A_385, %get3A_453 : vector<16xf32>
            %get3A_455 = arith.index_cast %mul3A_438 : i32 to index
            %get3A_456 = tpu.vector_load %arg14[%get3A_455] {strides = array<i32>} : memref<2064xf32, #tpu.memory_space<vmem>>, vector<16xf32>,
            %get3A_457 = vector.shape_cast %get3A_456 : vector<16xf32> to vector<16xf32>
            %min3A_458 = arith.minimumf %broadcast_in_dim3A_391, %get3A_457 : vector<16xf32>
            %sub3A_459 = arith.subf %min3A_454, %max3A_446 : vector<16xf32>
            %max3A_460 = arith.constant 0.000000e+00 : f32
            %max3A_461 = vector.broadcast %max3A_460 : f32 to vector<16xf32>
            %max3A_462 = arith.maximumf %sub3A_459, %max3A_461 : vector<16xf32>
            %sub3A_463 = arith.subf %min3A_458, %max3A_450 : vector<16xf32>
            %max3A_464 = arith.constant 0.000000e+00 : f32
            %max3A_465 = vector.broadcast %max3A_464 : f32 to vector<16xf32>
            %max3A_466 = arith.maximumf %sub3A_463, %max3A_465 : vector<16xf32>
            %mul3A_467 = arith.mulf %max3A_462, %max3A_466 : vector<16xf32>
            %get3A_468 = arith.index_cast %mul3A_438 : i32 to index
            %get3A_469 = tpu.vector_load %arg17[%get3A_468] {strides = array<i32>} : memref<2064xf32, #tpu.memory_space<vmem>>, vector<16xf32>,
            %get3A_470 = vector.shape_cast %get3A_469 : vector<16xf32> to vector<16xf32>
            %add3A_471 = arith.addf %broadcast_in_dim3A_397, %get3A_470 : vector<16xf32>
            %sub3A_472 = arith.subf %add3A_471, %mul3A_467 : vector<16xf32>
            %add3A_473 = arith.constant 9.99999997E-7 : f32
            %add3A_474 = vector.broadcast %add3A_473 : f32 to vector<16xf32>
            %add3A_475 = arith.addf %sub3A_472, %add3A_474 : vector<16xf32>
            %div3A_476 = arith.divf %mul3A_467, %add3A_475 : vector<16xf32>
            %gt3A_477 = arith.constant 5.000000e-01 : f32
            %gt3A_478 = vector.broadcast %gt3A_477 : f32 to vector<16xf32>
            %gt3A_479 = arith.cmpf ogt, %div3A_476, %gt3A_478 : vector<16xf32>
            %gt3A_480 = vector.broadcast %while3A_349 : i32 to vector<16xi32>
            %gt3A_481 = arith.cmpi sgt, %add3A_442, %gt3A_480 : vector<16xi32>
            %and3A_482 = arith.andi %gt3A_479, %gt3A_481 : vector<16xi1>
            %lt3A_483 = vector.broadcast %min3A_301 : i32 to vector<16xi32>
            %lt3A_484 = arith.cmpi slt, %add3A_442, %lt3A_483 : vector<16xi32>
            %and3A_485 = arith.andi %and3A_482, %lt3A_484 : vector<16xi1>
            %get3A_486 = arith.index_cast %mul3A_438 : i32 to index
            %get3A_487 = tpu.vector_load %arg18[%get3A_486] {strides = array<i32>} : memref<2064xf32, #tpu.memory_space<vmem>>, vector<16xf32>,
            %get3A_488 = vector.shape_cast %get3A_487 : vector<16xf32> to vector<16xf32>
            %jit3A_489 = arith.constant 1.000000e+00 : f32
            %broadcast_in_dim3A_490 = vector.broadcast %jit3A_489 : f32 to vector<16xf32>
            %select_n3A_491 = arith.select %and3A_485, %broadcast_in_dim3A_490, %get3A_488 : vector<16xi1>, vector<16xf32>
            %swap3A = arith.index_cast %mul3A_438 : i32 to index
            %swap3A_492 = tpu.vector_load %arg18[%swap3A] {strides = array<i32>} : memref<2064xf32, #tpu.memory_space<vmem>>, vector<16xf32>,
            %swap3A_493 = vector.shape_cast %swap3A_492 : vector<16xf32> to vector<16xf32>
            %swap3A_494 = vector.shape_cast %select_n3A_491 : vector<16xf32> to vector<16xf32>
            tpu.vector_store %arg18[%swap3A], %swap3A_494 {strides = array<i32>} : memref<2064xf32, #tpu.memory_space<vmem>>, vector<16xf32>,
            %while3A_495 = arith.constant 0 : i32
            scf.yield %while3A_495 : i32
          }
        } else {
        }
        %while3A_368 = arith.constant 0 : i32
        scf.yield %while3A_368 : i32
      }
      %while3A_346 = arith.constant 1 : i32
      %while3A_347 = scf.for %while3A_349 = %while3A_343 to %while3A_339 step %while3A_346 iter_args(%while3A_350 = %while3A_345) -> (i32)  : i32 {
        %get3A_351 = arith.index_cast %while3A_349 : i32 to index
        %get3A_352 = tpu.vector_load %arg18[%get3A_351] {strides = array<i32>} : memref<2064xf32, #tpu.memory_space<vmem>>, vector<16xf32>,
        %get3A_353 = vector.shape_cast %get3A_352 : vector<16xf32> to vector<16xf32>
        %slice3A_354 = vector.extract_strided_slice %get3A_353 {offsets = [0], sizes = [1], strides = [1]} : vector<16xf32> to vector<1xf32>
        %squeeze3A_355 = vector.extract %slice3A_354[0] : f32 from vector<1xf32>
        %get3A_356 = arith.index_cast %while3A_349 : i32 to index
        %get3A_357 = tpu.vector_load %arg15[%get3A_356] {strides = array<i32>} : memref<2064xf32, #tpu.memory_space<vmem>>, vector<16xf32>,
        %get3A_358 = vector.shape_cast %get3A_357 : vector<16xf32> to vector<16xf32>
        %slice3A_359 = vector.extract_strided_slice %get3A_358 {offsets = [0], sizes = [1], strides = [1]} : vector<16xf32> to vector<1xf32>
        %squeeze3A_360 = vector.extract %slice3A_359[0] : f32 from vector<1xf32>
        %lt3A = arith.constant 5.000000e-01 : f32
        %lt3A_361 = arith.cmpf olt, %squeeze3A_355, %lt3A : f32
        %gt3A_362 = arith.constant 2.000000e-01 : f32
        %gt3A_363 = arith.cmpf ogt, %squeeze3A_360, %gt3A_362 : f32
        %and3A_364 = arith.andi %lt3A_361, %gt3A_363 : i1
        %convert_element_type3A_365 = arith.extui %and3A_364 : i1 to i32
        %cond3A_366 = arith.constant 0 : i32
        %cond3A_367 = arith.cmpi ne, %convert_element_type3A_365, %cond3A_366 : i32
        scf.if %cond3A_367 {
          %get3A_369 = arith.index_cast %while3A_349 : i32 to index
          %get3A_370 = tpu.vector_load %arg11[%get3A_369] {strides = array<i32>} : memref<2064xf32, #tpu.memory_space<vmem>>, vector<16xf32>,
          %get3A_371 = vector.shape_cast %get3A_370 : vector<16xf32> to vector<16xf32>
          %slice3A_372 = vector.extract_strided_slice %get3A_371 {offsets = [0], sizes = [1], strides = [1]} : vector<16xf32> to vector<1xf32>
          %squeeze3A_373 = vector.extract %slice3A_372[0] : f32 from vector<1xf32>
          %broadcast_in_dim3A = vector.broadcast %squeeze3A_373 : f32 to vector<16xf32>
          %get3A_374 = arith.index_cast %while3A_349 : i32 to index
          %get3A_375 = tpu.vector_load %arg12[%get3A_374] {strides = array<i32>} : memref<2064xf32, #tpu.memory_space<vmem>>, vector<16xf32>,
          %get3A_376 = vector.shape_cast %get3A_375 : vector<16xf32> to vector<16xf32>
          %slice3A_377 = vector.extract_strided_slice %get3A_376 {offsets = [0], sizes = [1], strides = [1]} : vector<16xf32> to vector<1xf32>
          %squeeze3A_378 = vector.extract %slice3A_377[0] : f32 from vector<1xf32>
          %broadcast_in_dim3A_379 = vector.broadcast %squeeze3A_378 : f32 to vector<16xf32>
          %get3A_380 = arith.index_cast %while3A_349 : i32 to index
          %get3A_381 = tpu.vector_load %arg13[%get3A_380] {strides = array<i32>} : memref<2064xf32, #tpu.memory_space<vmem>>, vector<16xf32>,
          %get3A_382 = vector.shape_cast %get3A_381 : vector<16xf32> to vector<16xf32>
          %slice3A_383 = vector.extract_strided_slice %get3A_382 {offsets = [0], sizes = [1], strides = [1]} : vector<16xf32> to vector<1xf32>
          %squeeze3A_384 = vector.extract %slice3A_383[0] : f32 from vector<1xf32>
          %broadcast_in_dim3A_385 = vector.broadcast %squeeze3A_384 : f32 to vector<16xf32>
          %get3A_386 = arith.index_cast %while3A_349 : i32 to index
          %get3A_387 = tpu.vector_load %arg14[%get3A_386] {strides = array<i32>} : memref<2064xf32, #tpu.memory_space<vmem>>, vector<16xf32>,
          %get3A_388 = vector.shape_cast %get3A_387 : vector<16xf32> to vector<16xf32>
          %slice3A_389 = vector.extract_strided_slice %get3A_388 {offsets = [0], sizes = [1], strides = [1]} : vector<16xf32> to vector<1xf32>
          %squeeze3A_390 = vector.extract %slice3A_389[0] : f32 from vector<1xf32>
          %broadcast_in_dim3A_391 = vector.broadcast %squeeze3A_390 : f32 to vector<16xf32>
          %get3A_392 = arith.index_cast %while3A_349 : i32 to index
          %get3A_393 = tpu.vector_load %arg17[%get3A_392] {strides = array<i32>} : memref<2064xf32, #tpu.memory_space<vmem>>, vector<16xf32>,
          %get3A_394 = vector.shape_cast %get3A_393 : vector<16xf32> to vector<16xf32>
          %slice3A_395 = vector.extract_strided_slice %get3A_394 {offsets = [0], sizes = [1], strides = [1]} : vector<16xf32> to vector<1xf32>
          %squeeze3A_396 = vector.extract %slice3A_395[0] : f32 from vector<1xf32>
          %broadcast_in_dim3A_397 = vector.broadcast %squeeze3A_396 : f32 to vector<16xf32>
          %add3A_398 = arith.constant 1 : i32
          %add3A_399 = arith.addi %while3A_349, %add3A_398 : i32
          %jit3A_400 = arith.constant 16 : i32
          %div3A_401 = arith.divsi %add3A_399, %jit3A_400 : i32
          %sign3A_402 = arith.constant 0 : i32
          %sign3A_403 = arith.cmpi sgt, %add3A_399, %sign3A_402 : i32
          %sign3A_404 = arith.extui %sign3A_403 : i1 to i32
          %sign3A_405 = arith.constant 0 : i32
          %sign3A_406 = arith.cmpi slt, %add3A_399, %sign3A_405 : i32
          %sign3A_407 = arith.extui %sign3A_406 : i1 to i32
          %sign3A_408 = arith.subi %sign3A_404, %sign3A_407 : i32
          %sign3A_409 = arith.constant 0 : i32
          %sign3A_410 = arith.cmpi sgt, %jit3A_400, %sign3A_409 : i32
          %sign3A_411 = arith.extui %sign3A_410 : i1 to i32
          %sign3A_412 = arith.constant 0 : i32
          %sign3A_413 = arith.cmpi slt, %jit3A_400, %sign3A_412 : i32
          %sign3A_414 = arith.extui %sign3A_413 : i1 to i32
          %sign3A_415 = arith.subi %sign3A_411, %sign3A_414 : i32
          %ne3A_416 = arith.cmpi ne, %sign3A_408, %sign3A_415 : i32
          %rem3A_417 = arith.remsi %add3A_399, %jit3A_400 : i32
          %ne3A_418 = arith.constant 0 : i32
          %ne3A_419 = arith.cmpi ne, %rem3A_417, %ne3A_418 : i32
          %and3A_420 = arith.andi %ne3A_416, %ne3A_419 : i1
          %sub3A_421 = arith.constant 1 : i32
          %sub3A_422 = arith.subi %div3A_401, %sub3A_421 : i32
          %select_n3A_423 = arith.select %and3A_420, %sub3A_422, %div3A_401 : i32
          %while3A_424 = arith.constant 0 : i32
          %while3A_425 = arith.subi %select_n3A_327, %select_n3A_423 : i32
          %while3A_426 = arith.addi %select_n3A_423, %while3A_425 : i32
          %while3A_427 = arith.constant 1 : i32
          %while3A_428 = arith.divsi %while3A_425, %while3A_427 : i32
          %while3A_429 = arith.muli %while3A_428, %while3A_427 : i32
          %while3A_430 = arith.addi %select_n3A_423, %while3A_429 : i32
          %while3A_431 = arith.constant 1 : i32
          %while3A_432 = scf.for %while3A_435 = %select_n3A_423 to %while3A_430 step %while3A_431 iter_args(%while3A_436 = %while3A_424) -> (i32)  : i32 {
            %mul3A_437 = arith.constant 16 : i32
            %mul3A_438 = arith.muli %while3A_435, %mul3A_437 : i32
            %mul3A_439 = arith.constant 16 : i32
            %mul3A_440 = arith.muli %while3A_435, %mul3A_439 : i32
            %add3A_441 = vector.broadcast %mul3A_440 : i32 to vector<16xi32>
            %add3A_442 = arith.addi %add3A_441, %iota3A : vector<16xi32>
            %get3A_443 = arith.index_cast %mul3A_438 : i32 to index
            %get3A_444 = tpu.vector_load %arg11[%get3A_443] {strides = array<i32>} : memref<2064xf32, #tpu.memory_space<vmem>>, vector<16xf32>,
            %get3A_445 = vector.shape_cast %get3A_444 : vector<16xf32> to vector<16xf32>
            %max3A_446 = arith.maximumf %broadcast_in_dim3A, %get3A_445 : vector<16xf32>
            %get3A_447 = arith.index_cast %mul3A_438 : i32 to index
            %get3A_448 = tpu.vector_load %arg12[%get3A_447] {strides = array<i32>} : memref<2064xf32, #tpu.memory_space<vmem>>, vector<16xf32>,
            %get3A_449 = vector.shape_cast %get3A_448 : vector<16xf32> to vector<16xf32>
            %max3A_450 = arith.maximumf %broadcast_in_dim3A_379, %get3A_449 : vector<16xf32>
            %get3A_451 = arith.index_cast %mul3A_438 : i32 to index
            %get3A_452 = tpu.vector_load %arg13[%get3A_451] {strides = array<i32>} : memref<2064xf32, #tpu.memory_space<vmem>>, vector<16xf32>,
            %get3A_453 = vector.shape_cast %get3A_452 : vector<16xf32> to vector<16xf32>
            %min3A_454 = arith.minimumf %broadcast_in_dim3A_385, %get3A_453 : vector<16xf32>
            %get3A_455 = arith.index_cast %mul3A_438 : i32 to index
            %get3A_456 = tpu.vector_load %arg14[%get3A_455] {strides = array<i32>} : memref<2064xf32, #tpu.memory_space<vmem>>, vector<16xf32>,
            %get3A_457 = vector.shape_cast %get3A_456 : vector<16xf32> to vector<16xf32>
            %min3A_458 = arith.minimumf %broadcast_in_dim3A_391, %get3A_457 : vector<16xf32>
            %sub3A_459 = arith.subf %min3A_454, %max3A_446 : vector<16xf32>
            %max3A_460 = arith.constant 0.000000e+00 : f32
            %max3A_461 = vector.broadcast %max3A_460 : f32 to vector<16xf32>
            %max3A_462 = arith.maximumf %sub3A_459, %max3A_461 : vector<16xf32>
            %sub3A_463 = arith.subf %min3A_458, %max3A_450 : vector<16xf32>
            %max3A_464 = arith.constant 0.000000e+00 : f32
            %max3A_465 = vector.broadcast %max3A_464 : f32 to vector<16xf32>
            %max3A_466 = arith.maximumf %sub3A_463, %max3A_465 : vector<16xf32>
            %mul3A_467 = arith.mulf %max3A_462, %max3A_466 : vector<16xf32>
            %get3A_468 = arith.index_cast %mul3A_438 : i32 to index
            %get3A_469 = tpu.vector_load %arg17[%get3A_468] {strides = array<i32>} : memref<2064xf32, #tpu.memory_space<vmem>>, vector<16xf32>,
            %get3A_470 = vector.shape_cast %get3A_469 : vector<16xf32> to vector<16xf32>
            %add3A_471 = arith.addf %broadcast_in_dim3A_397, %get3A_470 : vector<16xf32>
            %sub3A_472 = arith.subf %add3A_471, %mul3A_467 : vector<16xf32>
            %add3A_473 = arith.constant 9.99999997E-7 : f32
            %add3A_474 = vector.broadcast %add3A_473 : f32 to vector<16xf32>
            %add3A_475 = arith.addf %sub3A_472, %add3A_474 : vector<16xf32>
            %div3A_476 = arith.divf %mul3A_467, %add3A_475 : vector<16xf32>
            %gt3A_477 = arith.constant 5.000000e-01 : f32
            %gt3A_478 = vector.broadcast %gt3A_477 : f32 to vector<16xf32>
            %gt3A_479 = arith.cmpf ogt, %div3A_476, %gt3A_478 : vector<16xf32>
            %gt3A_480 = vector.broadcast %while3A_349 : i32 to vector<16xi32>
            %gt3A_481 = arith.cmpi sgt, %add3A_442, %gt3A_480 : vector<16xi32>
            %and3A_482 = arith.andi %gt3A_479, %gt3A_481 : vector<16xi1>
            %lt3A_483 = vector.broadcast %min3A_301 : i32 to vector<16xi32>
            %lt3A_484 = arith.cmpi slt, %add3A_442, %lt3A_483 : vector<16xi32>
            %and3A_485 = arith.andi %and3A_482, %lt3A_484 : vector<16xi1>
            %get3A_486 = arith.index_cast %mul3A_438 : i32 to index
            %get3A_487 = tpu.vector_load %arg18[%get3A_486] {strides = array<i32>} : memref<2064xf32, #tpu.memory_space<vmem>>, vector<16xf32>,
            %get3A_488 = vector.shape_cast %get3A_487 : vector<16xf32> to vector<16xf32>
            %jit3A_489 = arith.constant 1.000000e+00 : f32
            %broadcast_in_dim3A_490 = vector.broadcast %jit3A_489 : f32 to vector<16xf32>
            %select_n3A_491 = arith.select %and3A_485, %broadcast_in_dim3A_490, %get3A_488 : vector<16xi1>, vector<16xf32>
            %swap3A = arith.index_cast %mul3A_438 : i32 to index
            %swap3A_492 = tpu.vector_load %arg18[%swap3A] {strides = array<i32>} : memref<2064xf32, #tpu.memory_space<vmem>>, vector<16xf32>,
            %swap3A_493 = vector.shape_cast %swap3A_492 : vector<16xf32> to vector<16xf32>
            %swap3A_494 = vector.shape_cast %select_n3A_491 : vector<16xf32> to vector<16xf32>
            tpu.vector_store %arg18[%swap3A], %swap3A_494 {strides = array<i32>} : memref<2064xf32, #tpu.memory_space<vmem>>, vector<16xf32>,
            %while3A_495 = arith.constant 0 : i32
            scf.yield %while3A_495 : i32
          }
          %while3A_433 = arith.constant 1 : i32
          %while3A_434 = scf.for %while3A_435 = %while3A_430 to %while3A_426 step %while3A_433 iter_args(%while3A_436 = %while3A_432) -> (i32)  : i32 {
            %mul3A_437 = arith.constant 16 : i32
            %mul3A_438 = arith.muli %while3A_435, %mul3A_437 : i32
            %mul3A_439 = arith.constant 16 : i32
            %mul3A_440 = arith.muli %while3A_435, %mul3A_439 : i32
            %add3A_441 = vector.broadcast %mul3A_440 : i32 to vector<16xi32>
            %add3A_442 = arith.addi %add3A_441, %iota3A : vector<16xi32>
            %get3A_443 = arith.index_cast %mul3A_438 : i32 to index
            %get3A_444 = tpu.vector_load %arg11[%get3A_443] {strides = array<i32>} : memref<2064xf32, #tpu.memory_space<vmem>>, vector<16xf32>,
            %get3A_445 = vector.shape_cast %get3A_444 : vector<16xf32> to vector<16xf32>
            %max3A_446 = arith.maximumf %broadcast_in_dim3A, %get3A_445 : vector<16xf32>
            %get3A_447 = arith.index_cast %mul3A_438 : i32 to index
            %get3A_448 = tpu.vector_load %arg12[%get3A_447] {strides = array<i32>} : memref<2064xf32, #tpu.memory_space<vmem>>, vector<16xf32>,
            %get3A_449 = vector.shape_cast %get3A_448 : vector<16xf32> to vector<16xf32>
            %max3A_450 = arith.maximumf %broadcast_in_dim3A_379, %get3A_449 : vector<16xf32>
            %get3A_451 = arith.index_cast %mul3A_438 : i32 to index
            %get3A_452 = tpu.vector_load %arg13[%get3A_451] {strides = array<i32>} : memref<2064xf32, #tpu.memory_space<vmem>>, vector<16xf32>,
            %get3A_453 = vector.shape_cast %get3A_452 : vector<16xf32> to vector<16xf32>
            %min3A_454 = arith.minimumf %broadcast_in_dim3A_385, %get3A_453 : vector<16xf32>
            %get3A_455 = arith.index_cast %mul3A_438 : i32 to index
            %get3A_456 = tpu.vector_load %arg14[%get3A_455] {strides = array<i32>} : memref<2064xf32, #tpu.memory_space<vmem>>, vector<16xf32>,
            %get3A_457 = vector.shape_cast %get3A_456 : vector<16xf32> to vector<16xf32>
            %min3A_458 = arith.minimumf %broadcast_in_dim3A_391, %get3A_457 : vector<16xf32>
            %sub3A_459 = arith.subf %min3A_454, %max3A_446 : vector<16xf32>
            %max3A_460 = arith.constant 0.000000e+00 : f32
            %max3A_461 = vector.broadcast %max3A_460 : f32 to vector<16xf32>
            %max3A_462 = arith.maximumf %sub3A_459, %max3A_461 : vector<16xf32>
            %sub3A_463 = arith.subf %min3A_458, %max3A_450 : vector<16xf32>
            %max3A_464 = arith.constant 0.000000e+00 : f32
            %max3A_465 = vector.broadcast %max3A_464 : f32 to vector<16xf32>
            %max3A_466 = arith.maximumf %sub3A_463, %max3A_465 : vector<16xf32>
            %mul3A_467 = arith.mulf %max3A_462, %max3A_466 : vector<16xf32>
            %get3A_468 = arith.index_cast %mul3A_438 : i32 to index
            %get3A_469 = tpu.vector_load %arg17[%get3A_468] {strides = array<i32>} : memref<2064xf32, #tpu.memory_space<vmem>>, vector<16xf32>,
            %get3A_470 = vector.shape_cast %get3A_469 : vector<16xf32> to vector<16xf32>
            %add3A_471 = arith.addf %broadcast_in_dim3A_397, %get3A_470 : vector<16xf32>
            %sub3A_472 = arith.subf %add3A_471, %mul3A_467 : vector<16xf32>
            %add3A_473 = arith.constant 9.99999997E-7 : f32
            %add3A_474 = vector.broadcast %add3A_473 : f32 to vector<16xf32>
            %add3A_475 = arith.addf %sub3A_472, %add3A_474 : vector<16xf32>
            %div3A_476 = arith.divf %mul3A_467, %add3A_475 : vector<16xf32>
            %gt3A_477 = arith.constant 5.000000e-01 : f32
            %gt3A_478 = vector.broadcast %gt3A_477 : f32 to vector<16xf32>
            %gt3A_479 = arith.cmpf ogt, %div3A_476, %gt3A_478 : vector<16xf32>
            %gt3A_480 = vector.broadcast %while3A_349 : i32 to vector<16xi32>
            %gt3A_481 = arith.cmpi sgt, %add3A_442, %gt3A_480 : vector<16xi32>
            %and3A_482 = arith.andi %gt3A_479, %gt3A_481 : vector<16xi1>
            %lt3A_483 = vector.broadcast %min3A_301 : i32 to vector<16xi32>
            %lt3A_484 = arith.cmpi slt, %add3A_442, %lt3A_483 : vector<16xi32>
            %and3A_485 = arith.andi %and3A_482, %lt3A_484 : vector<16xi1>
            %get3A_486 = arith.index_cast %mul3A_438 : i32 to index
            %get3A_487 = tpu.vector_load %arg18[%get3A_486] {strides = array<i32>} : memref<2064xf32, #tpu.memory_space<vmem>>, vector<16xf32>,
            %get3A_488 = vector.shape_cast %get3A_487 : vector<16xf32> to vector<16xf32>
            %jit3A_489 = arith.constant 1.000000e+00 : f32
            %broadcast_in_dim3A_490 = vector.broadcast %jit3A_489 : f32 to vector<16xf32>
            %select_n3A_491 = arith.select %and3A_485, %broadcast_in_dim3A_490, %get3A_488 : vector<16xi1>, vector<16xf32>
            %swap3A = arith.index_cast %mul3A_438 : i32 to index
            %swap3A_492 = tpu.vector_load %arg18[%swap3A] {strides = array<i32>} : memref<2064xf32, #tpu.memory_space<vmem>>, vector<16xf32>,
            %swap3A_493 = vector.shape_cast %swap3A_492 : vector<16xf32> to vector<16xf32>
            %swap3A_494 = vector.shape_cast %select_n3A_491 : vector<16xf32> to vector<16xf32>
            tpu.vector_store %arg18[%swap3A], %swap3A_494 {strides = array<i32>} : memref<2064xf32, #tpu.memory_space<vmem>>, vector<16xf32>,
            %while3A_495 = arith.constant 0 : i32
            scf.yield %while3A_495 : i32
          }
        } else {
        }
        %while3A_368 = arith.constant 0 : i32
        scf.yield %while3A_368 : i32
      }
      %while3A_348 = arith.constant 0 : i32
      scf.yield %while3A_348 : i32
    }
    %scan3A_126 = arith.constant 0 : i32
    %scan3A_127 = arith.constant 0 : i32
    %scan3A_128 = arith.constant 128 : i32
    %scan3A_129 = arith.addi %scan3A_127, %scan3A_128 : i32
    %scan3A_130 = arith.constant 1 : i32
    %scan3A_131 = scf.for %scan3A_290 = %scan3A_127 to %scan3A_129 step %scan3A_130 iter_args(%scan3A_291 = %scan3A_126) -> (i32)  : i32 {
      %mul3A_292 = arith.constant 16 : i32
      %mul3A_293 = arith.muli %scan3A_290, %mul3A_292 : i32
      %get3A_294 = arith.index_cast %mul3A_293 : i32 to index
      %get3A_295 = tpu.vector_load %arg18[%get3A_294] {strides = array<i32>} : memref<2064xf32, #tpu.memory_space<vmem>>, vector<16xf32>,
      %get3A_296 = vector.shape_cast %get3A_295 : vector<16xf32> to vector<16xf32>
      %lt3A = arith.constant 5.000000e-01 : f32
      %lt3A_297 = vector.broadcast %lt3A : f32 to vector<16xf32>
      %lt3A_298 = arith.cmpf olt, %get3A_296, %lt3A_297 : vector<16xf32>
      %get3A_299 = arith.index_cast %mul3A_293 : i32 to index
      %get3A_300 = tpu.vector_load %arg15[%get3A_299] {strides = array<i32>} : memref<2064xf32, #tpu.memory_space<vmem>>, vector<16xf32>,
      %get3A_301 = vector.shape_cast %get3A_300 : vector<16xf32> to vector<16xf32>
      %gt3A_302 = arith.constant 2.000000e-01 : f32
      %gt3A_303 = vector.broadcast %gt3A_302 : f32 to vector<16xf32>
      %gt3A_304 = arith.cmpf ogt, %get3A_301, %gt3A_303 : vector<16xf32>
      %and3A_305 = arith.andi %lt3A_298, %gt3A_304 : vector<16xi1>
      %get3A_306 = arith.index_cast %mul3A_293 : i32 to index
      %get3A_307 = tpu.vector_load %arg15[%get3A_306] {strides = array<i32>} : memref<2064xf32, #tpu.memory_space<vmem>>, vector<16xf32>,
      %get3A_308 = vector.shape_cast %get3A_307 : vector<16xf32> to vector<16xf32>
      %jit3A_309 = arith.constant 0.000000e+00 : f32
      %broadcast_in_dim3A = vector.broadcast %jit3A_309 : f32 to vector<16xf32>
      %select_n3A_310 = arith.select %and3A_305, %get3A_308, %broadcast_in_dim3A : vector<16xi1>, vector<16xf32>
      %jit3A_311 = arith.constant 8 : i32
      %div3A_312 = arith.divsi %scan3A_290, %jit3A_311 : i32
      %sign3A_313 = arith.constant 0 : i32
      %sign3A_314 = arith.cmpi sgt, %scan3A_290, %sign3A_313 : i32
      %sign3A_315 = arith.extui %sign3A_314 : i1 to i32
      %sign3A_316 = arith.constant 0 : i32
      %sign3A_317 = arith.cmpi slt, %scan3A_290, %sign3A_316 : i32
      %sign3A_318 = arith.extui %sign3A_317 : i1 to i32
      %sign3A_319 = arith.subi %sign3A_315, %sign3A_318 : i32
      %sign3A_320 = arith.constant 0 : i32
      %sign3A_321 = arith.cmpi sgt, %jit3A_311, %sign3A_320 : i32
      %sign3A_322 = arith.extui %sign3A_321 : i1 to i32
      %sign3A_323 = arith.constant 0 : i32
      %sign3A_324 = arith.cmpi slt, %jit3A_311, %sign3A_323 : i32
      %sign3A_325 = arith.extui %sign3A_324 : i1 to i32
      %sign3A_326 = arith.subi %sign3A_322, %sign3A_325 : i32
      %ne3A_327 = arith.cmpi ne, %sign3A_319, %sign3A_326 : i32
      %rem3A_328 = arith.remsi %scan3A_290, %jit3A_311 : i32
      %ne3A_329 = arith.constant 0 : i32
      %ne3A_330 = arith.cmpi ne, %rem3A_328, %ne3A_329 : i32
      %and3A_331 = arith.andi %ne3A_327, %ne3A_330 : i1
      %sub3A_332 = arith.constant 1 : i32
      %sub3A_333 = arith.subi %div3A_312, %sub3A_332 : i32
      %select_n3A_334 = arith.select %and3A_331, %sub3A_333, %div3A_312 : i32
      %jit3A_335 = arith.constant 8 : i32
      %eq3A = arith.constant 0 : i32
      %eq3A_336 = arith.cmpi eq, %jit3A_335, %eq3A : i32
      %jit3A_337 = arith.constant 1 : i32
      %select_n3A_338 = arith.select %eq3A_336, %jit3A_337, %jit3A_335 : i32
      %rem3A_339 = arith.remsi %scan3A_290, %select_n3A_338 : i32
      %ne3A_340 = arith.constant 0 : i32
      %ne3A_341 = arith.cmpi ne, %rem3A_339, %ne3A_340 : i32
      %lt3A_342 = arith.constant 0 : i32
      %lt3A_343 = arith.cmpi slt, %rem3A_339, %lt3A_342 : i32
      %lt3A_344 = arith.constant 0 : i32
      %lt3A_345 = arith.cmpi slt, %select_n3A_338, %lt3A_344 : i32
      %ne3A_346 = arith.xori %lt3A_343, %lt3A_345 : i1
      %and3A_347 = arith.andi %ne3A_346, %ne3A_341 : i1
      %add3A_348 = arith.addi %rem3A_339, %select_n3A_338 : i32
      %select_n3A_349 = arith.select %and3A_347, %add3A_348, %rem3A_339 : i32
      %mul3A_350 = arith.constant 16 : i32
      %mul3A_351 = arith.muli %select_n3A_349, %mul3A_350 : i32
      %swap3A = arith.index_cast %select_n3A_334 : i32 to index
      %swap3A_352 = arith.index_cast %mul3A_351 : i32 to index
      %swap3A_353 = tpu.vector_load %arg20[%swap3A, %swap3A_352] {strides = array<i32>} : memref<16x128xf32, #tpu.memory_space<vmem>>, vector<1x16xf32>,
      %swap3A_354 = vector.shape_cast %swap3A_353 : vector<1x16xf32> to vector<16xf32>
      %swap3A_355 = vector.shape_cast %select_n3A_310 : vector<16xf32> to vector<1x16xf32>
      tpu.vector_store %arg20[%swap3A, %swap3A_352], %swap3A_355 {strides = array<i32>} : memref<16x128xf32, #tpu.memory_space<vmem>>, vector<1x16xf32>,
      %scan3A_356 = arith.constant 0 : i32
      scf.yield %scan3A_356 : i32
    }
    %scan3A_132 = arith.constant 128 : i32
    %gt3A = arith.constant 0 : i32
    %gt3A_133 = arith.cmpi sgt, %min3A_39, %gt3A : i32
    %convert_element_type3A = arith.extui %gt3A_133 : i1 to i32
    %cond3A = arith.constant 0 : i32
    %cond3A_134 = arith.cmpi ne, %convert_element_type3A, %cond3A : i32
    scf.if %cond3A_134 {
      %dma_start3A_290 = arith.constant 0 : i32
      %dma_start3A_291 = arith.constant 0 : i32
      %dma_start3A_292 = arith.constant 0 : i32
      %dma_start3A_293 = tpu.memref_slice %arg20[%dma_start3A_290, %dma_start3A_292] : memref<16x128xf32, #tpu.memory_space<vmem>> -> memref<1x128xf32, #tpu.memory_space<vmem>>
      %dma_start3A_294 = tpu.memref_squeeze %dma_start3A_293 : memref<1x128xf32, #tpu.memory_space<vmem>> -> memref<128xf32, #tpu.memory_space<vmem>>
      %dma_start3A_295 = arith.constant 0 : i32
      %dma_start3A_296 = tpu.memref_slice %arg19[%dma_start3A_291, %dma_start3A_295] : memref<16x128xi32, #tpu.memory_space<vmem>> -> memref<1x128xi32, #tpu.memory_space<vmem>>
      %dma_start3A_297 = tpu.memref_squeeze %dma_start3A_296 : memref<1x128xi32, #tpu.memory_space<vmem>> -> memref<128xi32, #tpu.memory_space<vmem>>
      %dma_start3A_298 = arith.constant 0 : i32
      %dma_start3A_299 = tpu.memref_slice %arg10[%dma_start3A_298] : memref<85536xf32, #tpu.memory_space<hbm>> -> memref<85536xf32, #tpu.memory_space<hbm>>
      tpu.enqueue_indirect_dma source(%dma_start3A_294 : memref<128xf32, #tpu.memory_space<vmem>>) target(%dma_start3A_299 : memref<85536xf32, #tpu.memory_space<hbm>>) offsets(%dma_start3A_297 : memref<128xi32, #tpu.memory_space<vmem>>) semaphore(%arg23 : memref<!tpu.dma_semaphore, #tpu.memory_space<semaphore_mem>>)
    } else {
    }
    %gt3A_135 = arith.constant 128 : i32
    %gt3A_136 = arith.cmpi sgt, %min3A_39, %gt3A_135 : i32
    %convert_element_type3A_137 = arith.extui %gt3A_136 : i1 to i32
    %cond3A_138 = arith.constant 0 : i32
    %cond3A_139 = arith.cmpi ne, %convert_element_type3A_137, %cond3A_138 : i32
    scf.if %cond3A_139 {
      %dma_start3A_290 = arith.constant 1 : i32
      %dma_start3A_291 = arith.constant 1 : i32
      %dma_start3A_292 = arith.constant 0 : i32
      %dma_start3A_293 = tpu.memref_slice %arg20[%dma_start3A_290, %dma_start3A_292] : memref<16x128xf32, #tpu.memory_space<vmem>> -> memref<1x128xf32, #tpu.memory_space<vmem>>
      %dma_start3A_294 = tpu.memref_squeeze %dma_start3A_293 : memref<1x128xf32, #tpu.memory_space<vmem>> -> memref<128xf32, #tpu.memory_space<vmem>>
      %dma_start3A_295 = arith.constant 0 : i32
      %dma_start3A_296 = tpu.memref_slice %arg19[%dma_start3A_291, %dma_start3A_295] : memref<16x128xi32, #tpu.memory_space<vmem>> -> memref<1x128xi32, #tpu.memory_space<vmem>>
      %dma_start3A_297 = tpu.memref_squeeze %dma_start3A_296 : memref<1x128xi32, #tpu.memory_space<vmem>> -> memref<128xi32, #tpu.memory_space<vmem>>
      %dma_start3A_298 = arith.constant 0 : i32
      %dma_start3A_299 = tpu.memref_slice %arg10[%dma_start3A_298] : memref<85536xf32, #tpu.memory_space<hbm>> -> memref<85536xf32, #tpu.memory_space<hbm>>
      tpu.enqueue_indirect_dma source(%dma_start3A_294 : memref<128xf32, #tpu.memory_space<vmem>>) target(%dma_start3A_299 : memref<85536xf32, #tpu.memory_space<hbm>>) offsets(%dma_start3A_297 : memref<128xi32, #tpu.memory_space<vmem>>) semaphore(%arg23 : memref<!tpu.dma_semaphore, #tpu.memory_space<semaphore_mem>>)
    } else {
    }
    %gt3A_140 = arith.constant 256 : i32
    %gt3A_141 = arith.cmpi sgt, %min3A_39, %gt3A_140 : i32
    %convert_element_type3A_142 = arith.extui %gt3A_141 : i1 to i32
    %cond3A_143 = arith.constant 0 : i32
    %cond3A_144 = arith.cmpi ne, %convert_element_type3A_142, %cond3A_143 : i32
    scf.if %cond3A_144 {
      %dma_start3A_290 = arith.constant 2 : i32
      %dma_start3A_291 = arith.constant 2 : i32
      %dma_start3A_292 = arith.constant 0 : i32
      %dma_start3A_293 = tpu.memref_slice %arg20[%dma_start3A_290, %dma_start3A_292] : memref<16x128xf32, #tpu.memory_space<vmem>> -> memref<1x128xf32, #tpu.memory_space<vmem>>
      %dma_start3A_294 = tpu.memref_squeeze %dma_start3A_293 : memref<1x128xf32, #tpu.memory_space<vmem>> -> memref<128xf32, #tpu.memory_space<vmem>>
      %dma_start3A_295 = arith.constant 0 : i32
      %dma_start3A_296 = tpu.memref_slice %arg19[%dma_start3A_291, %dma_start3A_295] : memref<16x128xi32, #tpu.memory_space<vmem>> -> memref<1x128xi32, #tpu.memory_space<vmem>>
      %dma_start3A_297 = tpu.memref_squeeze %dma_start3A_296 : memref<1x128xi32, #tpu.memory_space<vmem>> -> memref<128xi32, #tpu.memory_space<vmem>>
      %dma_start3A_298 = arith.constant 0 : i32
      %dma_start3A_299 = tpu.memref_slice %arg10[%dma_start3A_298] : memref<85536xf32, #tpu.memory_space<hbm>> -> memref<85536xf32, #tpu.memory_space<hbm>>
      tpu.enqueue_indirect_dma source(%dma_start3A_294 : memref<128xf32, #tpu.memory_space<vmem>>) target(%dma_start3A_299 : memref<85536xf32, #tpu.memory_space<hbm>>) offsets(%dma_start3A_297 : memref<128xi32, #tpu.memory_space<vmem>>) semaphore(%arg23 : memref<!tpu.dma_semaphore, #tpu.memory_space<semaphore_mem>>)
    } else {
    }
    %gt3A_145 = arith.constant 384 : i32
    %gt3A_146 = arith.cmpi sgt, %min3A_39, %gt3A_145 : i32
    %convert_element_type3A_147 = arith.extui %gt3A_146 : i1 to i32
    %cond3A_148 = arith.constant 0 : i32
    %cond3A_149 = arith.cmpi ne, %convert_element_type3A_147, %cond3A_148 : i32
    scf.if %cond3A_149 {
      %dma_start3A_290 = arith.constant 3 : i32
      %dma_start3A_291 = arith.constant 3 : i32
      %dma_start3A_292 = arith.constant 0 : i32
      %dma_start3A_293 = tpu.memref_slice %arg20[%dma_start3A_290, %dma_start3A_292] : memref<16x128xf32, #tpu.memory_space<vmem>> -> memref<1x128xf32, #tpu.memory_space<vmem>>
      %dma_start3A_294 = tpu.memref_squeeze %dma_start3A_293 : memref<1x128xf32, #tpu.memory_space<vmem>> -> memref<128xf32, #tpu.memory_space<vmem>>
      %dma_start3A_295 = arith.constant 0 : i32
      %dma_start3A_296 = tpu.memref_slice %arg19[%dma_start3A_291, %dma_start3A_295] : memref<16x128xi32, #tpu.memory_space<vmem>> -> memref<1x128xi32, #tpu.memory_space<vmem>>
      %dma_start3A_297 = tpu.memref_squeeze %dma_start3A_296 : memref<1x128xi32, #tpu.memory_space<vmem>> -> memref<128xi32, #tpu.memory_space<vmem>>
      %dma_start3A_298 = arith.constant 0 : i32
      %dma_start3A_299 = tpu.memref_slice %arg10[%dma_start3A_298] : memref<85536xf32, #tpu.memory_space<hbm>> -> memref<85536xf32, #tpu.memory_space<hbm>>
      tpu.enqueue_indirect_dma source(%dma_start3A_294 : memref<128xf32, #tpu.memory_space<vmem>>) target(%dma_start3A_299 : memref<85536xf32, #tpu.memory_space<hbm>>) offsets(%dma_start3A_297 : memref<128xi32, #tpu.memory_space<vmem>>) semaphore(%arg23 : memref<!tpu.dma_semaphore, #tpu.memory_space<semaphore_mem>>)
    } else {
    }
    %gt3A_150 = arith.constant 512 : i32
    %gt3A_151 = arith.cmpi sgt, %min3A_39, %gt3A_150 : i32
    %convert_element_type3A_152 = arith.extui %gt3A_151 : i1 to i32
    %cond3A_153 = arith.constant 0 : i32
    %cond3A_154 = arith.cmpi ne, %convert_element_type3A_152, %cond3A_153 : i32
    scf.if %cond3A_154 {
      %dma_start3A_290 = arith.constant 4 : i32
      %dma_start3A_291 = arith.constant 4 : i32
      %dma_start3A_292 = arith.constant 0 : i32
      %dma_start3A_293 = tpu.memref_slice %arg20[%dma_start3A_290, %dma_start3A_292] : memref<16x128xf32, #tpu.memory_space<vmem>> -> memref<1x128xf32, #tpu.memory_space<vmem>>
      %dma_start3A_294 = tpu.memref_squeeze %dma_start3A_293 : memref<1x128xf32, #tpu.memory_space<vmem>> -> memref<128xf32, #tpu.memory_space<vmem>>
      %dma_start3A_295 = arith.constant 0 : i32
      %dma_start3A_296 = tpu.memref_slice %arg19[%dma_start3A_291, %dma_start3A_295] : memref<16x128xi32, #tpu.memory_space<vmem>> -> memref<1x128xi32, #tpu.memory_space<vmem>>
      %dma_start3A_297 = tpu.memref_squeeze %dma_start3A_296 : memref<1x128xi32, #tpu.memory_space<vmem>> -> memref<128xi32, #tpu.memory_space<vmem>>
      %dma_start3A_298 = arith.constant 0 : i32
      %dma_start3A_299 = tpu.memref_slice %arg10[%dma_start3A_298] : memref<85536xf32, #tpu.memory_space<hbm>> -> memref<85536xf32, #tpu.memory_space<hbm>>
      tpu.enqueue_indirect_dma source(%dma_start3A_294 : memref<128xf32, #tpu.memory_space<vmem>>) target(%dma_start3A_299 : memref<85536xf32, #tpu.memory_space<hbm>>) offsets(%dma_start3A_297 : memref<128xi32, #tpu.memory_space<vmem>>) semaphore(%arg23 : memref<!tpu.dma_semaphore, #tpu.memory_space<semaphore_mem>>)
    } else {
    }
    %gt3A_155 = arith.constant 640 : i32
    %gt3A_156 = arith.cmpi sgt, %min3A_39, %gt3A_155 : i32
    %convert_element_type3A_157 = arith.extui %gt3A_156 : i1 to i32
    %cond3A_158 = arith.constant 0 : i32
    %cond3A_159 = arith.cmpi ne, %convert_element_type3A_157, %cond3A_158 : i32
    scf.if %cond3A_159 {
      %dma_start3A_290 = arith.constant 5 : i32
      %dma_start3A_291 = arith.constant 5 : i32
      %dma_start3A_292 = arith.constant 0 : i32
      %dma_start3A_293 = tpu.memref_slice %arg20[%dma_start3A_290, %dma_start3A_292] : memref<16x128xf32, #tpu.memory_space<vmem>> -> memref<1x128xf32, #tpu.memory_space<vmem>>
      %dma_start3A_294 = tpu.memref_squeeze %dma_start3A_293 : memref<1x128xf32, #tpu.memory_space<vmem>> -> memref<128xf32, #tpu.memory_space<vmem>>
      %dma_start3A_295 = arith.constant 0 : i32
      %dma_start3A_296 = tpu.memref_slice %arg19[%dma_start3A_291, %dma_start3A_295] : memref<16x128xi32, #tpu.memory_space<vmem>> -> memref<1x128xi32, #tpu.memory_space<vmem>>
      %dma_start3A_297 = tpu.memref_squeeze %dma_start3A_296 : memref<1x128xi32, #tpu.memory_space<vmem>> -> memref<128xi32, #tpu.memory_space<vmem>>
      %dma_start3A_298 = arith.constant 0 : i32
      %dma_start3A_299 = tpu.memref_slice %arg10[%dma_start3A_298] : memref<85536xf32, #tpu.memory_space<hbm>> -> memref<85536xf32, #tpu.memory_space<hbm>>
      tpu.enqueue_indirect_dma source(%dma_start3A_294 : memref<128xf32, #tpu.memory_space<vmem>>) target(%dma_start3A_299 : memref<85536xf32, #tpu.memory_space<hbm>>) offsets(%dma_start3A_297 : memref<128xi32, #tpu.memory_space<vmem>>) semaphore(%arg23 : memref<!tpu.dma_semaphore, #tpu.memory_space<semaphore_mem>>)
    } else {
    }
    %gt3A_160 = arith.constant 768 : i32
    %gt3A_161 = arith.cmpi sgt, %min3A_39, %gt3A_160 : i32
    %convert_element_type3A_162 = arith.extui %gt3A_161 : i1 to i32
    %cond3A_163 = arith.constant 0 : i32
    %cond3A_164 = arith.cmpi ne, %convert_element_type3A_162, %cond3A_163 : i32
    scf.if %cond3A_164 {
      %dma_start3A_290 = arith.constant 6 : i32
      %dma_start3A_291 = arith.constant 6 : i32
      %dma_start3A_292 = arith.constant 0 : i32
      %dma_start3A_293 = tpu.memref_slice %arg20[%dma_start3A_290, %dma_start3A_292] : memref<16x128xf32, #tpu.memory_space<vmem>> -> memref<1x128xf32, #tpu.memory_space<vmem>>
      %dma_start3A_294 = tpu.memref_squeeze %dma_start3A_293 : memref<1x128xf32, #tpu.memory_space<vmem>> -> memref<128xf32, #tpu.memory_space<vmem>>
      %dma_start3A_295 = arith.constant 0 : i32
      %dma_start3A_296 = tpu.memref_slice %arg19[%dma_start3A_291, %dma_start3A_295] : memref<16x128xi32, #tpu.memory_space<vmem>> -> memref<1x128xi32, #tpu.memory_space<vmem>>
      %dma_start3A_297 = tpu.memref_squeeze %dma_start3A_296 : memref<1x128xi32, #tpu.memory_space<vmem>> -> memref<128xi32, #tpu.memory_space<vmem>>
      %dma_start3A_298 = arith.constant 0 : i32
      %dma_start3A_299 = tpu.memref_slice %arg10[%dma_start3A_298] : memref<85536xf32, #tpu.memory_space<hbm>> -> memref<85536xf32, #tpu.memory_space<hbm>>
      tpu.enqueue_indirect_dma source(%dma_start3A_294 : memref<128xf32, #tpu.memory_space<vmem>>) target(%dma_start3A_299 : memref<85536xf32, #tpu.memory_space<hbm>>) offsets(%dma_start3A_297 : memref<128xi32, #tpu.memory_space<vmem>>) semaphore(%arg23 : memref<!tpu.dma_semaphore, #tpu.memory_space<semaphore_mem>>)
    } else {
    }
    %gt3A_165 = arith.constant 896 : i32
    %gt3A_166 = arith.cmpi sgt, %min3A_39, %gt3A_165 : i32
    %convert_element_type3A_167 = arith.extui %gt3A_166 : i1 to i32
    %cond3A_168 = arith.constant 0 : i32
    %cond3A_169 = arith.cmpi ne, %convert_element_type3A_167, %cond3A_168 : i32
    scf.if %cond3A_169 {
      %dma_start3A_290 = arith.constant 7 : i32
      %dma_start3A_291 = arith.constant 7 : i32
      %dma_start3A_292 = arith.constant 0 : i32
      %dma_start3A_293 = tpu.memref_slice %arg20[%dma_start3A_290, %dma_start3A_292] : memref<16x128xf32, #tpu.memory_space<vmem>> -> memref<1x128xf32, #tpu.memory_space<vmem>>
      %dma_start3A_294 = tpu.memref_squeeze %dma_start3A_293 : memref<1x128xf32, #tpu.memory_space<vmem>> -> memref<128xf32, #tpu.memory_space<vmem>>
      %dma_start3A_295 = arith.constant 0 : i32
      %dma_start3A_296 = tpu.memref_slice %arg19[%dma_start3A_291, %dma_start3A_295] : memref<16x128xi32, #tpu.memory_space<vmem>> -> memref<1x128xi32, #tpu.memory_space<vmem>>
      %dma_start3A_297 = tpu.memref_squeeze %dma_start3A_296 : memref<1x128xi32, #tpu.memory_space<vmem>> -> memref<128xi32, #tpu.memory_space<vmem>>
      %dma_start3A_298 = arith.constant 0 : i32
      %dma_start3A_299 = tpu.memref_slice %arg10[%dma_start3A_298] : memref<85536xf32, #tpu.memory_space<hbm>> -> memref<85536xf32, #tpu.memory_space<hbm>>
      tpu.enqueue_indirect_dma source(%dma_start3A_294 : memref<128xf32, #tpu.memory_space<vmem>>) target(%dma_start3A_299 : memref<85536xf32, #tpu.memory_space<hbm>>) offsets(%dma_start3A_297 : memref<128xi32, #tpu.memory_space<vmem>>) semaphore(%arg23 : memref<!tpu.dma_semaphore, #tpu.memory_space<semaphore_mem>>)
    } else {
    }
    %gt3A_170 = arith.constant 1024 : i32
    %gt3A_171 = arith.cmpi sgt, %min3A_39, %gt3A_170 : i32
    %convert_element_type3A_172 = arith.extui %gt3A_171 : i1 to i32
    %cond3A_173 = arith.constant 0 : i32
    %cond3A_174 = arith.cmpi ne, %convert_element_type3A_172, %cond3A_173 : i32
    scf.if %cond3A_174 {
      %dma_start3A_290 = arith.constant 8 : i32
      %dma_start3A_291 = arith.constant 8 : i32
      %dma_start3A_292 = arith.constant 0 : i32
      %dma_start3A_293 = tpu.memref_slice %arg20[%dma_start3A_290, %dma_start3A_292] : memref<16x128xf32, #tpu.memory_space<vmem>> -> memref<1x128xf32, #tpu.memory_space<vmem>>
      %dma_start3A_294 = tpu.memref_squeeze %dma_start3A_293 : memref<1x128xf32, #tpu.memory_space<vmem>> -> memref<128xf32, #tpu.memory_space<vmem>>
      %dma_start3A_295 = arith.constant 0 : i32
      %dma_start3A_296 = tpu.memref_slice %arg19[%dma_start3A_291, %dma_start3A_295] : memref<16x128xi32, #tpu.memory_space<vmem>> -> memref<1x128xi32, #tpu.memory_space<vmem>>
      %dma_start3A_297 = tpu.memref_squeeze %dma_start3A_296 : memref<1x128xi32, #tpu.memory_space<vmem>> -> memref<128xi32, #tpu.memory_space<vmem>>
      %dma_start3A_298 = arith.constant 0 : i32
      %dma_start3A_299 = tpu.memref_slice %arg10[%dma_start3A_298] : memref<85536xf32, #tpu.memory_space<hbm>> -> memref<85536xf32, #tpu.memory_space<hbm>>
      tpu.enqueue_indirect_dma source(%dma_start3A_294 : memref<128xf32, #tpu.memory_space<vmem>>) target(%dma_start3A_299 : memref<85536xf32, #tpu.memory_space<hbm>>) offsets(%dma_start3A_297 : memref<128xi32, #tpu.memory_space<vmem>>) semaphore(%arg23 : memref<!tpu.dma_semaphore, #tpu.memory_space<semaphore_mem>>)
    } else {
    }
    %gt3A_175 = arith.constant 1152 : i32
    %gt3A_176 = arith.cmpi sgt, %min3A_39, %gt3A_175 : i32
    %convert_element_type3A_177 = arith.extui %gt3A_176 : i1 to i32
    %cond3A_178 = arith.constant 0 : i32
    %cond3A_179 = arith.cmpi ne, %convert_element_type3A_177, %cond3A_178 : i32
    scf.if %cond3A_179 {
      %dma_start3A_290 = arith.constant 9 : i32
      %dma_start3A_291 = arith.constant 9 : i32
      %dma_start3A_292 = arith.constant 0 : i32
      %dma_start3A_293 = tpu.memref_slice %arg20[%dma_start3A_290, %dma_start3A_292] : memref<16x128xf32, #tpu.memory_space<vmem>> -> memref<1x128xf32, #tpu.memory_space<vmem>>
      %dma_start3A_294 = tpu.memref_squeeze %dma_start3A_293 : memref<1x128xf32, #tpu.memory_space<vmem>> -> memref<128xf32, #tpu.memory_space<vmem>>
      %dma_start3A_295 = arith.constant 0 : i32
      %dma_start3A_296 = tpu.memref_slice %arg19[%dma_start3A_291, %dma_start3A_295] : memref<16x128xi32, #tpu.memory_space<vmem>> -> memref<1x128xi32, #tpu.memory_space<vmem>>
      %dma_start3A_297 = tpu.memref_squeeze %dma_start3A_296 : memref<1x128xi32, #tpu.memory_space<vmem>> -> memref<128xi32, #tpu.memory_space<vmem>>
      %dma_start3A_298 = arith.constant 0 : i32
      %dma_start3A_299 = tpu.memref_slice %arg10[%dma_start3A_298] : memref<85536xf32, #tpu.memory_space<hbm>> -> memref<85536xf32, #tpu.memory_space<hbm>>
      tpu.enqueue_indirect_dma source(%dma_start3A_294 : memref<128xf32, #tpu.memory_space<vmem>>) target(%dma_start3A_299 : memref<85536xf32, #tpu.memory_space<hbm>>) offsets(%dma_start3A_297 : memref<128xi32, #tpu.memory_space<vmem>>) semaphore(%arg23 : memref<!tpu.dma_semaphore, #tpu.memory_space<semaphore_mem>>)
    } else {
    }
    %gt3A_180 = arith.constant 1280 : i32
    %gt3A_181 = arith.cmpi sgt, %min3A_39, %gt3A_180 : i32
    %convert_element_type3A_182 = arith.extui %gt3A_181 : i1 to i32
    %cond3A_183 = arith.constant 0 : i32
    %cond3A_184 = arith.cmpi ne, %convert_element_type3A_182, %cond3A_183 : i32
    scf.if %cond3A_184 {
      %dma_start3A_290 = arith.constant 10 : i32
      %dma_start3A_291 = arith.constant 10 : i32
      %dma_start3A_292 = arith.constant 0 : i32
      %dma_start3A_293 = tpu.memref_slice %arg20[%dma_start3A_290, %dma_start3A_292] : memref<16x128xf32, #tpu.memory_space<vmem>> -> memref<1x128xf32, #tpu.memory_space<vmem>>
      %dma_start3A_294 = tpu.memref_squeeze %dma_start3A_293 : memref<1x128xf32, #tpu.memory_space<vmem>> -> memref<128xf32, #tpu.memory_space<vmem>>
      %dma_start3A_295 = arith.constant 0 : i32
      %dma_start3A_296 = tpu.memref_slice %arg19[%dma_start3A_291, %dma_start3A_295] : memref<16x128xi32, #tpu.memory_space<vmem>> -> memref<1x128xi32, #tpu.memory_space<vmem>>
      %dma_start3A_297 = tpu.memref_squeeze %dma_start3A_296 : memref<1x128xi32, #tpu.memory_space<vmem>> -> memref<128xi32, #tpu.memory_space<vmem>>
      %dma_start3A_298 = arith.constant 0 : i32
      %dma_start3A_299 = tpu.memref_slice %arg10[%dma_start3A_298] : memref<85536xf32, #tpu.memory_space<hbm>> -> memref<85536xf32, #tpu.memory_space<hbm>>
      tpu.enqueue_indirect_dma source(%dma_start3A_294 : memref<128xf32, #tpu.memory_space<vmem>>) target(%dma_start3A_299 : memref<85536xf32, #tpu.memory_space<hbm>>) offsets(%dma_start3A_297 : memref<128xi32, #tpu.memory_space<vmem>>) semaphore(%arg23 : memref<!tpu.dma_semaphore, #tpu.memory_space<semaphore_mem>>)
    } else {
    }
    %gt3A_185 = arith.constant 1408 : i32
    %gt3A_186 = arith.cmpi sgt, %min3A_39, %gt3A_185 : i32
    %convert_element_type3A_187 = arith.extui %gt3A_186 : i1 to i32
    %cond3A_188 = arith.constant 0 : i32
    %cond3A_189 = arith.cmpi ne, %convert_element_type3A_187, %cond3A_188 : i32
    scf.if %cond3A_189 {
      %dma_start3A_290 = arith.constant 11 : i32
      %dma_start3A_291 = arith.constant 11 : i32
      %dma_start3A_292 = arith.constant 0 : i32
      %dma_start3A_293 = tpu.memref_slice %arg20[%dma_start3A_290, %dma_start3A_292] : memref<16x128xf32, #tpu.memory_space<vmem>> -> memref<1x128xf32, #tpu.memory_space<vmem>>
      %dma_start3A_294 = tpu.memref_squeeze %dma_start3A_293 : memref<1x128xf32, #tpu.memory_space<vmem>> -> memref<128xf32, #tpu.memory_space<vmem>>
      %dma_start3A_295 = arith.constant 0 : i32
      %dma_start3A_296 = tpu.memref_slice %arg19[%dma_start3A_291, %dma_start3A_295] : memref<16x128xi32, #tpu.memory_space<vmem>> -> memref<1x128xi32, #tpu.memory_space<vmem>>
      %dma_start3A_297 = tpu.memref_squeeze %dma_start3A_296 : memref<1x128xi32, #tpu.memory_space<vmem>> -> memref<128xi32, #tpu.memory_space<vmem>>
      %dma_start3A_298 = arith.constant 0 : i32
      %dma_start3A_299 = tpu.memref_slice %arg10[%dma_start3A_298] : memref<85536xf32, #tpu.memory_space<hbm>> -> memref<85536xf32, #tpu.memory_space<hbm>>
      tpu.enqueue_indirect_dma source(%dma_start3A_294 : memref<128xf32, #tpu.memory_space<vmem>>) target(%dma_start3A_299 : memref<85536xf32, #tpu.memory_space<hbm>>) offsets(%dma_start3A_297 : memref<128xi32, #tpu.memory_space<vmem>>) semaphore(%arg23 : memref<!tpu.dma_semaphore, #tpu.memory_space<semaphore_mem>>)
    } else {
    }
    %gt3A_190 = arith.constant 1536 : i32
    %gt3A_191 = arith.cmpi sgt, %min3A_39, %gt3A_190 : i32
    %convert_element_type3A_192 = arith.extui %gt3A_191 : i1 to i32
    %cond3A_193 = arith.constant 0 : i32
    %cond3A_194 = arith.cmpi ne, %convert_element_type3A_192, %cond3A_193 : i32
    scf.if %cond3A_194 {
      %dma_start3A_290 = arith.constant 12 : i32
      %dma_start3A_291 = arith.constant 12 : i32
      %dma_start3A_292 = arith.constant 0 : i32
      %dma_start3A_293 = tpu.memref_slice %arg20[%dma_start3A_290, %dma_start3A_292] : memref<16x128xf32, #tpu.memory_space<vmem>> -> memref<1x128xf32, #tpu.memory_space<vmem>>
      %dma_start3A_294 = tpu.memref_squeeze %dma_start3A_293 : memref<1x128xf32, #tpu.memory_space<vmem>> -> memref<128xf32, #tpu.memory_space<vmem>>
      %dma_start3A_295 = arith.constant 0 : i32
      %dma_start3A_296 = tpu.memref_slice %arg19[%dma_start3A_291, %dma_start3A_295] : memref<16x128xi32, #tpu.memory_space<vmem>> -> memref<1x128xi32, #tpu.memory_space<vmem>>
      %dma_start3A_297 = tpu.memref_squeeze %dma_start3A_296 : memref<1x128xi32, #tpu.memory_space<vmem>> -> memref<128xi32, #tpu.memory_space<vmem>>
      %dma_start3A_298 = arith.constant 0 : i32
      %dma_start3A_299 = tpu.memref_slice %arg10[%dma_start3A_298] : memref<85536xf32, #tpu.memory_space<hbm>> -> memref<85536xf32, #tpu.memory_space<hbm>>
      tpu.enqueue_indirect_dma source(%dma_start3A_294 : memref<128xf32, #tpu.memory_space<vmem>>) target(%dma_start3A_299 : memref<85536xf32, #tpu.memory_space<hbm>>) offsets(%dma_start3A_297 : memref<128xi32, #tpu.memory_space<vmem>>) semaphore(%arg23 : memref<!tpu.dma_semaphore, #tpu.memory_space<semaphore_mem>>)
    } else {
    }
    %gt3A_195 = arith.constant 1664 : i32
    %gt3A_196 = arith.cmpi sgt, %min3A_39, %gt3A_195 : i32
    %convert_element_type3A_197 = arith.extui %gt3A_196 : i1 to i32
    %cond3A_198 = arith.constant 0 : i32
    %cond3A_199 = arith.cmpi ne, %convert_element_type3A_197, %cond3A_198 : i32
    scf.if %cond3A_199 {
      %dma_start3A_290 = arith.constant 13 : i32
      %dma_start3A_291 = arith.constant 13 : i32
      %dma_start3A_292 = arith.constant 0 : i32
      %dma_start3A_293 = tpu.memref_slice %arg20[%dma_start3A_290, %dma_start3A_292] : memref<16x128xf32, #tpu.memory_space<vmem>> -> memref<1x128xf32, #tpu.memory_space<vmem>>
      %dma_start3A_294 = tpu.memref_squeeze %dma_start3A_293 : memref<1x128xf32, #tpu.memory_space<vmem>> -> memref<128xf32, #tpu.memory_space<vmem>>
      %dma_start3A_295 = arith.constant 0 : i32
      %dma_start3A_296 = tpu.memref_slice %arg19[%dma_start3A_291, %dma_start3A_295] : memref<16x128xi32, #tpu.memory_space<vmem>> -> memref<1x128xi32, #tpu.memory_space<vmem>>
      %dma_start3A_297 = tpu.memref_squeeze %dma_start3A_296 : memref<1x128xi32, #tpu.memory_space<vmem>> -> memref<128xi32, #tpu.memory_space<vmem>>
      %dma_start3A_298 = arith.constant 0 : i32
      %dma_start3A_299 = tpu.memref_slice %arg10[%dma_start3A_298] : memref<85536xf32, #tpu.memory_space<hbm>> -> memref<85536xf32, #tpu.memory_space<hbm>>
      tpu.enqueue_indirect_dma source(%dma_start3A_294 : memref<128xf32, #tpu.memory_space<vmem>>) target(%dma_start3A_299 : memref<85536xf32, #tpu.memory_space<hbm>>) offsets(%dma_start3A_297 : memref<128xi32, #tpu.memory_space<vmem>>) semaphore(%arg23 : memref<!tpu.dma_semaphore, #tpu.memory_space<semaphore_mem>>)
    } else {
    }
    %gt3A_200 = arith.constant 1792 : i32
    %gt3A_201 = arith.cmpi sgt, %min3A_39, %gt3A_200 : i32
    %convert_element_type3A_202 = arith.extui %gt3A_201 : i1 to i32
    %cond3A_203 = arith.constant 0 : i32
    %cond3A_204 = arith.cmpi ne, %convert_element_type3A_202, %cond3A_203 : i32
    scf.if %cond3A_204 {
      %dma_start3A_290 = arith.constant 14 : i32
      %dma_start3A_291 = arith.constant 14 : i32
      %dma_start3A_292 = arith.constant 0 : i32
      %dma_start3A_293 = tpu.memref_slice %arg20[%dma_start3A_290, %dma_start3A_292] : memref<16x128xf32, #tpu.memory_space<vmem>> -> memref<1x128xf32, #tpu.memory_space<vmem>>
      %dma_start3A_294 = tpu.memref_squeeze %dma_start3A_293 : memref<1x128xf32, #tpu.memory_space<vmem>> -> memref<128xf32, #tpu.memory_space<vmem>>
      %dma_start3A_295 = arith.constant 0 : i32
      %dma_start3A_296 = tpu.memref_slice %arg19[%dma_start3A_291, %dma_start3A_295] : memref<16x128xi32, #tpu.memory_space<vmem>> -> memref<1x128xi32, #tpu.memory_space<vmem>>
      %dma_start3A_297 = tpu.memref_squeeze %dma_start3A_296 : memref<1x128xi32, #tpu.memory_space<vmem>> -> memref<128xi32, #tpu.memory_space<vmem>>
      %dma_start3A_298 = arith.constant 0 : i32
      %dma_start3A_299 = tpu.memref_slice %arg10[%dma_start3A_298] : memref<85536xf32, #tpu.memory_space<hbm>> -> memref<85536xf32, #tpu.memory_space<hbm>>
      tpu.enqueue_indirect_dma source(%dma_start3A_294 : memref<128xf32, #tpu.memory_space<vmem>>) target(%dma_start3A_299 : memref<85536xf32, #tpu.memory_space<hbm>>) offsets(%dma_start3A_297 : memref<128xi32, #tpu.memory_space<vmem>>) semaphore(%arg23 : memref<!tpu.dma_semaphore, #tpu.memory_space<semaphore_mem>>)
    } else {
    }
    %gt3A_205 = arith.constant 1920 : i32
    %gt3A_206 = arith.cmpi sgt, %min3A_39, %gt3A_205 : i32
    %convert_element_type3A_207 = arith.extui %gt3A_206 : i1 to i32
    %cond3A_208 = arith.constant 0 : i32
    %cond3A_209 = arith.cmpi ne, %convert_element_type3A_207, %cond3A_208 : i32
    scf.if %cond3A_209 {
      %dma_start3A_290 = arith.constant 15 : i32
      %dma_start3A_291 = arith.constant 15 : i32
      %dma_start3A_292 = arith.constant 0 : i32
      %dma_start3A_293 = tpu.memref_slice %arg20[%dma_start3A_290, %dma_start3A_292] : memref<16x128xf32, #tpu.memory_space<vmem>> -> memref<1x128xf32, #tpu.memory_space<vmem>>
      %dma_start3A_294 = tpu.memref_squeeze %dma_start3A_293 : memref<1x128xf32, #tpu.memory_space<vmem>> -> memref<128xf32, #tpu.memory_space<vmem>>
      %dma_start3A_295 = arith.constant 0 : i32
      %dma_start3A_296 = tpu.memref_slice %arg19[%dma_start3A_291, %dma_start3A_295] : memref<16x128xi32, #tpu.memory_space<vmem>> -> memref<1x128xi32, #tpu.memory_space<vmem>>
      %dma_start3A_297 = tpu.memref_squeeze %dma_start3A_296 : memref<1x128xi32, #tpu.memory_space<vmem>> -> memref<128xi32, #tpu.memory_space<vmem>>
      %dma_start3A_298 = arith.constant 0 : i32
      %dma_start3A_299 = tpu.memref_slice %arg10[%dma_start3A_298] : memref<85536xf32, #tpu.memory_space<hbm>> -> memref<85536xf32, #tpu.memory_space<hbm>>
      tpu.enqueue_indirect_dma source(%dma_start3A_294 : memref<128xf32, #tpu.memory_space<vmem>>) target(%dma_start3A_299 : memref<85536xf32, #tpu.memory_space<hbm>>) offsets(%dma_start3A_297 : memref<128xi32, #tpu.memory_space<vmem>>) semaphore(%arg23 : memref<!tpu.dma_semaphore, #tpu.memory_space<semaphore_mem>>)
    } else {
    }
    %gt3A_210 = arith.constant 0 : i32
    %gt3A_211 = arith.cmpi sgt, %min3A_39, %gt3A_210 : i32
    %convert_element_type3A_212 = arith.extui %gt3A_211 : i1 to i32
    %cond3A_213 = arith.constant 0 : i32
    %cond3A_214 = arith.cmpi ne, %convert_element_type3A_212, %cond3A_213 : i32
    scf.if %cond3A_214 {
      %dma_wait3A_290 = arith.constant 0 : i32
      %dma_wait3A_291 = arith.constant 0 : i32
      %dma_wait3A_292 = arith.constant 0 : i32
      %dma_wait3A_293 = tpu.memref_slice %arg20[%dma_wait3A_290, %dma_wait3A_292] : memref<16x128xf32, #tpu.memory_space<vmem>> -> memref<1x128xf32, #tpu.memory_space<vmem>>
      %dma_wait3A_294 = tpu.memref_squeeze %dma_wait3A_293 : memref<1x128xf32, #tpu.memory_space<vmem>> -> memref<128xf32, #tpu.memory_space<vmem>>
      %dma_wait3A_295 = arith.constant 0 : i32
      %dma_wait3A_296 = tpu.memref_slice %arg19[%dma_wait3A_291, %dma_wait3A_295] : memref<16x128xi32, #tpu.memory_space<vmem>> -> memref<1x128xi32, #tpu.memory_space<vmem>>
      %dma_wait3A_297 = tpu.memref_squeeze %dma_wait3A_296 : memref<1x128xi32, #tpu.memory_space<vmem>> -> memref<128xi32, #tpu.memory_space<vmem>>
      %dma_wait3A_298 = arith.constant 0 : i32
      %dma_wait3A_299 = tpu.memref_slice %arg10[%dma_wait3A_298] : memref<85536xf32, #tpu.memory_space<hbm>> -> memref<85536xf32, #tpu.memory_space<hbm>>
      tpu.wait_indirect_dma semaphore(%arg23 : memref<!tpu.dma_semaphore, #tpu.memory_space<semaphore_mem>>) src(%dma_wait3A_294 : memref<128xf32, #tpu.memory_space<vmem>>) dst(%dma_wait3A_299 : memref<85536xf32, #tpu.memory_space<hbm>>)
    } else {
    }
    %gt3A_215 = arith.constant 128 : i32
    %gt3A_216 = arith.cmpi sgt, %min3A_39, %gt3A_215 : i32
    %convert_element_type3A_217 = arith.extui %gt3A_216 : i1 to i32
    %cond3A_218 = arith.constant 0 : i32
    %cond3A_219 = arith.cmpi ne, %convert_element_type3A_217, %cond3A_218 : i32
    scf.if %cond3A_219 {
      %dma_wait3A_290 = arith.constant 1 : i32
      %dma_wait3A_291 = arith.constant 1 : i32
      %dma_wait3A_292 = arith.constant 0 : i32
      %dma_wait3A_293 = tpu.memref_slice %arg20[%dma_wait3A_290, %dma_wait3A_292] : memref<16x128xf32, #tpu.memory_space<vmem>> -> memref<1x128xf32, #tpu.memory_space<vmem>>
      %dma_wait3A_294 = tpu.memref_squeeze %dma_wait3A_293 : memref<1x128xf32, #tpu.memory_space<vmem>> -> memref<128xf32, #tpu.memory_space<vmem>>
      %dma_wait3A_295 = arith.constant 0 : i32
      %dma_wait3A_296 = tpu.memref_slice %arg19[%dma_wait3A_291, %dma_wait3A_295] : memref<16x128xi32, #tpu.memory_space<vmem>> -> memref<1x128xi32, #tpu.memory_space<vmem>>
      %dma_wait3A_297 = tpu.memref_squeeze %dma_wait3A_296 : memref<1x128xi32, #tpu.memory_space<vmem>> -> memref<128xi32, #tpu.memory_space<vmem>>
      %dma_wait3A_298 = arith.constant 0 : i32
      %dma_wait3A_299 = tpu.memref_slice %arg10[%dma_wait3A_298] : memref<85536xf32, #tpu.memory_space<hbm>> -> memref<85536xf32, #tpu.memory_space<hbm>>
      tpu.wait_indirect_dma semaphore(%arg23 : memref<!tpu.dma_semaphore, #tpu.memory_space<semaphore_mem>>) src(%dma_wait3A_294 : memref<128xf32, #tpu.memory_space<vmem>>) dst(%dma_wait3A_299 : memref<85536xf32, #tpu.memory_space<hbm>>)
    } else {
    }
    %gt3A_220 = arith.constant 256 : i32
    %gt3A_221 = arith.cmpi sgt, %min3A_39, %gt3A_220 : i32
    %convert_element_type3A_222 = arith.extui %gt3A_221 : i1 to i32
    %cond3A_223 = arith.constant 0 : i32
    %cond3A_224 = arith.cmpi ne, %convert_element_type3A_222, %cond3A_223 : i32
    scf.if %cond3A_224 {
      %dma_wait3A_290 = arith.constant 2 : i32
      %dma_wait3A_291 = arith.constant 2 : i32
      %dma_wait3A_292 = arith.constant 0 : i32
      %dma_wait3A_293 = tpu.memref_slice %arg20[%dma_wait3A_290, %dma_wait3A_292] : memref<16x128xf32, #tpu.memory_space<vmem>> -> memref<1x128xf32, #tpu.memory_space<vmem>>
      %dma_wait3A_294 = tpu.memref_squeeze %dma_wait3A_293 : memref<1x128xf32, #tpu.memory_space<vmem>> -> memref<128xf32, #tpu.memory_space<vmem>>
      %dma_wait3A_295 = arith.constant 0 : i32
      %dma_wait3A_296 = tpu.memref_slice %arg19[%dma_wait3A_291, %dma_wait3A_295] : memref<16x128xi32, #tpu.memory_space<vmem>> -> memref<1x128xi32, #tpu.memory_space<vmem>>
      %dma_wait3A_297 = tpu.memref_squeeze %dma_wait3A_296 : memref<1x128xi32, #tpu.memory_space<vmem>> -> memref<128xi32, #tpu.memory_space<vmem>>
      %dma_wait3A_298 = arith.constant 0 : i32
      %dma_wait3A_299 = tpu.memref_slice %arg10[%dma_wait3A_298] : memref<85536xf32, #tpu.memory_space<hbm>> -> memref<85536xf32, #tpu.memory_space<hbm>>
      tpu.wait_indirect_dma semaphore(%arg23 : memref<!tpu.dma_semaphore, #tpu.memory_space<semaphore_mem>>) src(%dma_wait3A_294 : memref<128xf32, #tpu.memory_space<vmem>>) dst(%dma_wait3A_299 : memref<85536xf32, #tpu.memory_space<hbm>>)
    } else {
    }
    %gt3A_225 = arith.constant 384 : i32
    %gt3A_226 = arith.cmpi sgt, %min3A_39, %gt3A_225 : i32
    %convert_element_type3A_227 = arith.extui %gt3A_226 : i1 to i32
    %cond3A_228 = arith.constant 0 : i32
    %cond3A_229 = arith.cmpi ne, %convert_element_type3A_227, %cond3A_228 : i32
    scf.if %cond3A_229 {
      %dma_wait3A_290 = arith.constant 3 : i32
      %dma_wait3A_291 = arith.constant 3 : i32
      %dma_wait3A_292 = arith.constant 0 : i32
      %dma_wait3A_293 = tpu.memref_slice %arg20[%dma_wait3A_290, %dma_wait3A_292] : memref<16x128xf32, #tpu.memory_space<vmem>> -> memref<1x128xf32, #tpu.memory_space<vmem>>
      %dma_wait3A_294 = tpu.memref_squeeze %dma_wait3A_293 : memref<1x128xf32, #tpu.memory_space<vmem>> -> memref<128xf32, #tpu.memory_space<vmem>>
      %dma_wait3A_295 = arith.constant 0 : i32
      %dma_wait3A_296 = tpu.memref_slice %arg19[%dma_wait3A_291, %dma_wait3A_295] : memref<16x128xi32, #tpu.memory_space<vmem>> -> memref<1x128xi32, #tpu.memory_space<vmem>>
      %dma_wait3A_297 = tpu.memref_squeeze %dma_wait3A_296 : memref<1x128xi32, #tpu.memory_space<vmem>> -> memref<128xi32, #tpu.memory_space<vmem>>
      %dma_wait3A_298 = arith.constant 0 : i32
      %dma_wait3A_299 = tpu.memref_slice %arg10[%dma_wait3A_298] : memref<85536xf32, #tpu.memory_space<hbm>> -> memref<85536xf32, #tpu.memory_space<hbm>>
      tpu.wait_indirect_dma semaphore(%arg23 : memref<!tpu.dma_semaphore, #tpu.memory_space<semaphore_mem>>) src(%dma_wait3A_294 : memref<128xf32, #tpu.memory_space<vmem>>) dst(%dma_wait3A_299 : memref<85536xf32, #tpu.memory_space<hbm>>)
    } else {
    }
    %gt3A_230 = arith.constant 512 : i32
    %gt3A_231 = arith.cmpi sgt, %min3A_39, %gt3A_230 : i32
    %convert_element_type3A_232 = arith.extui %gt3A_231 : i1 to i32
    %cond3A_233 = arith.constant 0 : i32
    %cond3A_234 = arith.cmpi ne, %convert_element_type3A_232, %cond3A_233 : i32
    scf.if %cond3A_234 {
      %dma_wait3A_290 = arith.constant 4 : i32
      %dma_wait3A_291 = arith.constant 4 : i32
      %dma_wait3A_292 = arith.constant 0 : i32
      %dma_wait3A_293 = tpu.memref_slice %arg20[%dma_wait3A_290, %dma_wait3A_292] : memref<16x128xf32, #tpu.memory_space<vmem>> -> memref<1x128xf32, #tpu.memory_space<vmem>>
      %dma_wait3A_294 = tpu.memref_squeeze %dma_wait3A_293 : memref<1x128xf32, #tpu.memory_space<vmem>> -> memref<128xf32, #tpu.memory_space<vmem>>
      %dma_wait3A_295 = arith.constant 0 : i32
      %dma_wait3A_296 = tpu.memref_slice %arg19[%dma_wait3A_291, %dma_wait3A_295] : memref<16x128xi32, #tpu.memory_space<vmem>> -> memref<1x128xi32, #tpu.memory_space<vmem>>
      %dma_wait3A_297 = tpu.memref_squeeze %dma_wait3A_296 : memref<1x128xi32, #tpu.memory_space<vmem>> -> memref<128xi32, #tpu.memory_space<vmem>>
      %dma_wait3A_298 = arith.constant 0 : i32
      %dma_wait3A_299 = tpu.memref_slice %arg10[%dma_wait3A_298] : memref<85536xf32, #tpu.memory_space<hbm>> -> memref<85536xf32, #tpu.memory_space<hbm>>
      tpu.wait_indirect_dma semaphore(%arg23 : memref<!tpu.dma_semaphore, #tpu.memory_space<semaphore_mem>>) src(%dma_wait3A_294 : memref<128xf32, #tpu.memory_space<vmem>>) dst(%dma_wait3A_299 : memref<85536xf32, #tpu.memory_space<hbm>>)
    } else {
    }
    %gt3A_235 = arith.constant 640 : i32
    %gt3A_236 = arith.cmpi sgt, %min3A_39, %gt3A_235 : i32
    %convert_element_type3A_237 = arith.extui %gt3A_236 : i1 to i32
    %cond3A_238 = arith.constant 0 : i32
    %cond3A_239 = arith.cmpi ne, %convert_element_type3A_237, %cond3A_238 : i32
    scf.if %cond3A_239 {
      %dma_wait3A_290 = arith.constant 5 : i32
      %dma_wait3A_291 = arith.constant 5 : i32
      %dma_wait3A_292 = arith.constant 0 : i32
      %dma_wait3A_293 = tpu.memref_slice %arg20[%dma_wait3A_290, %dma_wait3A_292] : memref<16x128xf32, #tpu.memory_space<vmem>> -> memref<1x128xf32, #tpu.memory_space<vmem>>
      %dma_wait3A_294 = tpu.memref_squeeze %dma_wait3A_293 : memref<1x128xf32, #tpu.memory_space<vmem>> -> memref<128xf32, #tpu.memory_space<vmem>>
      %dma_wait3A_295 = arith.constant 0 : i32
      %dma_wait3A_296 = tpu.memref_slice %arg19[%dma_wait3A_291, %dma_wait3A_295] : memref<16x128xi32, #tpu.memory_space<vmem>> -> memref<1x128xi32, #tpu.memory_space<vmem>>
      %dma_wait3A_297 = tpu.memref_squeeze %dma_wait3A_296 : memref<1x128xi32, #tpu.memory_space<vmem>> -> memref<128xi32, #tpu.memory_space<vmem>>
      %dma_wait3A_298 = arith.constant 0 : i32
      %dma_wait3A_299 = tpu.memref_slice %arg10[%dma_wait3A_298] : memref<85536xf32, #tpu.memory_space<hbm>> -> memref<85536xf32, #tpu.memory_space<hbm>>
      tpu.wait_indirect_dma semaphore(%arg23 : memref<!tpu.dma_semaphore, #tpu.memory_space<semaphore_mem>>) src(%dma_wait3A_294 : memref<128xf32, #tpu.memory_space<vmem>>) dst(%dma_wait3A_299 : memref<85536xf32, #tpu.memory_space<hbm>>)
    } else {
    }
    %gt3A_240 = arith.constant 768 : i32
    %gt3A_241 = arith.cmpi sgt, %min3A_39, %gt3A_240 : i32
    %convert_element_type3A_242 = arith.extui %gt3A_241 : i1 to i32
    %cond3A_243 = arith.constant 0 : i32
    %cond3A_244 = arith.cmpi ne, %convert_element_type3A_242, %cond3A_243 : i32
    scf.if %cond3A_244 {
      %dma_wait3A_290 = arith.constant 6 : i32
      %dma_wait3A_291 = arith.constant 6 : i32
      %dma_wait3A_292 = arith.constant 0 : i32
      %dma_wait3A_293 = tpu.memref_slice %arg20[%dma_wait3A_290, %dma_wait3A_292] : memref<16x128xf32, #tpu.memory_space<vmem>> -> memref<1x128xf32, #tpu.memory_space<vmem>>
      %dma_wait3A_294 = tpu.memref_squeeze %dma_wait3A_293 : memref<1x128xf32, #tpu.memory_space<vmem>> -> memref<128xf32, #tpu.memory_space<vmem>>
      %dma_wait3A_295 = arith.constant 0 : i32
      %dma_wait3A_296 = tpu.memref_slice %arg19[%dma_wait3A_291, %dma_wait3A_295] : memref<16x128xi32, #tpu.memory_space<vmem>> -> memref<1x128xi32, #tpu.memory_space<vmem>>
      %dma_wait3A_297 = tpu.memref_squeeze %dma_wait3A_296 : memref<1x128xi32, #tpu.memory_space<vmem>> -> memref<128xi32, #tpu.memory_space<vmem>>
      %dma_wait3A_298 = arith.constant 0 : i32
      %dma_wait3A_299 = tpu.memref_slice %arg10[%dma_wait3A_298] : memref<85536xf32, #tpu.memory_space<hbm>> -> memref<85536xf32, #tpu.memory_space<hbm>>
      tpu.wait_indirect_dma semaphore(%arg23 : memref<!tpu.dma_semaphore, #tpu.memory_space<semaphore_mem>>) src(%dma_wait3A_294 : memref<128xf32, #tpu.memory_space<vmem>>) dst(%dma_wait3A_299 : memref<85536xf32, #tpu.memory_space<hbm>>)
    } else {
    }
    %gt3A_245 = arith.constant 896 : i32
    %gt3A_246 = arith.cmpi sgt, %min3A_39, %gt3A_245 : i32
    %convert_element_type3A_247 = arith.extui %gt3A_246 : i1 to i32
    %cond3A_248 = arith.constant 0 : i32
    %cond3A_249 = arith.cmpi ne, %convert_element_type3A_247, %cond3A_248 : i32
    scf.if %cond3A_249 {
      %dma_wait3A_290 = arith.constant 7 : i32
      %dma_wait3A_291 = arith.constant 7 : i32
      %dma_wait3A_292 = arith.constant 0 : i32
      %dma_wait3A_293 = tpu.memref_slice %arg20[%dma_wait3A_290, %dma_wait3A_292] : memref<16x128xf32, #tpu.memory_space<vmem>> -> memref<1x128xf32, #tpu.memory_space<vmem>>
      %dma_wait3A_294 = tpu.memref_squeeze %dma_wait3A_293 : memref<1x128xf32, #tpu.memory_space<vmem>> -> memref<128xf32, #tpu.memory_space<vmem>>
      %dma_wait3A_295 = arith.constant 0 : i32
      %dma_wait3A_296 = tpu.memref_slice %arg19[%dma_wait3A_291, %dma_wait3A_295] : memref<16x128xi32, #tpu.memory_space<vmem>> -> memref<1x128xi32, #tpu.memory_space<vmem>>
      %dma_wait3A_297 = tpu.memref_squeeze %dma_wait3A_296 : memref<1x128xi32, #tpu.memory_space<vmem>> -> memref<128xi32, #tpu.memory_space<vmem>>
      %dma_wait3A_298 = arith.constant 0 : i32
      %dma_wait3A_299 = tpu.memref_slice %arg10[%dma_wait3A_298] : memref<85536xf32, #tpu.memory_space<hbm>> -> memref<85536xf32, #tpu.memory_space<hbm>>
      tpu.wait_indirect_dma semaphore(%arg23 : memref<!tpu.dma_semaphore, #tpu.memory_space<semaphore_mem>>) src(%dma_wait3A_294 : memref<128xf32, #tpu.memory_space<vmem>>) dst(%dma_wait3A_299 : memref<85536xf32, #tpu.memory_space<hbm>>)
    } else {
    }
    %gt3A_250 = arith.constant 1024 : i32
    %gt3A_251 = arith.cmpi sgt, %min3A_39, %gt3A_250 : i32
    %convert_element_type3A_252 = arith.extui %gt3A_251 : i1 to i32
    %cond3A_253 = arith.constant 0 : i32
    %cond3A_254 = arith.cmpi ne, %convert_element_type3A_252, %cond3A_253 : i32
    scf.if %cond3A_254 {
      %dma_wait3A_290 = arith.constant 8 : i32
      %dma_wait3A_291 = arith.constant 8 : i32
      %dma_wait3A_292 = arith.constant 0 : i32
      %dma_wait3A_293 = tpu.memref_slice %arg20[%dma_wait3A_290, %dma_wait3A_292] : memref<16x128xf32, #tpu.memory_space<vmem>> -> memref<1x128xf32, #tpu.memory_space<vmem>>
      %dma_wait3A_294 = tpu.memref_squeeze %dma_wait3A_293 : memref<1x128xf32, #tpu.memory_space<vmem>> -> memref<128xf32, #tpu.memory_space<vmem>>
      %dma_wait3A_295 = arith.constant 0 : i32
      %dma_wait3A_296 = tpu.memref_slice %arg19[%dma_wait3A_291, %dma_wait3A_295] : memref<16x128xi32, #tpu.memory_space<vmem>> -> memref<1x128xi32, #tpu.memory_space<vmem>>
      %dma_wait3A_297 = tpu.memref_squeeze %dma_wait3A_296 : memref<1x128xi32, #tpu.memory_space<vmem>> -> memref<128xi32, #tpu.memory_space<vmem>>
      %dma_wait3A_298 = arith.constant 0 : i32
      %dma_wait3A_299 = tpu.memref_slice %arg10[%dma_wait3A_298] : memref<85536xf32, #tpu.memory_space<hbm>> -> memref<85536xf32, #tpu.memory_space<hbm>>
      tpu.wait_indirect_dma semaphore(%arg23 : memref<!tpu.dma_semaphore, #tpu.memory_space<semaphore_mem>>) src(%dma_wait3A_294 : memref<128xf32, #tpu.memory_space<vmem>>) dst(%dma_wait3A_299 : memref<85536xf32, #tpu.memory_space<hbm>>)
    } else {
    }
    %gt3A_255 = arith.constant 1152 : i32
    %gt3A_256 = arith.cmpi sgt, %min3A_39, %gt3A_255 : i32
    %convert_element_type3A_257 = arith.extui %gt3A_256 : i1 to i32
    %cond3A_258 = arith.constant 0 : i32
    %cond3A_259 = arith.cmpi ne, %convert_element_type3A_257, %cond3A_258 : i32
    scf.if %cond3A_259 {
      %dma_wait3A_290 = arith.constant 9 : i32
      %dma_wait3A_291 = arith.constant 9 : i32
      %dma_wait3A_292 = arith.constant 0 : i32
      %dma_wait3A_293 = tpu.memref_slice %arg20[%dma_wait3A_290, %dma_wait3A_292] : memref<16x128xf32, #tpu.memory_space<vmem>> -> memref<1x128xf32, #tpu.memory_space<vmem>>
      %dma_wait3A_294 = tpu.memref_squeeze %dma_wait3A_293 : memref<1x128xf32, #tpu.memory_space<vmem>> -> memref<128xf32, #tpu.memory_space<vmem>>
      %dma_wait3A_295 = arith.constant 0 : i32
      %dma_wait3A_296 = tpu.memref_slice %arg19[%dma_wait3A_291, %dma_wait3A_295] : memref<16x128xi32, #tpu.memory_space<vmem>> -> memref<1x128xi32, #tpu.memory_space<vmem>>
      %dma_wait3A_297 = tpu.memref_squeeze %dma_wait3A_296 : memref<1x128xi32, #tpu.memory_space<vmem>> -> memref<128xi32, #tpu.memory_space<vmem>>
      %dma_wait3A_298 = arith.constant 0 : i32
      %dma_wait3A_299 = tpu.memref_slice %arg10[%dma_wait3A_298] : memref<85536xf32, #tpu.memory_space<hbm>> -> memref<85536xf32, #tpu.memory_space<hbm>>
      tpu.wait_indirect_dma semaphore(%arg23 : memref<!tpu.dma_semaphore, #tpu.memory_space<semaphore_mem>>) src(%dma_wait3A_294 : memref<128xf32, #tpu.memory_space<vmem>>) dst(%dma_wait3A_299 : memref<85536xf32, #tpu.memory_space<hbm>>)
    } else {
    }
    %gt3A_260 = arith.constant 1280 : i32
    %gt3A_261 = arith.cmpi sgt, %min3A_39, %gt3A_260 : i32
    %convert_element_type3A_262 = arith.extui %gt3A_261 : i1 to i32
    %cond3A_263 = arith.constant 0 : i32
    %cond3A_264 = arith.cmpi ne, %convert_element_type3A_262, %cond3A_263 : i32
    scf.if %cond3A_264 {
      %dma_wait3A_290 = arith.constant 10 : i32
      %dma_wait3A_291 = arith.constant 10 : i32
      %dma_wait3A_292 = arith.constant 0 : i32
      %dma_wait3A_293 = tpu.memref_slice %arg20[%dma_wait3A_290, %dma_wait3A_292] : memref<16x128xf32, #tpu.memory_space<vmem>> -> memref<1x128xf32, #tpu.memory_space<vmem>>
      %dma_wait3A_294 = tpu.memref_squeeze %dma_wait3A_293 : memref<1x128xf32, #tpu.memory_space<vmem>> -> memref<128xf32, #tpu.memory_space<vmem>>
      %dma_wait3A_295 = arith.constant 0 : i32
      %dma_wait3A_296 = tpu.memref_slice %arg19[%dma_wait3A_291, %dma_wait3A_295] : memref<16x128xi32, #tpu.memory_space<vmem>> -> memref<1x128xi32, #tpu.memory_space<vmem>>
      %dma_wait3A_297 = tpu.memref_squeeze %dma_wait3A_296 : memref<1x128xi32, #tpu.memory_space<vmem>> -> memref<128xi32, #tpu.memory_space<vmem>>
      %dma_wait3A_298 = arith.constant 0 : i32
      %dma_wait3A_299 = tpu.memref_slice %arg10[%dma_wait3A_298] : memref<85536xf32, #tpu.memory_space<hbm>> -> memref<85536xf32, #tpu.memory_space<hbm>>
      tpu.wait_indirect_dma semaphore(%arg23 : memref<!tpu.dma_semaphore, #tpu.memory_space<semaphore_mem>>) src(%dma_wait3A_294 : memref<128xf32, #tpu.memory_space<vmem>>) dst(%dma_wait3A_299 : memref<85536xf32, #tpu.memory_space<hbm>>)
    } else {
    }
    %gt3A_265 = arith.constant 1408 : i32
    %gt3A_266 = arith.cmpi sgt, %min3A_39, %gt3A_265 : i32
    %convert_element_type3A_267 = arith.extui %gt3A_266 : i1 to i32
    %cond3A_268 = arith.constant 0 : i32
    %cond3A_269 = arith.cmpi ne, %convert_element_type3A_267, %cond3A_268 : i32
    scf.if %cond3A_269 {
      %dma_wait3A_290 = arith.constant 11 : i32
      %dma_wait3A_291 = arith.constant 11 : i32
      %dma_wait3A_292 = arith.constant 0 : i32
      %dma_wait3A_293 = tpu.memref_slice %arg20[%dma_wait3A_290, %dma_wait3A_292] : memref<16x128xf32, #tpu.memory_space<vmem>> -> memref<1x128xf32, #tpu.memory_space<vmem>>
      %dma_wait3A_294 = tpu.memref_squeeze %dma_wait3A_293 : memref<1x128xf32, #tpu.memory_space<vmem>> -> memref<128xf32, #tpu.memory_space<vmem>>
      %dma_wait3A_295 = arith.constant 0 : i32
      %dma_wait3A_296 = tpu.memref_slice %arg19[%dma_wait3A_291, %dma_wait3A_295] : memref<16x128xi32, #tpu.memory_space<vmem>> -> memref<1x128xi32, #tpu.memory_space<vmem>>
      %dma_wait3A_297 = tpu.memref_squeeze %dma_wait3A_296 : memref<1x128xi32, #tpu.memory_space<vmem>> -> memref<128xi32, #tpu.memory_space<vmem>>
      %dma_wait3A_298 = arith.constant 0 : i32
      %dma_wait3A_299 = tpu.memref_slice %arg10[%dma_wait3A_298] : memref<85536xf32, #tpu.memory_space<hbm>> -> memref<85536xf32, #tpu.memory_space<hbm>>
      tpu.wait_indirect_dma semaphore(%arg23 : memref<!tpu.dma_semaphore, #tpu.memory_space<semaphore_mem>>) src(%dma_wait3A_294 : memref<128xf32, #tpu.memory_space<vmem>>) dst(%dma_wait3A_299 : memref<85536xf32, #tpu.memory_space<hbm>>)
    } else {
    }
    %gt3A_270 = arith.constant 1536 : i32
    %gt3A_271 = arith.cmpi sgt, %min3A_39, %gt3A_270 : i32
    %convert_element_type3A_272 = arith.extui %gt3A_271 : i1 to i32
    %cond3A_273 = arith.constant 0 : i32
    %cond3A_274 = arith.cmpi ne, %convert_element_type3A_272, %cond3A_273 : i32
    scf.if %cond3A_274 {
      %dma_wait3A_290 = arith.constant 12 : i32
      %dma_wait3A_291 = arith.constant 12 : i32
      %dma_wait3A_292 = arith.constant 0 : i32
      %dma_wait3A_293 = tpu.memref_slice %arg20[%dma_wait3A_290, %dma_wait3A_292] : memref<16x128xf32, #tpu.memory_space<vmem>> -> memref<1x128xf32, #tpu.memory_space<vmem>>
      %dma_wait3A_294 = tpu.memref_squeeze %dma_wait3A_293 : memref<1x128xf32, #tpu.memory_space<vmem>> -> memref<128xf32, #tpu.memory_space<vmem>>
      %dma_wait3A_295 = arith.constant 0 : i32
      %dma_wait3A_296 = tpu.memref_slice %arg19[%dma_wait3A_291, %dma_wait3A_295] : memref<16x128xi32, #tpu.memory_space<vmem>> -> memref<1x128xi32, #tpu.memory_space<vmem>>
      %dma_wait3A_297 = tpu.memref_squeeze %dma_wait3A_296 : memref<1x128xi32, #tpu.memory_space<vmem>> -> memref<128xi32, #tpu.memory_space<vmem>>
      %dma_wait3A_298 = arith.constant 0 : i32
      %dma_wait3A_299 = tpu.memref_slice %arg10[%dma_wait3A_298] : memref<85536xf32, #tpu.memory_space<hbm>> -> memref<85536xf32, #tpu.memory_space<hbm>>
      tpu.wait_indirect_dma semaphore(%arg23 : memref<!tpu.dma_semaphore, #tpu.memory_space<semaphore_mem>>) src(%dma_wait3A_294 : memref<128xf32, #tpu.memory_space<vmem>>) dst(%dma_wait3A_299 : memref<85536xf32, #tpu.memory_space<hbm>>)
    } else {
    }
    %gt3A_275 = arith.constant 1664 : i32
    %gt3A_276 = arith.cmpi sgt, %min3A_39, %gt3A_275 : i32
    %convert_element_type3A_277 = arith.extui %gt3A_276 : i1 to i32
    %cond3A_278 = arith.constant 0 : i32
    %cond3A_279 = arith.cmpi ne, %convert_element_type3A_277, %cond3A_278 : i32
    scf.if %cond3A_279 {
      %dma_wait3A_290 = arith.constant 13 : i32
      %dma_wait3A_291 = arith.constant 13 : i32
      %dma_wait3A_292 = arith.constant 0 : i32
      %dma_wait3A_293 = tpu.memref_slice %arg20[%dma_wait3A_290, %dma_wait3A_292] : memref<16x128xf32, #tpu.memory_space<vmem>> -> memref<1x128xf32, #tpu.memory_space<vmem>>
      %dma_wait3A_294 = tpu.memref_squeeze %dma_wait3A_293 : memref<1x128xf32, #tpu.memory_space<vmem>> -> memref<128xf32, #tpu.memory_space<vmem>>
      %dma_wait3A_295 = arith.constant 0 : i32
      %dma_wait3A_296 = tpu.memref_slice %arg19[%dma_wait3A_291, %dma_wait3A_295] : memref<16x128xi32, #tpu.memory_space<vmem>> -> memref<1x128xi32, #tpu.memory_space<vmem>>
      %dma_wait3A_297 = tpu.memref_squeeze %dma_wait3A_296 : memref<1x128xi32, #tpu.memory_space<vmem>> -> memref<128xi32, #tpu.memory_space<vmem>>
      %dma_wait3A_298 = arith.constant 0 : i32
      %dma_wait3A_299 = tpu.memref_slice %arg10[%dma_wait3A_298] : memref<85536xf32, #tpu.memory_space<hbm>> -> memref<85536xf32, #tpu.memory_space<hbm>>
      tpu.wait_indirect_dma semaphore(%arg23 : memref<!tpu.dma_semaphore, #tpu.memory_space<semaphore_mem>>) src(%dma_wait3A_294 : memref<128xf32, #tpu.memory_space<vmem>>) dst(%dma_wait3A_299 : memref<85536xf32, #tpu.memory_space<hbm>>)
    } else {
    }
    %gt3A_280 = arith.constant 1792 : i32
    %gt3A_281 = arith.cmpi sgt, %min3A_39, %gt3A_280 : i32
    %convert_element_type3A_282 = arith.extui %gt3A_281 : i1 to i32
    %cond3A_283 = arith.constant 0 : i32
    %cond3A_284 = arith.cmpi ne, %convert_element_type3A_282, %cond3A_283 : i32
    scf.if %cond3A_284 {
      %dma_wait3A_290 = arith.constant 14 : i32
      %dma_wait3A_291 = arith.constant 14 : i32
      %dma_wait3A_292 = arith.constant 0 : i32
      %dma_wait3A_293 = tpu.memref_slice %arg20[%dma_wait3A_290, %dma_wait3A_292] : memref<16x128xf32, #tpu.memory_space<vmem>> -> memref<1x128xf32, #tpu.memory_space<vmem>>
      %dma_wait3A_294 = tpu.memref_squeeze %dma_wait3A_293 : memref<1x128xf32, #tpu.memory_space<vmem>> -> memref<128xf32, #tpu.memory_space<vmem>>
      %dma_wait3A_295 = arith.constant 0 : i32
      %dma_wait3A_296 = tpu.memref_slice %arg19[%dma_wait3A_291, %dma_wait3A_295] : memref<16x128xi32, #tpu.memory_space<vmem>> -> memref<1x128xi32, #tpu.memory_space<vmem>>
      %dma_wait3A_297 = tpu.memref_squeeze %dma_wait3A_296 : memref<1x128xi32, #tpu.memory_space<vmem>> -> memref<128xi32, #tpu.memory_space<vmem>>
      %dma_wait3A_298 = arith.constant 0 : i32
      %dma_wait3A_299 = tpu.memref_slice %arg10[%dma_wait3A_298] : memref<85536xf32, #tpu.memory_space<hbm>> -> memref<85536xf32, #tpu.memory_space<hbm>>
      tpu.wait_indirect_dma semaphore(%arg23 : memref<!tpu.dma_semaphore, #tpu.memory_space<semaphore_mem>>) src(%dma_wait3A_294 : memref<128xf32, #tpu.memory_space<vmem>>) dst(%dma_wait3A_299 : memref<85536xf32, #tpu.memory_space<hbm>>)
    } else {
    }
    %gt3A_285 = arith.constant 1920 : i32
    %gt3A_286 = arith.cmpi sgt, %min3A_39, %gt3A_285 : i32
    %convert_element_type3A_287 = arith.extui %gt3A_286 : i1 to i32
    %cond3A_288 = arith.constant 0 : i32
    %cond3A_289 = arith.cmpi ne, %convert_element_type3A_287, %cond3A_288 : i32
    scf.if %cond3A_289 {
      %dma_wait3A_290 = arith.constant 15 : i32
      %dma_wait3A_291 = arith.constant 15 : i32
      %dma_wait3A_292 = arith.constant 0 : i32
      %dma_wait3A_293 = tpu.memref_slice %arg20[%dma_wait3A_290, %dma_wait3A_292] : memref<16x128xf32, #tpu.memory_space<vmem>> -> memref<1x128xf32, #tpu.memory_space<vmem>>
      %dma_wait3A_294 = tpu.memref_squeeze %dma_wait3A_293 : memref<1x128xf32, #tpu.memory_space<vmem>> -> memref<128xf32, #tpu.memory_space<vmem>>
      %dma_wait3A_295 = arith.constant 0 : i32
      %dma_wait3A_296 = tpu.memref_slice %arg19[%dma_wait3A_291, %dma_wait3A_295] : memref<16x128xi32, #tpu.memory_space<vmem>> -> memref<1x128xi32, #tpu.memory_space<vmem>>
      %dma_wait3A_297 = tpu.memref_squeeze %dma_wait3A_296 : memref<1x128xi32, #tpu.memory_space<vmem>> -> memref<128xi32, #tpu.memory_space<vmem>>
      %dma_wait3A_298 = arith.constant 0 : i32
      %dma_wait3A_299 = tpu.memref_slice %arg10[%dma_wait3A_298] : memref<85536xf32, #tpu.memory_space<hbm>> -> memref<85536xf32, #tpu.memory_space<hbm>>
      tpu.wait_indirect_dma semaphore(%arg23 : memref<!tpu.dma_semaphore, #tpu.memory_space<semaphore_mem>>) src(%dma_wait3A_294 : memref<128xf32, #tpu.memory_space<vmem>>) dst(%dma_wait3A_299 : memref<85536xf32, #tpu.memory_space<hbm>>)
    } else {
    }
    return
  }
}

</mosaic_0001>

<sc_bundles>
// kernel: kernel.3.cloned.1.call-start
scs
__scs_entry_jumppad:
0x0: {  	(pc) =	sbr.rel $0x88, $3  }
0x1: {  	(tag) =	ssettag $0x0;
	lr =	simm.s32 $0x1  }
0x2: {  	[smem:$0x3F9E] =	sst lr;
	_ =	strace $0xD0000000  }
0x3: {  	_ = 	snop  }
0x4: {  	_ = 	snop  }
0x5: {  	_ = 	snop  }
0x6: {  	_ = 	snop  }
0x7: {  	_ = 	snop  }
__scs_overlays_trampoline_lowered:
0x8: {  	[smem:$0x3FAD] =	sst s0  }
0x9: {  	[smem:$0x3FAE] =	sst s1  }
0xa: {  	[smem:$0x3FAF] =	sst s2  }
0xb: {  	[smem:$0x3FB0] =	sst s3  }
0xc: {  	[smem:$0x3FB1] =	sst s4  }
0xd: {  	[smem:$0x3FB2] =	sst s5  }
0xe: {  	[smem:$0x3FB3] =	sst s6  }
0xf: {  	[smem:$0x3FB4] =	sst s7  }
0x10: {  	[smem:$0x3FB5] =	sst s8  }
0x11: {  	[smem:$0x3FB6] =	sst s9;
	s0 =	simm.s32 @!p0 $0x0  }
0x12: {  	s1 =	sld [smem:$0x3F9C];
	s0 =	simm.s32 @p0 $0x1  }
0x13: {  	[smem:$0x3FB7] =	sst s0;
	s0 =	simm.s32 @!p1 $0x0  }
0x14: {  	s2 =	sld [smem:$0x3F9B];
	s0 =	simm.s32 @p1 $0x1  }
0x15: {  	[smem:$0x3FB8] =	sst s0;
	s0 =	simm.s32 @!p2 $0x0  }
0x16: {  	s3 =	sld [smem:$0x3FDB];
	s0 =	simm.s32 @p2 $0x1  }
0x17: {  	s4 =	simm.s32 $0x1BF5;
	[smem:$0x3FBA] =	sst s0  }
0x18: {  	s0 =	sld [smem:$0x3F9D];
	_ =	swait.ge [sflag:s4], $0x0  }
0x19: {  	s7 =	sld [smem:$0x3F9E]  }
0x1a: {  	s8 =	sadd.s32 $0xFFFFE003, lr  }
0x1b: {  	s9 =	sadd.s32 $0xFFFFFEF7, lr;
	s5 =	simm.s32 $0xFFFFFFFF;
	p2 =	slt.u32 s8, $0xFFFFF086  }
0x1c: {  	p1 =	slt.u32 s9, $0xF7A;
	s5 =	simm.s32 @!p2 $0x0  }
0x1d: {  	s5 =	simm.s32 @p1 $0x1;
	p0 =	seq.s32 s7, s2  }
0x1e: {  	s7 =	smul.u32 @!p0 $0xF7A, s2;
	p2 =	seq.s32 @!p0 s5, $0x0  }
0x1f: {  	s9 =	smul.u32 $0xF7A, s1;
	s8 =	simm.s32 @!p0 $0x1BF5;
	p2 =	por !p2, p0  }
0x20: {  	[sflag:s8] =	ssyncset.s32 @!p0 $0xFFFFF086;
	s6 =	sadd.s32 @!p0 s3, s7;
	s7 =	simm.s32 @!p0 $0x108  }
0x21: {  	s3 =	sadd.s32 s3, s9;
	s6 =	sadd.s32 @!p0 $0x88, s6;
	s7 =	simm.s32 @p2 $0x1082  }
0x22: {  	[simem:s7], [sflag:s8] =	dma.local @!p0 [hbm:s6], $0xF7A  }
0x23: {  	s9 =	sor.u32 $0xD0000000, s2;
	s6 =	simm.s32 $0x108;
	_ =	swait.ge @!p0 [sflag:s8], $0x0  }
0x24: {  	s3 =	sadd.s32 $0x88, s3;
	s6 =	simm.s32 @!p1 $0x1082;
	[sflag:s4] =	ssyncset.s32 $0xFFFFF086  }
0x25: {  	[simem:s6], [sflag:s4] =	dma.local [hbm:s3], $0xF7A  }
0x26: {  	[smem:$0x3F9E] =	sst s1;
	(tag) =	ssettag s2;
	_ =	strace s9  }
0x27: {  	s1 =	sld [smem:$0x3FAE]  }
0x28: {  	s2 =	sld [smem:$0x3FAF]  }
0x29: {  	s4 =	sld [smem:$0x3FB1]  }
0x2a: {  	p0 =	seq.s32 s5, $0x0;
	s5 =	sld [smem:$0x3FB2]  }
0x2b: {  	s6 =	sld [smem:$0x3FB3]  }
0x2c: {  	s7 =	sld [smem:$0x3FB4]  }
0x2d: {  	s3 =	simm.s32 $0x108;
	s8 =	sld [smem:$0x3FB5]  }
0x2e: {  	s3 =	simm.s32 @!p0 $0x1082;
	s9 =	sld [smem:$0x3FB6]  }
0x2f: {  	lr =	sadd.s32 s0, s3;
	s0 =	sld [smem:$0x3FAD]  }
0x30: {  	s3 =	sld [smem:$0x3FB0]  }
0x31: {  	[smem:$0x3FB9] =	sst s10  }
0x32: {  	s10 =	sld [smem:$0x3FB7];
	_ =	sdelay $0x3  }
0x33: {  	p0 =	seq.s32 s10, $0x1;
	s10 =	sld [smem:$0x3FB9];
	_ =	sdelay $0x3  }
0x34: {  	[smem:$0x3FB9] =	sst s10  }
0x35: {  	s10 =	sld [smem:$0x3FB8];
	_ =	sdelay $0x3  }
0x36: {  	p1 =	seq.s32 s10, $0x1;
	s10 =	sld [smem:$0x3FB9];
	_ =	sdelay $0x3  }
0x37: {  	[smem:$0x3FB9] =	sst s10  }
0x38: {  	s10 =	sld [smem:$0x3FBA]  }
0x39: {  	_ = 	snop;
	(pc) =	sbr.ind lr, $3  }
0x3a: {  	_ = 	snop  }
0x3b: {  	_ = 	snop  }
0x3c: {  	p2 =	seq.s32 s10, $0x1;
	s10 =	sld [smem:$0x3FB9]  }
0x3d: {  	_ =	shalt  }
0x3e: {  	_ =	shalt  }
0x3f: {  	_ =	shalt  }
0x40: {  	_ =	shalt  }
0x41: {  	_ =	shalt  }
0x42: {  	_ =	shalt  }
0x43: {  	_ =	shalt  }
0x44: {  	_ =	shalt  }
0x45: {  	_ =	shalt  }
0x46: {  	_ =	shalt  }
0x47: {  	_ =	shalt  }
0x48: {  	_ =	shalt  }
0x49: {  	_ =	shalt  }
0x4a: {  	_ =	shalt  }
0x4b: {  	_ =	shalt  }
0x4c: {  	_ =	shalt  }
0x4d: {  	_ =	shalt  }
0x4e: {  	_ =	shalt  }
0x4f: {  	_ =	shalt  }
0x50: {  	_ =	shalt  }
0x51: {  	_ =	shalt  }
0x52: {  	_ =	shalt  }
0x53: {  	_ =	shalt  }
0x54: {  	_ =	shalt  }
0x55: {  	_ =	shalt  }
0x56: {  	_ =	shalt  }
0x57: {  	_ =	shalt  }
0x58: {  	_ =	shalt  }
0x59: {  	_ =	shalt  }
0x5a: {  	_ =	shalt  }
0x5b: {  	_ =	shalt  }
0x5c: {  	_ =	shalt  }
0x5d: {  	_ =	shalt  }
0x5e: {  	_ =	shalt  }
0x5f: {  	_ =	shalt  }
0x60: {  	_ =	shalt  }
0x61: {  	_ =	shalt  }
0x62: {  	_ =	shalt  }
0x63: {  	_ =	shalt  }
0x64: {  	_ =	shalt  }
0x65: {  	_ =	shalt  }
0x66: {  	_ =	shalt  }
0x67: {  	_ =	shalt  }
0x68: {  	_ =	shalt  }
0x69: {  	_ =	shalt  }
0x6a: {  	_ =	shalt  }
0x6b: {  	_ =	shalt  }
0x6c: {  	_ =	shalt  }
0x6d: {  	_ =	shalt  }
0x6e: {  	_ =	shalt  }
0x6f: {  	_ =	shalt  }
0x70: {  	_ =	shalt  }
0x71: {  	_ =	shalt  }
0x72: {  	_ =	shalt  }
0x73: {  	_ =	shalt  }
0x74: {  	_ =	shalt  }
0x75: {  	_ =	shalt  }
0x76: {  	_ =	shalt  }
0x77: {  	_ =	shalt  }
0x78: {  	_ =	shalt  }
0x79: {  	_ =	shalt  }
0x7a: {  	_ =	shalt  }
0x7b: {  	_ =	shalt  }
0x7c: {  	_ =	shalt  }
0x7d: {  	_ =	shalt  }
0x7e: {  	_ =	shalt  }
0x7f: {  	_ =	shalt  }
0x80: {  	_ =	shalt  }
0x81: {  	_ =	shalt  }
0x82: {  	_ =	shalt  }
0x83: {  	_ =	shalt  }
0x84: {  	_ =	shalt  }
0x85: {  	_ =	shalt  }
0x86: {  	_ =	shalt  }
0x87: {  	_ =	shalt  }
.Lfunc_end0:
.L_simem_size_0:
called_computation_lowered:
.L_overlay_start_0:
0x88: {  	s2 =	sld [smem:$0x3FD9]  }
0x89: {  	s3 =	sld [smem:$0x3FFE];
	_ =	sdelay $0x1  }
0x8a: {  	s1 =	srdreg.scid  }
0x8b: {  	s0 =	sand.u32 $0x1, s1  }
0x8c: {  	s17 =	sshll.u32 s0, $0xA;
	s2 =	sadd.s32 s3, s2  }
0x8d: {  	s2 =	sadd.s32 s2, s17  }
0x8e: {  	[smem:$0x3FC5] =	sst s2  }
0x8f: {  	_ = 	snop  }
0x90: {  	s2 =	sld [smem:$0x3FD0];
	(tm) =	ssettm $0x1  }
0x91: {  	s18 =	sld [smem:$0x3FFB];
	_ =	sdelay $0x3  }
0x92: {  	_ =	strace s18  }
0x93: {  	s3 =	sld [smem:$0x3FFC];
	_ =	sdelay $0x3  }
0x94: {  	_ =	strace s3  }
0x95: {  	s3 =	sld [smem:$0x3FFD];
	_ =	sdelay $0x3  }
0x96: {  	_ =	strace s3  }
0x97: {  	_ =	strace $0x8FFFFFFF  }
0x98: {  	s19 =	sld [smem:$0x3FDB];
	_ =	sdelay $0x1  }
0x99: {  	s4 =	simm.s32 $_scs_section_size  }
0x9a: {  	s5 =	simm.s32 $_size__tile_overlayer_lowered;
	s6 =	simm.s32 $_tile_overlayer_lowered  }
0x9b: {  	s22 =	simm.s32 $0x1BFF;
	s21 =	sshll.u32 s6, $0x1;
	s3 =	sadd.s32 s4, s19  }
0x9c: {  	s7 =	simm.s32 $0x0;
	s20 =	sshll.u32 s5, $0x1;
	s5 =	sadd.s32 s21, s3  }
0x9d: {  	[timem:s7], [sflag:s22] =	dma.local [hbm:s5], s20  }
0x9e: {  	_ =	swait.ge [sflag:s22], s20  }
0x9f: {  	s4 =	ssub.s32 $0x0, s20;
	[sflag:s22] =	ssyncset.done $0x0  }
0xa0: {  	[sflag:s22] =	ssyncadd.s32 s4;
	_ =	sdelay $0x1  }
0xa1: {  	s23 =	simm.s32 $0x1B8B  }
0xa2: {  	_ =	swait.ge [sflag:s23], $0x1  }
0xa3: {  	[sflag:s23] =	ssyncset.done $0x0  }
0xa4: {  	s25 =	simm.s32 $0x1B8E;
	s24 =	sld [smem:$0x3FFE];
	[sflag:s23] =	ssyncadd.s32 $0xFFFFFFFF  }
0xa5: {  	s26 =	simm.s32 $execute0_lowered;
	[smem:$0x3FD2] =	sst s25  }
0xa6: {  	s5 =	sshll.u32 s26, $0x1;
	_ =	strace $0x80000046;
	[dreg:$0x1] =	wrdreg $0xFFFFFFFF  }
0xa7: {  	s28 =	simm.s32 $_size_execute0_lowered;
	s3 =	sadd.s32 s3, s5;
	[dreg:$0x0] =	wrdreg $0x0  }
0xa8: {  	s5 =	sshll.u32 s28, $0x1;
	[dreg:$0x2] =	wrdreg s3  }
0xa9: {  	[dreg:$0x3] =	wrdreg s5  }
0xaa: {  	[dreg:$0x4] =	wrdreg $0xC0  }
0xab: {  	_ =	task [dreg:s7], $0x5FFFF  }
0xac: {  	[dreg:$0x1] =	wrdreg $0xFFFFFFFF  }
0xad: {  	[dreg:$0x0] =	wrdreg $0x60  }
0xae: {  	[dreg:$0x2] =	wrdreg s24  }
0xaf: {  	[dreg:$0x3] =	wrdreg s2  }
0xb0: {  	[dreg:$0x4] =	wrdreg $0x9  }
0xb1: {  	_ =	task.clear_ibuf [dreg:s7], $0x5FFFF;
	_ =	strace $0x90000046  }
0xb2: {  	s29 =	simm.s32 $0x9;
	_ =	strace $0x80000048  }
0xb3: {  	_ =	swait.ge [sflag:s29], $0x1  }
0xb4: {  	[sflag:s29] =	ssyncadd.s32 $0xFFFFFFFF  }
0xb5: {  	_ =	strace $0x90000048  }
0xb6: {  	_ =	sfence  }
0xb7: {  	s30 =	sld [smem:$0x0];
	_ =	sdelay $0x2  }
0xb8: {  	s31 =	sshll.u32 s1, $0xD;
	s1 =	sshrl.u32 s1, $0x2  }
0xb9: {  	s3 =	sand.u32 $0x4000, s31;
	s1 =	sadd.s32 s1, s30  }
0xba: {  	s0 =	sor.u32 s3, s0;
	s1 =	sshll.u32 s1, $0x11  }
0xbb: {  	s0 =	sor.u32 s1, s0  }
0xbc: {  	s0 =	sadd.s32 $0x8F2B, s0  }
0xbd: {  	[sflag:s0] =	ssyncadd.remote.s32 $0x1  }
0xbe: {  	_ =	sfence.sel $0xFFFF  }
0xbf: {  	[dreg:$0x0] =	wrdreg $0xFFFFFFFF;
	(pc) =	sbr.abs _section_cstart, $3  }
0xc0: {  	[dreg:$0x1] =	wrdreg $0xFFFFFFFF  }
0xc1: {  	_ =	task.clear_ibuf [dreg:s7], $0x2FFFF;
	_ =	strace $0x9FFFFFFF  }
0xc2: {  	(tm) =	ssettm $0x7FFFFFFF  }
0xc3: {  	_ =	shalt  }
tec
execute0_lowered:
.L_overlay_start_1:
0x0: {  	(tag) =	ssettag $0x1  }
0x1: {  	s2 =	rddreg [dreg:$0x0]  }
0x2: {  	s3 =	simm.s32 $0x0;
	s0 =	srdreg.scid;
	s12 =	stileid.u32  }
0x3: {  	s16 =	simm.s32 $0x2;
	s18 =	simm.s32 $0x1;
	[smem:$0x7FF] =	sst s3  }
0x4: {  	s4 =	sadd.s32 $0xE00, s2;
	s5 =	sadd.s32 $0x1A00, s2;
	s6 =	sadd.s32 $0x2600, s2  }
0x5: {  	s7 =	sadd.s32 $0x3200, s2;
	s0 =	sand.u32 $0x1, s0;
	s9 =	sadd.s32 $0x200, s2  }
.Ltmp0:
0x6: {  	s10 =	sadd.s32 $0x3E00, s2;
	s11 =	sadd.s32 $0x4A00, s2;
	(pc) =	sbr.rel .LBB2_1-.Ltmp0, $4  }
0x7: {  	s8 =	sshll.u32 s12, $0x1;
	s13 =	sshll.u32 s12, $0xC;
	s1 =	ssub.s32 $0x2, s0  }
0x8: {  	_ =	strace $0x80000047;
	s14 =	sshll.u32 s0, $0xB;
	s30 =	sshrl.u32 s1, $0x1  }
0x9: {  	s12 =	sor.u32 s0, s8;
	s31 =	sor.u32 s14, s13;
	s1 =	ssub.s32 s1, s30  }
0xa: {  	v0 =	vimm.f32 $0.0e+00;
	v1 =	vlaneseq.u32;
	s0 =	simm.s32 $0x0;
	s14 =	sadd.s32 $0x4E20, s31;
	s13 =	smax.u32 s1, $0x1  }
.LBB2_45:
0xb: {  	_ =	swait.ge [sflag:s18], $0x80  }
0xc: {  	[sflag:s18] =	ssyncset.done $0x0  }
0xd: {  	[sflag:s18] =	ssyncadd.s32 $0xFFFFFF80  }
.LBB2_46:
0xe: {  	s0 =	sadd.s32 $0x1, s0  }
0xf: {  	p0 =	sne.s32 s0, s13  }
.Ltmp1:
0x10: {  	_ = 	snop;
	(pc) =	sbr.rel @!p0 .LBB2_47-.Ltmp1, $1  }
0x11: {  	_ =	sdelay $0x3  }
.LBB2_1:
0x12: {  	s1 =	rddreg [dreg:$0x1];
	s2 =	simm.s32 $0x5400  }
0x13: {  	[tilespmem:s2], [sflag:$0x2] =	stream.linear.gather [hbm4b:s1+s3], $0x500, $0x38;
	[tilespmem:$0x5980] =	vst v63  }
0x14: {  	_ =	swait.ge [sflag:s16], $0x500  }
0x15: {  	[sflag:s16] =	ssyncset.done $0x0  }
0x16: {  	[sflag:s16] =	ssyncadd.s32 $0xFFFFFB00  }
0x17: {  	s20 =	simm.s32 $0x5900;
	s19 =	rddreg [dreg:$0x0]  }
0x18: {  	[tilespmem:s20], [sflag:$0x2] =	stream.linear.gather [hbm4b:s19+s3], $0x80, $0x38;
	[tilespmem:$0x5980] =	vst v63  }
0x19: {  	_ =	swait.ge [sflag:s16], $0x80  }
0x1a: {  	[sflag:s16] =	ssyncset.done $0x0  }
0x1b: {  	[sflag:s16] =	ssyncadd.s32 $0xFFFFFF80  }
0x1c: {  	v2 =	vld [tilespmem:s12+$0x5900];
	_ =	sdelay $0x4  }
0x1d: {  	(v2sf) =	vpush v2, $0x0;
	_ =	sdelay $0xe  }
0x1e: {  	v2 =	vld [tilespmem:s12+$0x5901];
	s8 =	spop (v2sf)  }
0x1f: {  	v3 =	vld [tilespmem:s8+$0x5400];
	_ =	sdelay $0x3  }
0x20: {  	(v2sf) =	vpush v2, $0x0  }
0x21: {  	(v2sf) =	vpush v3, $0x0;
	_ =	sdelay $0xd  }
0x22: {  	s30 =	spop (v2sf)  }
0x23: {  	s21 =	spop (v2sf)  }
0x24: {  	s22 =	sand.u32 $0xF, s21  }
0x25: {  	s15 =	sshra.s32 s21, $0x1F;
	p0 =	slt.s32 s21, $0x1;
	p1 =	sne.s32 s22, $0x0  }
0x26: {  	s23 =	sshrl.u32 s15, $0x1C;
	p0 =	por !p0, !p1  }
0x27: {  	s2 =	simm.s32 $0x1;
	s1 =	sadd.s32 s23, s21;
	p0 =	por !p0, !p0  }
0x28: {  	s24 =	sshrl.u32 s1, $0x4;
	s2 =	simm.s32 @!p0 $0x0  }
0x29: {  	s2 =	ssub.s32 s24, s2  }
0x2a: {  	s31 =	sshll.u32 s2, $0x4  }
0x2b: {  	s2 =	sshrl.u32 s31, $0x3  }
0x2c: {  	s25 =	sadd.s32 s4, s2  }
0x2d: {  	v2 =	vld [tilespmem:s30+$0x5400];
	[tilespmem:s3], [sflag:$0x1] =	stream.linear.gather [hbm4b:s25+s3], $0x800, $0x38  }
0x2e: {  	s17 =	simm.s32 $0x880;
	s26 =	sadd.s32 s5, s2  }
0x2f: {  	[tilespmem:s17], [sflag:$0x1] =	stream.linear.gather [hbm4b:s26+s3], $0x800, $0x38;
	[tilespmem:$0x5980] =	vst v63  }
0x30: {  	s29 =	simm.s32 $0x1100;
	s28 =	sadd.s32 s6, s2  }
0x31: {  	[tilespmem:s29], [sflag:$0x1] =	stream.linear.gather [hbm4b:s28+s3], $0x800, $0x38;
	[tilespmem:$0x5980] =	vst v63  }
0x32: {  	s20 =	simm.s32 $0x1980;
	s19 =	sadd.s32 s7, s2  }
0x33: {  	[tilespmem:s20], [sflag:$0x1] =	stream.linear.gather [hbm4b:s19+s3], $0x800, $0x38;
	[tilespmem:$0x5980] =	vst v63  }
0x34: {  	s22 =	simm.s32 $0x2200;
	s21 =	sadd.s32 s9, s2  }
0x35: {  	[tilespmem:s22], [sflag:$0x1] =	stream.linear.gather [hbm4b:s21+s3], $0x800, $0x38;
	[tilespmem:$0x5980] =	vst v63  }
0x36: {  	s23 =	simm.s32 $0x2A80;
	s2 =	sadd.s32 s10, s2  }
0x37: {  	[tilespmem:s23], [sflag:$0x1] =	stream.linear.gather [hbm4b:s2+s3], $0x800, $0x38;
	[tilespmem:$0x5980] =	vst v63  }
0x38: {  	_ =	swait.ge [sflag:s18], $0x800  }
0x39: {  	[sflag:s18] =	ssyncset.done $0x0  }
0x3a: {  	[sflag:s18] =	ssyncadd.s32 $0xFFFFF800  }
0x3b: {  	_ =	swait.ge [sflag:s18], $0x800  }
0x3c: {  	[sflag:s18] =	ssyncset.done $0x0  }
0x3d: {  	[sflag:s18] =	ssyncadd.s32 $0xFFFFF800  }
0x3e: {  	_ =	swait.ge [sflag:s18], $0x800  }
0x3f: {  	[sflag:s18] =	ssyncset.done $0x0  }
0x40: {  	[sflag:s18] =	ssyncadd.s32 $0xFFFFF800  }
0x41: {  	_ =	swait.ge [sflag:s18], $0x800  }
0x42: {  	[sflag:s18] =	ssyncset.done $0x0  }
0x43: {  	[sflag:s18] =	ssyncadd.s32 $0xFFFFF800  }
0x44: {  	_ =	swait.ge [sflag:s18], $0x800  }
0x45: {  	[sflag:s18] =	ssyncset.done $0x0  }
0x46: {  	[sflag:s18] =	ssyncadd.s32 $0xFFFFF800  }
0x47: {  	_ =	swait.ge [sflag:s18], $0x800  }
0x48: {  	[sflag:s18] =	ssyncset.done $0x0  }
0x49: {  	s24 =	simm.s32 $0x0;
	[sflag:s18] =	ssyncadd.s32 $0xFFFFF800  }
0x4a: {  	v5 =	vld [tilespmem:s24+$0x1100]  }
0x4b: {  	v6 =	vld [tilespmem:s24+$0x0]  }
0x4c: {  	v7 =	vld [tilespmem:s24+$0x880]  }
0x4d: {  	v8 =	vld [tilespmem:s24+$0x1980]  }
0x4e: {  	s2 =	simm.s32 $0xFFFFFFFF  }
0x4f: {  	s2 =	simm.s32 @!p0 $0x0  }
0x50: {  	s1 =	sand.u32 $0xFFFFFFF0, s1;
	s2 =	sshll.u32 s2, $0x4  }
0x51: {  	v3 =	vbroadcast v3, $0x0;
	s2 =	sadd.s32 s2, s1;
	v9 =	vld [tilespmem:s24+$0x2A80]  }
0x52: {  	v4 =	vbroadcast v2, $0x0;
	s25 =	sadd.s32 $0x0, s2;
	v5 =	vsub.f32 v5, v6;
	v6 =	vsub.f32 v8, v7  }
0x53: {  	v7 =	vor.u32 s25, v1  }
0x54: {  	s26 =	sadd.s32 $0x0, s14;
	s28 =	sand.u32 $0x1E00, s3;
	vm0 =	vge.s32 v7, v3;
	vm1 =	vlt.s32 v7, v4;
	v5 =	vmul.f32 v6, v5  }
0x55: {  	s29 =	sand.u32 $0x70, s3;
	s17 =	sshrl.u32 s28, $0x2;
	[tilespmem:s24+$0x3B80] =	vst v0;
	vm0 =	vmand vm0, vm1;
	v6 =	vor.u32 s26, v1  }
0x56: {  	s15 =	sor.u32 s29, s17;
	[tilespmem:s24+$0x3300] =	vst v5;
	v5 =	vsel vm0, v9, v6  }
0x57: {  	s1 =	simm.s32 $0x10;
	[tilespmem:s15+$0x4400] =	vst v5  }
0x58: {  	v5 =	vld [tilespmem:s1+$0x1100]  }
0x59: {  	v6 =	vld [tilespmem:s1+$0x0]  }
0x5a: {  	v7 =	vld [tilespmem:s1+$0x880]  }
0x5b: {  	s19 =	simm.s32 $0x80;
	s17 =	simm.s32 $0x0;
	s15 =	simm.s32 $0x40;
	v8 =	vld [tilespmem:s1+$0x1980]  }
.LBB2_2:
0x5c: {  	p0 =	seq.s32 s19, $0x1FC0;
	_ =	sdelay $0x2  }
0x5d: {  	s17 =	sadd.s32 $0x10, s17;
	v9 =	vld [tilespmem:s1+$0x2A80]  }
0x5e: {  	s20 =	sadd.s32 s17, s2;
	v5 =	vsub.f32 v5, v6;
	v6 =	vsub.f32 v8, v7  }
0x5f: {  	v7 =	vor.u32 s20, v1  }
0x60: {  	s21 =	sand.u32 $0x1E00, s15;
	s15 =	smov.u32 s19;
	s20 =	sadd.s32 s17, s14;
	vm0 =	vge.s32 v7, v3;
	vm1 =	vlt.s32 v7, v4;
	v5 =	vmul.f32 v6, v5  }
0x61: {  	s21 =	sshrl.u32 s21, $0x2;
	vm0 =	vmand vm0, vm1;
	v6 =	vor.u32 s20, v1;
	s20 =	sand.u32 $0x70, s17;
	[tilespmem:s1+$0x3B80] =	vst v0  }
0x62: {  	s20 =	sor.u32 s20, s21;
	[tilespmem:s1+$0x3300] =	vst v5;
	v5 =	vsel vm0, v9, v6  }
.Ltmp2:
0x63: {  	s1 =	sshra.s32 s19, $0x2;
	[tilespmem:s20+$0x4400] =	vst v5;
	(pc) =	sbr.rel @!p0 .LBB2_2-.Ltmp2, $4  }
0x64: {  	v5 =	vld [tilespmem:s1+$0x1100]  }
0x65: {  	v6 =	vld [tilespmem:s1+$0x0]  }
0x66: {  	v7 =	vld [tilespmem:s1+$0x880]  }
0x67: {  	s19 =	sadd.s32 $0x40, s19;
	v8 =	vld [tilespmem:s1+$0x1980]  }
0x68: {  	(v2sf) =	vpush v2, $0x0;
	_ =	sdelay $0x8  }
0x69: {  	v9 =	vld [tilespmem:s1+$0x2A80];
	s17 =	sadd.s32 $0x10, s17  }
0x6a: {  	p0 =	slt.s32 s8, s30;
	s2 =	sadd.s32 s17, s2;
	v5 =	vsub.f32 v5, v6;
	v62 =	vsub.f32 v8, v7  }
.Ltmp3:
0x6b: {  	v63 =	vor.u32 s2, v1;
	(pc) =	sbr.rel @p0 .LBB2_12-.Ltmp3, $4  }
0x6c: {  	s15 =	sand.u32 $0x1E00, s15;
	s25 =	sadd.s32 s17, s14;
	vm0 =	vge.s32 v63, v3;
	vm1 =	vlt.s32 v63, v4;
	v5 =	vmul.f32 v62, v5  }
0x6d: {  	[tilespmem:s1+$0x3B80] =	vst v0;
	s26 =	sand.u32 $0x70, s17;
	s15 =	sshrl.u32 s15, $0x2;
	v3 =	vor.u32 s25, v1;
	vm0 =	vmand vm0, vm1  }
0x6e: {  	s29 =	sor.u32 s26, s15;
	v3 =	vsel vm0, v9, v3;
	[tilespmem:s1+$0x3300] =	vst v5  }
0x6f: {  	[tilespmem:s29+$0x4400] =	vst v3;
	s28 =	spop (v2sf)  }
.LBB2_4:
0x70: {  	s2 =	simm.s32 $0x0  }
0x71: {  	v2 =	vld [tilespmem:s2+$0x3B80]  }
0x72: {  	v3 =	vld [tilespmem:s2+$0x2200];
	_ =	sdelay $0x3  }
0x73: {  	s1 =	simm.s32 $0x0  }
0x74: {  	s8 =	ssub.s32 s28, s31;
	s31 =	sand.u32 $0x1E00, s1;
	vm0 =	vlt.f32 v2, $5.000000000e-01;
	vm1 =	vgt.f32 v3, $2.000000030e-01  }
0x75: {  	s15 =	sand.u32 $0x70, s1;
	s2 =	sshrl.u32 s31, $0x2;
	vm0 =	vmand vm0, vm1  }
0x76: {  	s2 =	sor.u32 s15, s2;
	v2 =	vnsel vm0, $0x0, v3  }
0x77: {  	s17 =	simm.s32 $0x10;
	[tilespmem:s2+$0x4C00] =	vst v2  }
0x78: {  	s15 =	simm.s32 $0x80;
	s2 =	simm.s32 $0x40;
	v2 =	vld [tilespmem:s17+$0x3B80]  }
.LBB2_5:
0x79: {  	p0 =	sne.s32 s15, $0x1FC0;
	v3 =	vld [tilespmem:s17+$0x2200];
	_ =	sdelay $0x4  }
.Ltmp4:
0x7a: {  	s2 =	sand.u32 $0x1E00, s2;
	s1 =	sadd.s32 $0x10, s1;
	vm0 =	vlt.f32 v2, $5.000000000e-01;
	vm1 =	vgt.f32 v3, $2.000000030e-01;
	(pc) =	sbr.rel @p0 .LBB2_5-.Ltmp4, $4  }
0x7b: {  	s17 =	sand.u32 $0x70, s1;
	s19 =	sshrl.u32 s2, $0x2;
	s2 =	smov.u32 s15;
	vm0 =	vmand vm0, vm1  }
0x7c: {  	s19 =	sor.u32 s17, s19;
	v2 =	vnsel vm0, $0x0, v3  }
0x7d: {  	s17 =	sshra.s32 s15, $0x2;
	[tilespmem:s19+$0x4C00] =	vst v2  }
0x7e: {  	s15 =	sadd.s32 $0x40, s15;
	v2 =	vld [tilespmem:s17+$0x3B80]  }
0x7f: {  	v3 =	vld [tilespmem:s17+$0x2200];
	_ =	sdelay $0x2  }
0x80: {  	p0 =	slt.s32 s8, $0x1  }
.Ltmp5:
0x81: {  	_ = 	snop;
	(pc) =	sbr.rel @p0 .LBB2_46-.Ltmp5, $4  }
0x82: {  	s2 =	sand.u32 $0x1E00, s2;
	s1 =	sadd.s32 $0x10, s1;
	vm0 =	vlt.f32 v2, $5.000000000e-01;
	vm1 =	vgt.f32 v3, $2.000000030e-01  }
0x83: {  	s1 =	sand.u32 $0x70, s1;
	s2 =	sshrl.u32 s2, $0x2;
	vm0 =	vmand vm0, vm1  }
0x84: {  	s1 =	sor.u32 s1, s2;
	v2 =	vnsel vm0, $0x0, v3  }
0x85: {  	s17 =	simm.s32 $0x80;
	[tilespmem:s1+$0x4C00] =	vst v2  }
0x86: {  	p0 =	slt.u32 s8, $0x81  }
.Ltmp6:
0x87: {  	_ = 	snop;
	(pc) =	sbr.rel @p0 .LBB2_45-.Ltmp6, $3  }
0x88: {  	_ =	sdelay $0x1  }
0x89: {  	s1 =	simm.s32 $0x4400;
	s2 =	simm.s32 $0x4C00  }
0x8a: {  	[hbm4b:s11+s17] =	stream.indirect.scatter [tilespmem:s2], [sflag:$0x1], $0x1, s1, s17, $0xb8;
	[tilespmem:$0x5980] =	vst v63  }
0x8b: {  	s1 =	simm.s32 $0x4480;
	s2 =	simm.s32 $0x4C80;
	p3 =	slt.u32 s8, $0x101  }
0x8c: {  	[hbm4b:s11+s17] =	stream.indirect.scatter [tilespmem:s2], [sflag:$0x1], $0x1, s1, s17, $0xb8;
	[tilespmem:$0x5980] =	vst v63  }
0x8d: {  	s1 =	simm.s32 @!p3 $0x80;
	p0 =	slt.u32 @!p3 s8, $0x181  }
0x8e: {  	s2 =	simm.s32 @!p3 $0x4500;
	s15 =	simm.s32 @!p3 $0x4D00;
	p1 =	por p3, p0  }
0x8f: {  	[hbm4b:s11+s1] =	stream.indirect.scatter @!p3 [tilespmem:s15], [sflag:$0x1], $0x1, s2, s1, $0xb8;
	[tilespmem:$0x5980] =	vst v63  }
0x90: {  	s1 =	simm.s32 @!p1 $0x80;
	p0 =	slt.u32 @!p1 s8, $0x201  }
0x91: {  	s2 =	simm.s32 @!p1 $0x4580;
	s15 =	simm.s32 @!p1 $0x4D80;
	p0 =	por p1, p0  }
0x92: {  	[hbm4b:s11+s1] =	stream.indirect.scatter @!p1 [tilespmem:s15], [sflag:$0x1], $0x1, s2, s1, $0xb8;
	[tilespmem:$0x5980] =	vst v63  }
0x93: {  	s1 =	simm.s32 @!p0 $0x80;
	p2 =	slt.u32 @!p0 s8, $0x281  }
0x94: {  	s2 =	simm.s32 @!p0 $0x4600;
	s15 =	simm.s32 @!p0 $0x4E00;
	p4 =	por p0, p2  }
0x95: {  	[hbm4b:s11+s1] =	stream.indirect.scatter @!p0 [tilespmem:s15], [sflag:$0x1], $0x1, s2, s1, $0xb8;
	[tilespmem:$0x5980] =	vst v63  }
0x96: {  	s1 =	simm.s32 @!p4 $0x80;
	p2 =	slt.u32 @!p4 s8, $0x301  }
0x97: {  	s2 =	simm.s32 @!p4 $0x4680;
	s15 =	simm.s32 @!p4 $0x4E80;
	p6 =	por p4, p2  }
0x98: {  	[hbm4b:s11+s1] =	stream.indirect.scatter @!p4 [tilespmem:s15], [sflag:$0x1], $0x1, s2, s1, $0xb8;
	[tilespmem:$0x5980] =	vst v63  }
0x99: {  	p2 =	slt.u32 @!p6 s8, $0x381  }
0x9a: {  	p5 =	por p6, p2  }
0x9b: {  	p2 =	slt.u32 @!p5 s8, $0x401  }
0x9c: {  	p2 =	por p5, p2  }
.Ltmp7:
0x9d: {  	_ = 	snop;
	(pc) =	sbr.rel @p2 .LBB2_28-.Ltmp7, $4  }
0x9e: {  	s1 =	simm.s32 @!p6 $0x80;
	s2 =	simm.s32 @!p6 $0x4700;
	s15 =	simm.s32 @!p6 $0x4F00  }
0x9f: {  	[hbm4b:s11+s1] =	stream.indirect.scatter @!p6 [tilespmem:s15], [sflag:$0x1], $0x1, s2, s1, $0xb8;
	[tilespmem:$0x5980] =	vst v63  }
0xa0: {  	s1 =	simm.s32 @!p5 $0x80;
	s2 =	simm.s32 @!p5 $0x4780;
	s15 =	simm.s32 @!p5 $0x4F80  }
0xa1: {  	[hbm4b:s11+s1] =	stream.indirect.scatter @!p5 [tilespmem:s15], [sflag:$0x1], $0x1, s2, s1, $0xb8;
	[tilespmem:$0x5980] =	vst v63  }
0xa2: {  	s1 =	simm.s32 $0x4800;
	s2 =	simm.s32 $0x5000;
	p0 =	slt.u32 s8, $0x481  }
0xa3: {  	[hbm4b:s11+s17] =	stream.indirect.scatter [tilespmem:s2], [sflag:$0x1], $0x1, s1, s17, $0xb8;
	[tilespmem:$0x5980] =	vst v63  }
0xa4: {  	s1 =	simm.s32 @!p0 $0x80;
	p1 =	slt.u32 @!p0 s8, $0x501  }
0xa5: {  	s2 =	simm.s32 @!p0 $0x4880;
	s15 =	simm.s32 @!p0 $0x5080;
	p1 =	por p0, p1  }
0xa6: {  	[hbm4b:s11+s1] =	stream.indirect.scatter @!p0 [tilespmem:s15], [sflag:$0x1], $0x1, s2, s1, $0xb8;
	[tilespmem:$0x5980] =	vst v63  }
0xa7: {  	p2 =	slt.u32 @!p1 s8, $0x581  }
0xa8: {  	p6 =	por p1, p2  }
0xa9: {  	p2 =	slt.u32 @!p6 s8, $0x601  }
0xaa: {  	p2 =	por p6, p2  }
.Ltmp8:
0xab: {  	_ = 	snop;
	(pc) =	sbr.rel @p2 .LBB2_10-.Ltmp8, $4  }
0xac: {  	s1 =	simm.s32 @!p1 $0x80;
	s2 =	simm.s32 @!p1 $0x4900;
	s15 =	simm.s32 @!p1 $0x5100  }
0xad: {  	[hbm4b:s11+s1] =	stream.indirect.scatter @!p1 [tilespmem:s15], [sflag:$0x1], $0x1, s2, s1, $0xb8;
	[tilespmem:$0x5980] =	vst v63  }
0xae: {  	s1 =	simm.s32 @!p6 $0x80;
	s2 =	simm.s32 @!p6 $0x4980;
	s15 =	simm.s32 @!p6 $0x5180  }
0xaf: {  	[hbm4b:s11+s1] =	stream.indirect.scatter @!p6 [tilespmem:s15], [sflag:$0x1], $0x1, s2, s1, $0xb8;
	[tilespmem:$0x5980] =	vst v63  }
0xb0: {  	s1 =	simm.s32 $0x4A00;
	s2 =	simm.s32 $0x5200;
	p6 =	slt.u32 s8, $0x681  }
0xb1: {  	[hbm4b:s11+s17] =	stream.indirect.scatter [tilespmem:s2], [sflag:$0x1], $0x1, s1, s17, $0xb8;
	[tilespmem:$0x5980] =	vst v63  }
0xb2: {  	s1 =	simm.s32 @!p6 $0x80;
	p0 =	slt.u32 @!p6 s8, $0x701  }
0xb3: {  	s2 =	simm.s32 @!p6 $0x4A80;
	s15 =	simm.s32 @!p6 $0x5280;
	p2 =	por p0, p6  }
0xb4: {  	[hbm4b:s11+s1] =	stream.indirect.scatter @!p6 [tilespmem:s15], [sflag:$0x1], $0x1, s2, s1, $0xb8;
	[tilespmem:$0x5980] =	vst v63  }
0xb5: {  	s1 =	simm.s32 @!p2 $0x80;
	s2 =	simm.s32 @!p2 $0x4B00;
	p1 =	slt.u32 @!p2 s8, $0x781  }
0xb6: {  	s15 =	simm.s32 @!p2 $0x5300;
	p3 =	por @!p6 p1, p0;
	p4 =	por @!p6 !p1, p0  }
0xb7: {  	[hbm4b:s11+s1] =	stream.indirect.scatter @!p2 [tilespmem:s15], [sflag:$0x1], $0x1, s2, s1, $0xb8;
	[tilespmem:$0x5980] =	vst v63  }
0xb8: {  	p1 =	por @!p2 $0x1, $0x1;
	p0 =	por !p0, p6;
	p3 =	por p3, p6  }
0xb9: {  	p4 =	por !p4, p6;
	p2 =	por @!p2 $0x0, $0x0;
	s1 =	simm.s32 @!p3 $0x80  }
0xba: {  	s2 =	simm.s32 @!p3 $0x4B80;
	s15 =	simm.s32 @!p3 $0x5380;
	p5 =	por @!p3 $0x1, $0x1  }
0xbb: {  	[hbm4b:s11+s1] =	stream.indirect.scatter @!p3 [tilespmem:s15], [sflag:$0x1], $0x1, s2, s1, $0xb8;
	[tilespmem:$0x5980] =	vst v63  }
0xbc: {  	p1 =	por @!p4 p5, p5;
	p2 =	por @!p4 p5, p5;
	p4 =	por @!p6 $0x1, $0x1  }
0xbd: {  	p5 =	por @!p6 $0x0, $0x0;
	p3 =	por p1, p1;
	p1 =	por @!p0 p4, p4  }
0xbe: {  	p2 =	por @!p0 p5, p5;
	p3 =	por @!p0 p5, p5;
	p0 =	por $0x0, $0x0  }
0xbf: {  	p0 =	por @!p6 p3, p3  }
0xc0: {  	p4 =	por $0x1, $0x1;
	s1 =	simm.s32 @!p0 $0x0  }
.Ltmp9:
0xc1: {  	s1 =	simm.s32 @p0 $0x1;
	p0 =	por $0x1, $0x1;
	(pc) =	sbr.rel .LBB2_21-.Ltmp9, $4  }
0xc2: {  	p4 =	por @!p6 p1, p1;
	p5 =	por $0x1, $0x1;
	p0 =	por @!p6 p1, p1  }
0xc3: {  	p5 =	por @!p6 p1, p1;
	[smem:$0x7FC] =	sst s1;
	s1 =	simm.s32 @!p0 $0x0  }
0xc4: {  	p3 =	por $0x0, $0x0;
	s1 =	simm.s32 @p0 $0x1;
	p0 =	por $0x0, $0x0  }
0xc5: {  	p3 =	por @!p6 p1, p1;
	[smem:$0x7FD] =	sst s1;
	p0 =	por @!p6 p2, p2  }
.LBB2_11:
0xc6: {  	s8 =	sadd.s32 $0x1, s8  }
0xc7: {  	p0 =	seq.s32 s8, s30  }
.Ltmp10:
0xc8: {  	_ = 	snop;
	(pc) =	sbr.rel @p0 .LBB2_4-.Ltmp10, $1  }
0xc9: {  	_ =	sdelay $0x3  }
.LBB2_12:
0xca: {  	v2 =	vld [tilespmem:s8+$0x5401]  }
0xcb: {  	v3 =	vld [tilespmem:s8+$0x5400];
	_ =	sdelay $0x3  }
0xcc: {  	(v2sf) =	vpush v2, $0x0  }
0xcd: {  	(v2sf) =	vpush v3, $0x0;
	_ =	sdelay $0xd  }
0xce: {  	s1 =	spop (v2sf)  }
0xcf: {  	s2 =	spop (v2sf)  }
0xd0: {  	s15 =	ssub.s32 s2, s31  }
0xd1: {  	s2 =	ssub.s32 s1, s31;
	p0 =	sgt.s32 s15, $0x0  }
0xd2: {  	p1 =	slt.s32 s2, $0x800;
	s29 =	smov.u32 s2;
	s15 =	simm.s32 @!p0 $0x0  }
0xd3: {  	s29 =	simm.s32 @!p1 $0x800;
	s1 =	smin.u32 s15, $0x800  }
0xd4: {  	p0 =	sge.s32 s1, s29  }
.Ltmp11:
0xd5: {  	_ = 	snop;
	(pc) =	sbr.rel @p0 .LBB2_11-.Ltmp11, $1  }
0xd6: {  	_ =	sdelay $0x3  }
0xd7: {  	s15 =	sadd.s32 $0xF, s29  }
0xd8: {  	p0 =	slt.s32 s2, $0xFFFFFFF2;
	s17 =	sand.u32 $0xF, s15  }
.Ltmp12:
0xd9: {  	s19 =	sshra.s32 s15, $0x1F;
	p1 =	sne.s32 s17, $0x0;
	(pc) =	sbr.rel .LBB2_14-.Ltmp12, $4  }
0xda: {  	s26 =	sshrl.u32 s19, $0x1C;
	p0 =	por !p0, !p1  }
0xdb: {  	s2 =	sadd.s32 s26, s15;
	s15 =	simm.s32 $0x1;
	p0 =	por !p0, !p0  }
0xdc: {  	s2 =	sshra.s32 s2, $0x4;
	s15 =	simm.s32 @!p0 $0x0  }
0xdd: {  	v2 =	vmov s29;
	s26 =	sadd.s32 $0x1, s1;
	s25 =	ssub.s32 s2, s15  }
.LBB2_15:
0xde: {  	s2 =	sadd.s32 $0x1, s1  }
.LBB2_19:
0xdf: {  	p0 =	seq.s32 s2, s29  }
.Ltmp13:
0xe0: {  	_ = 	snop;
	(pc) =	sbr.rel @p0 .LBB2_11-.Ltmp13, $2  }
0xe1: {  	_ =	sdelay $0x2  }
0xe2: {  	s26 =	sadd.s32 $0x1, s26;
	s1 =	smov.u32 s2  }
.LBB2_14:
0xe3: {  	v3 =	vld [tilespmem:s1+$0x3B80];
	_ =	sdelay $0x1  }
0xe4: {  	v4 =	vld [tilespmem:s1+$0x2200];
	_ =	sdelay $0x2  }
0xe5: {  	(v2sf) =	vpush v3, $0x0;
	_ =	sdelay $0x1  }
0xe6: {  	(v2sf) =	vpush v4, $0x0;
	_ =	sdelay $0xc  }
0xe7: {  	s2 =	spop (v2sf)  }
0xe8: {  	p0 =	slt.f32 s2, $5.000000000e-01  }
0xe9: {  	s2 =	spop (v2sf)  }
0xea: {  	p1 =	sgt.f32 @p0 s2, $2.000000030e-01;
	_ =	sdelay $0x1  }
0xeb: {  	p0 =	por !p0, !p1  }
.Ltmp14:
0xec: {  	_ = 	snop;
	(pc) =	sbr.rel @p0 .LBB2_15-.Ltmp14, $1  }
0xed: {  	_ =	sdelay $0x3  }
0xee: {  	s2 =	sadd.s32 $0x1, s1  }
0xef: {  	s23 =	sshrl.u32 s2, $0x4  }
0xf0: {  	p0 =	sge.s32 s23, s25  }
.Ltmp15:
0xf1: {  	_ = 	snop;
	(pc) =	sbr.rel @p0 .LBB2_19-.Ltmp15, $1  }
0xf2: {  	_ =	sdelay $0x3  }
0xf3: {  	v3 =	vld.msk [tilespmem:s1+$0x0 ss:$0x0], $0xffff  }
0xf4: {  	s15 =	sshll.u32 s26, $0x2;
	v4 =	vld.msk [tilespmem:s1+$0x880 ss:$0x0], $0xffff  }
0xf5: {  	v5 =	vld.msk [tilespmem:s1+$0x1100 ss:$0x0], $0xffff;
	s15 =	sshra.s32 s15, $0x2  }
0xf6: {  	v6 =	vld.msk [tilespmem:s1+$0x1980 ss:$0x0], $0xffff;
	s24 =	sand.u32 $0xFFFFFFF0, s15  }
0xf7: {  	s15 =	sadd.s32 $0x1100, s24;
	v8 =	vld [tilespmem:s24+$0x0]  }
0xf8: {  	s17 =	sadd.s32 $0x880, s24;
	v9 =	vld [tilespmem:s15+$0x0]  }
0xf9: {  	s19 =	sadd.s32 $0x1980, s24;
	v10 =	vld [tilespmem:s17+$0x0]  }
0xfa: {  	v11 =	vld [tilespmem:s19+$0x0];
	_ =	sdelay $0x2  }
0xfb: {  	v7 =	vld.msk [tilespmem:s1+$0x3300 ss:$0x0], $0xffff;
	s20 =	sadd.s32 $0x3300, s24  }
0xfc: {  	v12 =	vld [tilespmem:s20+$0x0];
	v8 =	vmax.f32 v3, v8  }
0xfd: {  	v10 =	vmax.f32 v4, v10;
	v9 =	vmin.f32 v5, v9;
	v11 =	vmin.f32 v6, v11  }
0xfe: {  	v8 =	vsub.f32 v9, v8;
	v9 =	vsub.f32 v11, v10;
	_ =	sdelay $0x1  }
0xff: {  	v8 =	vmax.f32 v8, $0.0e+00;
	v9 =	vmax.f32 v9, $0.0e+00  }
0x100: {  	v8 =	vmul.f32 v9, v8;
	v9 =	vadd.f32 v12, v7;
	_ =	sdelay $0x1  }
0x101: {  	v9 =	vsub.f32 v9, v8;
	_ =	sdelay $0x1  }
0x102: {  	v9 =	vadd.f32 $9.999999970e-07, v9;
	_ =	sdelay $0x1  }
0x103: {  	(erf) = vrcp.f32 v9;
	_ =	sdelay $0x8  }
0x104: {  	s21 =	sadd.s32 $0x3B80, s24;
	v9 =	vpop (erf)  }
0x105: {  	s22 =	sand.u32 $0xFFFFFFF0, s26;
	s23 =	sadd.s32 $0x1, s23;
	v10 =	vld [tilespmem:s21+$0x0];
	v9 =	vmul.f32 v9, v8  }
0x106: {  	p0 =	slt.s32 s23, s25;
	v11 =	vor.u32 s22, v1;
	v8 =	vmov s1  }
.Ltmp16:
0x107: {  	vm1 =	vgt.u32 v11, v8;
	vm0 =	vgt.f32 v9, $5.000000000e-01;
	(pc) =	sbr.rel @!p0 .LBB2_19-.Ltmp16, $4  }
0x108: {  	vm15 =	vlt.s32 v11, v2;
	vm0 =	vmand vm1, vm0  }
0x109: {  	vm0 =	vmand vm15, vm0  }
0x10a: {  	v9 =	vsel vm0, $0x3F800000, v10  }
0x10b: {  	s1 =	sadd.s32 $0x10, s24;
	[tilespmem:s21+$0x0] =	vst v9  }
.LBB2_18:
0x10c: {  	v9 =	vld [tilespmem:s1+$0x0];
	s15 =	sadd.s32 $0x10, s15  }
0x10d: {  	s17 =	sadd.s32 $0x10, s17;
	v10 =	vld [tilespmem:s15+$0x0]  }
0x10e: {  	s19 =	sadd.s32 $0x10, s19;
	v11 =	vld [tilespmem:s17+$0x0]  }
0x10f: {  	s23 =	sadd.s32 $0x1, s23;
	v12 =	vld [tilespmem:s19+$0x0]  }
0x110: {  	p0 =	slt.s32 s23, s25;
	_ =	sdelay $0x1  }
0x111: {  	s20 =	sadd.s32 $0x10, s20  }
0x112: {  	v9 =	vmax.f32 v3, v9;
	v13 =	vld [tilespmem:s20+$0x0]  }
0x113: {  	v10 =	vmin.f32 v5, v10;
	v11 =	vmax.f32 v4, v11;
	v12 =	vmin.f32 v6, v12  }
0x114: {  	v9 =	vsub.f32 v10, v9;
	v10 =	vsub.f32 v12, v11;
	_ =	sdelay $0x1  }
0x115: {  	v9 =	vmax.f32 v9, $0.0e+00;
	v10 =	vmax.f32 v10, $0.0e+00  }
0x116: {  	v9 =	vmul.f32 v10, v9;
	v10 =	vadd.f32 v13, v7;
	_ =	sdelay $0x1  }
0x117: {  	v10 =	vsub.f32 v10, v9;
	_ =	sdelay $0x1  }
0x118: {  	v10 =	vadd.f32 $9.999999970e-07, v10;
	_ =	sdelay $0x1  }
0x119: {  	(erf) = vrcp.f32 v10;
	_ =	sdelay $0x8  }
0x11a: {  	s21 =	sadd.s32 $0x10, s21;
	v10 =	vpop (erf)  }
0x11b: {  	s22 =	sadd.s32 $0x10, s22;
	v9 =	vmul.f32 v10, v9;
	v10 =	vld [tilespmem:s21+$0x0]  }
0x11c: {  	v11 =	vor.u32 s22, v1  }
.Ltmp17:
0x11d: {  	vm1 =	vgt.u32 v11, v8;
	vm0 =	vgt.f32 v9, $5.000000000e-01;
	(pc) =	sbr.rel @p0 .LBB2_18-.Ltmp17, $4  }
0x11e: {  	vm0 =	vmand vm1, vm0;
	vm1 =	vlt.s32 v11, v2  }
0x11f: {  	vm0 =	vmand vm1, vm0  }
0x120: {  	v9 =	vsel vm0, $0x3F800000, v10  }
0x121: {  	s1 =	sadd.s32 $0x10, s1;
	[tilespmem:s21+$0x0] =	vst v9  }
.Ltmp18:
0x122: {  	_ = 	snop;
	(pc) =	sbr.rel .LBB2_19-.Ltmp18, $1  }
0x123: {  	_ =	sdelay $0x3  }
.LBB2_28:
0x124: {  	p2 =	por @!p3 $0x0, $0x0  }
0x125: {  	s1 =	simm.s32 @!p2 $0x0  }
0x126: {  	s1 =	simm.s32 @p2 $0x1  }
0x127: {  	[smem:$0x7F4] =	sst s1;
	s1 =	simm.s32 @!p3 $0x0  }
0x128: {  	p2 =	por $0x0, $0x0;
	s1 =	simm.s32 @p3 $0x1;
	s21 =	sld [smem:$0x7F4]  }
0x129: {  	[smem:$0x7FB] =	sst s1;
	s1 =	simm.s32 @!p2 $0x0  }
0x12a: {  	s1 =	simm.s32 @p2 $0x1;
	s22 =	sld [smem:$0x7FB]  }
0x12b: {  	[smem:$0x7F5] =	sst s1  }
0x12c: {  	s23 =	sld [smem:$0x7F5];
	_ =	sdelay $0x1  }
0x12d: {  	p2 =	seq.s32 s21, $0x1;
	s1 =	simm.s32 @!p5 $0x0  }
0x12e: {  	s1 =	simm.s32 @p5 $0x1;
	p3 =	seq.s32 s22, $0x1;
	p5 =	seq.s32 s23, $0x1  }
0x12f: {  	p5 =	por @!p3 p2, p2  }
0x130: {  	[smem:$0x7F8] =	sst s1;
	s1 =	simm.s32 @!p5 $0x0  }
0x131: {  	s1 =	simm.s32 @p5 $0x1  }
0x132: {  	[smem:$0x7F5] =	sst s1  }
0x133: {  	s1 =	sld [smem:$0x7F5];
	_ =	sdelay $0x2  }
0x134: {  	p3 =	seq.s32 s1, $0x1  }
0x135: {  	p5 =	por @!p1 $0x0, $0x0;
	p2 =	por p3, p3  }
0x136: {  	p2 =	por @!p1 p5, p5  }
0x137: {  	s1 =	simm.s32 @!p2 $0x0  }
0x138: {  	s1 =	simm.s32 @p2 $0x1  }
0x139: {  	[smem:$0x7F9] =	sst s1  }
0x13a: {  	s1 =	sld [smem:$0x7F9];
	_ =	sdelay $0x1  }
0x13b: {  	p2 =	por @!p1 $0x1, $0x1  }
0x13c: {  	p3 =	por @!p1 p2, p2;
	p2 =	seq.s32 s1, $0x1  }
0x13d: {  	p5 =	por @!p0 $0x0, $0x0;
	p1 =	por p2, p2  }
0x13e: {  	p1 =	por @!p0 p5, p5  }
0x13f: {  	p5 =	por p1, p1;
	p1 =	por @!p0 $0x1, $0x1  }
0x140: {  	p2 =	por @!p0 p1, p1  }
0x141: {  	s1 =	simm.s32 @!p2 $0x0  }
0x142: {  	s1 =	simm.s32 @p2 $0x1;
	p2 =	por @!p0 $0x1, $0x1  }
0x143: {  	[smem:$0x7F9] =	sst s1;
	p3 =	por @!p0 p2, p2  }
0x144: {  	p2 =	por @!p4 $0x0, $0x0;
	p0 =	por p5, p5;
	s24 =	sld [smem:$0x7F9]  }
0x145: {  	p0 =	por @!p4 p2, p2  }
0x146: {  	p1 =	por p5, p5;
	s1 =	simm.s32 @!p0 $0x0  }
0x147: {  	p2 =	por @!p4 $0x1, $0x1;
	s1 =	simm.s32 @p0 $0x1;
	p0 =	seq.s32 s24, $0x1  }
0x148: {  	[smem:$0x7F6] =	sst s1;
	p0 =	por @!p4 p2, p2;
	p2 =	por @!p4 $0x1, $0x1  }
0x149: {  	s25 =	sld [smem:$0x7F6];
	p3 =	por @!p4 p2, p2;
	p2 =	por @!p4 $0x1, $0x1  }
0x14a: {  	p1 =	por @!p4 p2, p2  }
0x14b: {  	s1 =	simm.s32 @!p1 $0x0  }
0x14c: {  	p2 =	seq.s32 s25, $0x1;
	s1 =	simm.s32 @p1 $0x1  }
0x14d: {  	[smem:$0x7F7] =	sst s1;
	s1 =	simm.s32 @!p2 $0x0  }
0x14e: {  	s1 =	simm.s32 @p2 $0x1  }
0x14f: {  	[smem:$0x7FA] =	sst s1  }
0x150: {  	s1 =	sld [smem:$0x7FA];
	_ =	sdelay $0x2  }
0x151: {  	p4 =	por @!p6 $0x1, $0x1;
	p1 =	seq.s32 s1, $0x1  }
0x152: {  	p1 =	por @!p6 p4, p4  }
0x153: {  	p4 =	por @!p6 $0x1, $0x1;
	s1 =	simm.s32 @!p1 $0x0  }
0x154: {  	p0 =	por @!p6 p4, p4;
	s1 =	simm.s32 @p1 $0x1  }
0x155: {  	[smem:$0x7FA] =	sst s1;
	s1 =	simm.s32 @!p0 $0x0  }
0x156: {  	s1 =	simm.s32 @p0 $0x1  }
0x157: {  	[smem:$0x7F9] =	sst s1  }
0x158: {  	_ =	swait.ge [sflag:s18], $0x80  }
0x159: {  	s26 =	sld [smem:$0x7F7]  }
0x15a: {  	s28 =	sld [smem:$0x7F8]  }
0x15b: {  	p4 =	por @!p6 $0x0, $0x0;
	s29 =	sld [smem:$0x7FA]  }
0x15c: {  	p2 =	por @!p6 p4, p4;
	p0 =	por @!p6 $0x1, $0x1  }
0x15d: {  	p3 =	por @!p6 p0, p0;
	p1 =	seq.s32 s26, $0x1;
	p5 =	seq.s32 s28, $0x1  }
0x15e: {  	p4 =	seq.s32 s29, $0x1;
	p1 =	por @!p6 p0, p0;
	p0 =	por @!p5 $0x1, $0x1  }
0x15f: {  	p4 =	por @!p5 p0, p0  }
0x160: {  	s1 =	simm.s32 @!p4 $0x0  }
0x161: {  	[sflag:s18] =	ssyncset.done $0x0;
	s1 =	simm.s32 @p4 $0x1  }
0x162: {  	[sflag:s18] =	ssyncadd.s32 $0xFFFFFF80;
	[smem:$0x7FA] =	sst s1  }
0x163: {  	s30 =	sld [smem:$0x7F9];
	_ =	swait.ge [sflag:s18], $0x80  }
0x164: {  	s31 =	sld [smem:$0x7FB];
	_ =	sdelay $0x2  }
0x165: {  	p4 =	seq.s32 s31, $0x1  }
.Ltmp19:
0x166: {  	_ = 	snop;
	(pc) =	sbr.rel @p4 .LBB2_34-.Ltmp19, $4  }
0x167: {  	_ = 	snop  }
0x168: {  	p6 =	seq.s32 s30, $0x1  }
0x169: {  	p6 =	por @!p5 p0, p0;
	p3 =	por @!p5 p0, p0;
	[sflag:s18] =	ssyncset.done $0x0  }
0x16a: {  	p1 =	por @!p5 p0, p0;
	p2 =	por @!p5 p0, p0;
	[sflag:s18] =	ssyncadd.s32 $0xFFFFFF80  }
.Ltmp20:
0x16b: {  	(pc) =	sbr.rel @p3 .LBB2_35-.Ltmp20, $4  }
0x16c: {  	_ = 	snop  }
0x16d: {  	_ =	swait.ge [sflag:s18], $0x80  }
0x16e: {  	[sflag:s18] =	ssyncset.done $0x0  }
0x16f: {  	[sflag:s18] =	ssyncadd.s32 $0xFFFFFF80  }
.LBB2_30:
.Ltmp21:
0x170: {  	(pc) =	sbr.rel @!p6 .LBB2_31-.Ltmp21, $1  }
0x171: {  	_ =	sdelay $0x3  }
.LBB2_36:
.Ltmp22:
0x172: {  	(pc) =	sbr.rel @p1 .LBB2_37-.Ltmp22, $4  }
0x173: {  	_ = 	snop  }
0x174: {  	_ =	swait.ge [sflag:s18], $0x80  }
0x175: {  	[sflag:s18] =	ssyncset.done $0x0  }
0x176: {  	[sflag:s18] =	ssyncadd.s32 $0xFFFFFF80  }
.LBB2_32:
0x177: {  	s1 =	sld [smem:$0x7FA];
	_ =	sdelay $0x2  }
0x178: {  	p0 =	seq.s32 s1, $0x1  }
.Ltmp23:
0x179: {  	_ = 	snop;
	(pc) =	sbr.rel @!p0 .LBB2_33-.Ltmp23, $1  }
0x17a: {  	_ =	sdelay $0x3  }
.LBB2_38:
.Ltmp24:
0x17b: {  	(pc) =	sbr.rel @p2 .LBB2_45-.Ltmp24, $4  }
.Ltmp25:
0x17c: {  	(pc) =	sbr.rel @!p2 .LBB2_46-.Ltmp25, $4  }
0x17d: {  	_ =	swait.ge [sflag:s18], $0x80  }
0x17e: {  	[sflag:s18] =	ssyncset.done $0x0  }
0x17f: {  	[sflag:s18] =	ssyncadd.s32 $0xFFFFFF80  }
0x180: {  	_ = 	snop  }
.LBB2_10:
0x181: {  	p2 =	por @!p0 $0x0, $0x0;
	p4 =	por $0x0, $0x0  }
0x182: {  	p4 =	por @!p0 p2, p2  }
0x183: {  	p3 =	por @!p1 $0x1, $0x1;
	p2 =	por @!p1 $0x0, $0x0;
	p0 =	por p4, p4  }
0x184: {  	p4 =	por @!p1 p3, p3;
	p0 =	por @!p1 p2, p2  }
0x185: {  	p1 =	por @!p6 $0x1, $0x1;
	p2 =	por @!p6 $0x0, $0x0;
	p3 =	por p0, p0  }
0x186: {  	p5 =	por p0, p0;
	p4 =	por @!p6 p1, p1;
	p3 =	por @!p6 p2, p2  }
0x187: {  	p5 =	por @!p6 p1, p1;
	p1 =	por p0, p0;
	s1 =	simm.s32 @!p3 $0x0  }
0x188: {  	p1 =	por @!p6 p2, p2;
	s1 =	simm.s32 @p3 $0x1  }
0x189: {  	[smem:$0x7FC] =	sst s1;
	s1 =	simm.s32 @!p1 $0x0  }
0x18a: {  	p3 =	por p0, p0;
	s1 =	simm.s32 @p1 $0x1  }
0x18b: {  	p0 =	por @!p6 p2, p2;
	p3 =	por @!p6 p2, p2;
	[smem:$0x7FD] =	sst s1  }
.LBB2_21:
0x18c: {  	_ =	swait.ge [sflag:s18], $0x80  }
0x18d: {  	[sflag:s18] =	ssyncset.done $0x0  }
0x18e: {  	[sflag:s18] =	ssyncadd.s32 $0xFFFFFF80  }
0x18f: {  	_ =	swait.ge [sflag:s18], $0x80  }
0x190: {  	[sflag:s18] =	ssyncset.done $0x0  }
0x191: {  	[sflag:s18] =	ssyncadd.s32 $0xFFFFFF80  }
0x192: {  	_ =	swait.ge [sflag:s18], $0x80  }
0x193: {  	[sflag:s18] =	ssyncset.done $0x0  }
0x194: {  	[sflag:s18] =	ssyncadd.s32 $0xFFFFFF80  }
0x195: {  	_ =	swait.ge [sflag:s18], $0x80  }
0x196: {  	[sflag:s18] =	ssyncset.done $0x0  }
0x197: {  	[sflag:s18] =	ssyncadd.s32 $0xFFFFFF80  }
0x198: {  	_ =	swait.ge [sflag:s18], $0x80  }
0x199: {  	[sflag:s18] =	ssyncset.done $0x0  }
0x19a: {  	[sflag:s18] =	ssyncadd.s32 $0xFFFFFF80  }
0x19b: {  	_ =	swait.ge [sflag:s18], $0x80  }
0x19c: {  	[sflag:s18] =	ssyncset.done $0x0  }
0x19d: {  	[sflag:s18] =	ssyncadd.s32 $0xFFFFFF80  }
0x19e: {  	_ =	swait.ge [sflag:s18], $0x80  }
0x19f: {  	[sflag:s18] =	ssyncset.done $0x0  }
0x1a0: {  	[sflag:s18] =	ssyncadd.s32 $0xFFFFFF80  }
0x1a1: {  	p1 =	sgt.u32 s8, $0x480;
	_ =	swait.ge [sflag:s18], $0x80  }
.Ltmp26:
0x1a2: {  	[sflag:s18] =	ssyncset.done $0x0;
	(pc) =	sbr.rel @!p1 .LBB2_39-.Ltmp26, $4  }
0x1a3: {  	[sflag:s18] =	ssyncadd.s32 $0xFFFFFF80  }
0x1a4: {  	_ =	swait.ge [sflag:s18], $0x80  }
0x1a5: {  	[sflag:s18] =	ssyncset.done $0x0  }
0x1a6: {  	[sflag:s18] =	ssyncadd.s32 $0xFFFFFF80  }
.Ltmp27:
0x1a7: {  	(pc) =	sbr.rel @p4 .LBB2_40-.Ltmp27, $4  }
0x1a8: {  	_ = 	snop  }
0x1a9: {  	_ =	swait.ge [sflag:s18], $0x80  }
0x1aa: {  	[sflag:s18] =	ssyncset.done $0x0  }
0x1ab: {  	[sflag:s18] =	ssyncadd.s32 $0xFFFFFF80  }
.LBB2_23:
.Ltmp28:
0x1ac: {  	(pc) =	sbr.rel @!p5 .LBB2_24-.Ltmp28, $1  }
0x1ad: {  	_ =	sdelay $0x3  }
.LBB2_41:
0x1ae: {  	_ =	swait.ge [sflag:s18], $0x80  }
0x1af: {  	s1 =	sld [smem:$0x7FD];
	_ =	sdelay $0x2  }
0x1b0: {  	p1 =	seq.s32 s1, $0x1  }
.Ltmp29:
0x1b1: {  	_ = 	snop;
	(pc) =	sbr.rel @p1 .LBB2_42-.Ltmp29, $3  }
0x1b2: {  	_ =	sdelay $0x1  }
0x1b3: {  	[sflag:s18] =	ssyncset.done $0x0  }
0x1b4: {  	[sflag:s18] =	ssyncadd.s32 $0xFFFFFF80  }
.LBB2_25:
.Ltmp30:
0x1b5: {  	(pc) =	sbr.rel @!p3 .LBB2_26-.Ltmp30, $1  }
0x1b6: {  	_ =	sdelay $0x3  }
.LBB2_43:
0x1b7: {  	_ =	swait.ge [sflag:s18], $0x80  }
0x1b8: {  	s1 =	sld [smem:$0x7FC];
	_ =	sdelay $0x2  }
0x1b9: {  	p1 =	seq.s32 s1, $0x1  }
.Ltmp31:
0x1ba: {  	_ = 	snop;
	(pc) =	sbr.rel @p1 .LBB2_44-.Ltmp31, $3  }
0x1bb: {  	_ =	sdelay $0x1  }
0x1bc: {  	[sflag:s18] =	ssyncset.done $0x0  }
0x1bd: {  	[sflag:s18] =	ssyncadd.s32 $0xFFFFFF80  }
.LBB2_27:
.Ltmp32:
0x1be: {  	(pc) =	sbr.rel @!p0 .LBB2_46-.Ltmp32, $4  }
.Ltmp33:
0x1bf: {  	(pc) =	sbr.rel @p0 .LBB2_45-.Ltmp33, $4  }
0x1c0: {  	_ = 	snop  }
0x1c1: {  	_ = 	snop  }
0x1c2: {  	_ = 	snop  }
0x1c3: {  	_ = 	snop  }
.LBB2_34:
.Ltmp34:
0x1c4: {  	(pc) =	sbr.rel @!p3 .LBB2_30-.Ltmp34, $1  }
0x1c5: {  	_ =	sdelay $0x3  }
.LBB2_35:
.Ltmp35:
0x1c6: {  	(pc) =	sbr.rel @p6 .LBB2_36-.Ltmp35, $4  }
0x1c7: {  	_ = 	snop  }
0x1c8: {  	_ =	swait.ge [sflag:s18], $0x80  }
0x1c9: {  	[sflag:s18] =	ssyncset.done $0x0  }
0x1ca: {  	[sflag:s18] =	ssyncadd.s32 $0xFFFFFF80  }
.LBB2_31:
.Ltmp36:
0x1cb: {  	(pc) =	sbr.rel @!p1 .LBB2_32-.Ltmp36, $1  }
0x1cc: {  	_ =	sdelay $0x3  }
.LBB2_37:
0x1cd: {  	_ =	swait.ge [sflag:s18], $0x80  }
0x1ce: {  	s1 =	sld [smem:$0x7FA];
	_ =	sdelay $0x2  }
0x1cf: {  	p0 =	seq.s32 s1, $0x1  }
.Ltmp37:
0x1d0: {  	_ = 	snop;
	(pc) =	sbr.rel @p0 .LBB2_38-.Ltmp37, $3  }
0x1d1: {  	_ =	sdelay $0x1  }
0x1d2: {  	[sflag:s18] =	ssyncset.done $0x0  }
0x1d3: {  	[sflag:s18] =	ssyncadd.s32 $0xFFFFFF80  }
.LBB2_33:
.Ltmp38:
0x1d4: {  	(pc) =	sbr.rel @p2 .LBB2_45-.Ltmp38, $4  }
.Ltmp39:
0x1d5: {  	(pc) =	sbr.rel @!p2 .LBB2_46-.Ltmp39, $4  }
0x1d6: {  	_ = 	snop  }
0x1d7: {  	_ = 	snop  }
0x1d8: {  	_ = 	snop  }
0x1d9: {  	_ = 	snop  }
.LBB2_39:
.Ltmp40:
0x1da: {  	(pc) =	sbr.rel @!p4 .LBB2_23-.Ltmp40, $1  }
0x1db: {  	_ =	sdelay $0x3  }
.LBB2_40:
.Ltmp41:
0x1dc: {  	(pc) =	sbr.rel @p5 .LBB2_41-.Ltmp41, $4  }
0x1dd: {  	_ = 	snop  }
0x1de: {  	_ =	swait.ge [sflag:s18], $0x80  }
0x1df: {  	[sflag:s18] =	ssyncset.done $0x0  }
0x1e0: {  	[sflag:s18] =	ssyncadd.s32 $0xFFFFFF80  }
.LBB2_24:
0x1e1: {  	s1 =	sld [smem:$0x7FD];
	_ =	sdelay $0x2  }
0x1e2: {  	p1 =	seq.s32 s1, $0x1  }
.Ltmp42:
0x1e3: {  	_ = 	snop;
	(pc) =	sbr.rel @!p1 .LBB2_25-.Ltmp42, $1  }
0x1e4: {  	_ =	sdelay $0x3  }
.LBB2_42:
.Ltmp43:
0x1e5: {  	(pc) =	sbr.rel @p3 .LBB2_43-.Ltmp43, $4  }
0x1e6: {  	_ = 	snop  }
0x1e7: {  	_ =	swait.ge [sflag:s18], $0x80  }
0x1e8: {  	[sflag:s18] =	ssyncset.done $0x0  }
0x1e9: {  	[sflag:s18] =	ssyncadd.s32 $0xFFFFFF80  }
.LBB2_26:
0x1ea: {  	s1 =	sld [smem:$0x7FC];
	_ =	sdelay $0x2  }
0x1eb: {  	p1 =	seq.s32 s1, $0x1  }
.Ltmp44:
0x1ec: {  	_ = 	snop;
	(pc) =	sbr.rel @!p1 .LBB2_27-.Ltmp44, $1  }
0x1ed: {  	_ =	sdelay $0x3  }
.LBB2_44:
.Ltmp45:
0x1ee: {  	(pc) =	sbr.rel @!p0 .LBB2_46-.Ltmp45, $4  }
.Ltmp46:
0x1ef: {  	(pc) =	sbr.rel @p0 .LBB2_45-.Ltmp46, $4  }
0x1f0: {  	_ =	swait.ge [sflag:s18], $0x80  }
0x1f1: {  	[sflag:s18] =	ssyncset.done $0x0  }
0x1f2: {  	[sflag:s18] =	ssyncadd.s32 $0xFFFFFF80  }
0x1f3: {  	_ = 	snop  }
.LBB2_47:
0x1f4: {  	_ =	sfence.sel $0x180000  }
0x1f5: {  	[bflag:$0x0] =	sbarrier.arrive $0xFFFF  }
0x1f6: {  	_ =	strace $0x90000047  }
0x1f7: {  	s0 =	stileid.u32;
	[bflag:$0x2] =	sbarrier.arrive $0xFFFF  }
0x1f8: {  	p0 =	sne.s32 s0, $0x0;
	s0 =	rddreg [dreg:$0x2]  }
0x1f9: {  	s0 =	sadd.s32 @!p0 $0x100000, s0  }
0x1fa: {  	[sflag:s0] =	ssyncadd.tile.s32 @!p0 $0x1;
	_ =	shalt  }
.Lfunc_end2:
_tile_overlayer_lowered:
.L_overlay_start_2:
0x1fb: {  	(tag) =	ssettag $0x2  }
0x1fc: {  	s0 =	rddreg [dreg:$0x0];
	s2 =	stileid.u32  }
0x1fd: {  	s1 =	rddreg [dreg:$0x1];
	p0 =	sne.s32 s2, $0x0  }
0x1fe: {  	s3 =	rddreg [dreg:$0x2];
	[bflag:$0x3] =	sbarrier.arrive $0xFFFF;
	s2 =	simm.s32 @!p0 $0x1C02  }
0x1ff: {  	[timem:s3], [sflag:s2] =	dma.local @!p0 [hbm:s0], s1  }
0x200: {  	s0 =	simm.s32 @!p0 $0x2  }
0x201: {  	_ =	swait.ge @!p0 [sflag:s0], s1  }
0x202: {  	s1 =	ssub.s32 @!p0 $0x0, s1;
	[sflag:s0] =	ssyncset.done @!p0 $0x0  }
0x203: {  	[sflag:s0] =	ssyncadd.s32 @!p0 s1  }
0x204: {  	[bflag:$0x3] =	sbarrier.arrive $0xFFFF  }
0x205: {  	_ =	shalt  }

</sc_bundles>
